<compile_context>
chip_gen: v7x
topology: tpu7x:2x2x1
jax: 0.10.2.dev20260603
libtpu: 0.0.44.dev20260713+nightly
codegen_flags: <defaults>
</compile_context>

<pallas_src>
import functools

import jax
import jax.numpy as jnp
from jax import lax
from jax.experimental import pallas as pl
from jax.experimental.pallas import tpu as pltpu
from jax.experimental.pallas import tpu_sc as plsc

N = 10000
E = 320000
D = 128

NC, NS = 2, 16
NW = NC * NS
CHUNK = 128
SCH = 20
NSCH = E // (CHUNK * SCH)
MAXS = 4
N_ACC = 10112
RPT = N_ACC // NS

_mesh = plsc.VectorSubcoreMesh(core_axis_name="c", subcore_axis_name="s")


def _worker_window(wid):
    sc0 = (wid * NSCH) // NW
    scnt = ((wid + 1) * NSCH) // NW - sc0
    return sc0, scnt


def _zero_acc(zbuf, acc, sid):
    nfull = RPT // CHUNK
    rem = RPT - nfull * CHUNK

    def _zero(j, _):
        pltpu.sync_copy(zbuf, acc.at[pl.ds(sid * RPT + j * CHUNK, CHUNK)])
        return 0
    lax.fori_loop(0, nfull, _zero, 0)
    if rem:
        pltpu.sync_copy(zbuf.at[pl.ds(0, rem)],
                        acc.at[pl.ds(sid * RPT + nfull * CHUNK, rem)])


DW = 16

@functools.partial(
    pl.kernel,
    out_type=jax.ShapeDtypeStruct((NC, N_ACC, DW), jnp.float32),
    mesh=_mesh,
    scratch_types=[
        pltpu.VMEM((MAXS, SCH, CHUNK), jnp.int32),
        pltpu.VMEM((CHUNK, DW), jnp.float32),
        pltpu.VMEM((CHUNK, DW), jnp.float32),
        pltpu.SemaphoreType.DMA,
        pltpu.SemaphoreType.DMA,
        pltpu.VMEM_SHARED((N_ACC, DW), jnp.float32),
    ],
)
def _sc_bincount(ei_hbm, deg_out, row_idx_v, ones_v, zeros_v, asem, isem,
                 deg_acc):
    cid = lax.axis_index("c")
    sid = lax.axis_index("s")
    wid = sid * NC + cid
    sc0, scnt = _worker_window(wid)
    nchunks = scnt * SCH

    def _load(k, _):
        pltpu.async_copy(ei_hbm.at[0, sc0 + k], row_idx_v.at[k], isem)
        return 0
    lax.fori_loop(0, scnt, _load, 0)

    def _fill(i, _):
        ones_v[i] = jnp.ones((DW,), jnp.float32)
        zeros_v[i] = jnp.zeros((DW,), jnp.float32)
        return 0
    lax.fori_loop(0, CHUNK, _fill, 0)

    _zero_acc(zeros_v, deg_acc, sid)

    def _ldwait(k, _):
        pltpu.make_async_copy(ei_hbm.at[0, sc0], row_idx_v.at[0], isem).wait()
        return 0
    lax.fori_loop(0, scnt, _ldwait, 0)
    plsc.subcore_barrier()

    def _accum(j, _):
        pltpu.async_copy(ones_v, deg_acc.at[row_idx_v.at[j // SCH, j % SCH]],
                         asem, add=True)
        return 0
    lax.fori_loop(0, nchunks, _accum, 0)

    def _drain(j, _):
        pltpu.make_async_copy(ones_v, deg_acc.at[row_idx_v.at[0, 0]],
                              asem).wait()
        return 0
    lax.fori_loop(0, nchunks, _drain, 0)
    plsc.subcore_barrier()

    pltpu.sync_copy(deg_acc.at[pl.ds(sid * RPT, RPT)],
                    deg_out.at[cid, pl.ds(sid * RPT, RPT)])


def _scale_mm_blk_body(dp_ref, x_ref, w_ref, o_ref):
    deg = dp_ref[0] + dp_ref[1]
    dis = lax.rsqrt(deg[:, :1])
    o_ref[...] = dis * jnp.dot(x_ref[...], w_ref[...],
                               preferred_element_type=jnp.float32)


def _scale_mm(dp, x, weight):
    blk = 1264
    return pl.pallas_call(
        _scale_mm_blk_body,
        grid=(N_ACC // blk,),
        in_specs=[
            pl.BlockSpec((NC, blk, DW), lambda i: (0, i, 0)),
            pl.BlockSpec((blk, D), lambda i: (i, 0)),
            pl.BlockSpec((D, D), lambda i: (0, 0)),
        ],
        out_specs=pl.BlockSpec((blk, D), lambda i: (i, 0)),
        out_shape=jax.ShapeDtypeStruct((N_ACC, D), jnp.float32),
    )(dp, x, weight)


@functools.partial(
    pl.kernel,
    out_type=jax.ShapeDtypeStruct((NC, N_ACC, D), jnp.float32),
    mesh=_mesh,
    scratch_types=[
        pltpu.VMEM((2, SCH, CHUNK), jnp.int32),
        pltpu.VMEM((2, SCH, CHUNK), jnp.int32),
        pltpu.VMEM((2, CHUNK, D), jnp.float32),
        pltpu.SemaphoreType.DMA,
        pltpu.SemaphoreType.DMA,
        pltpu.SemaphoreType.DMA,
        pltpu.VMEM_SHARED((N_ACC, D), jnp.float32),
    ],
)
def _sc_scatter(scaled_hbm, ei_hbm, out_hbm,
                row_idx_v, col_idx_v, rows_v, gsem, isem, ssem, acc):
    cid = lax.axis_index("c")
    sid = lax.axis_index("s")
    wid = sid * NC + cid
    sc0, scnt = _worker_window(wid)

    def _fill(k, _):
        for c in range(D // 16):
            rows_v[0, k, pl.ds(c * 16, 16)] = jnp.zeros((16,), jnp.float32)
        return 0
    lax.fori_loop(0, CHUNK, _fill, 0)

    nfull = RPT // CHUNK
    rem = RPT - nfull * CHUNK
    for j in range(nfull):
        pltpu.async_copy(rows_v.at[0],
                         acc.at[pl.ds(sid * RPT + j * CHUNK, CHUNK)], ssem)
    pltpu.async_copy(rows_v.at[0, pl.ds(0, rem)],
                     acc.at[pl.ds(sid * RPT + nfull * CHUNK, rem)], ssem)

    pltpu.sync_copy(ei_hbm.at[0, sc0], row_idx_v.at[0])
    pltpu.sync_copy(ei_hbm.at[1, sc0], col_idx_v.at[0])

    for j in range(nfull):
        pltpu.make_async_copy(
            rows_v.at[0], acc.at[pl.ds(sid * RPT, CHUNK)], ssem).wait()
    pltpu.make_async_copy(
        rows_v.at[0, pl.ds(0, rem)], acc.at[pl.ds(sid * RPT, rem)],
        ssem).wait()
    plsc.subcore_barrier()

    def _wait_gather(cbuf, k, rbuf):
        pltpu.make_async_copy(scaled_hbm.at[cbuf.at[k]], rbuf, gsem).wait()

    def _wait_scatter():
        pltpu.make_async_copy(rows_v.at[0], acc.at[row_idx_v.at[0, 0]],
                              ssem).wait()

    pltpu.async_copy(scaled_hbm.at[col_idx_v.at[0, 0]], rows_v.at[0], gsem)

    for s in range(MAXS):
        @pl.when(s < scnt)
        def _superchunk():
            rix, cix = row_idx_v.at[s % 2], col_idx_v.at[s % 2]

            @pl.when(s + 1 < scnt)
            def _prefetch_idx():
                pltpu.async_copy(ei_hbm.at[0, sc0 + s + 1],
                                 row_idx_v.at[(s + 1) % 2], isem)
                pltpu.async_copy(ei_hbm.at[1, sc0 + s + 1],
                                 col_idx_v.at[(s + 1) % 2], isem)

            def _chunk(k, _):
                if s == 0:
                    @pl.when(k > 0)
                    def _():
                        _wait_scatter()
                else:
                    _wait_scatter()
                pltpu.async_copy(scaled_hbm.at[cix.at[k + 1]],
                                 rows_v.at[(k + 1) % 2], gsem)
                _wait_gather(cix, k, rows_v.at[k % 2])
                pltpu.async_copy(rows_v.at[k % 2], acc.at[rix.at[k]], ssem,
                                 add=True)
                return 0
            lax.fori_loop(0, SCH - 1, _chunk, 0)

            _wait_scatter()

            @pl.when(s + 1 < scnt)
            def _fire_next():
                pltpu.make_async_copy(ei_hbm.at[0, sc0],
                                      row_idx_v.at[(s + 1) % 2], isem).wait()
                pltpu.make_async_copy(ei_hbm.at[1, sc0],
                                      col_idx_v.at[(s + 1) % 2], isem).wait()
                pltpu.async_copy(
                    scaled_hbm.at[col_idx_v.at[(s + 1) % 2, 0]],
                    rows_v.at[0], gsem)

            _wait_gather(cix, SCH - 1, rows_v.at[(SCH - 1) % 2])
            pltpu.async_copy(rows_v.at[(SCH - 1) % 2],
                             acc.at[rix.at[SCH - 1]], ssem, add=True)

    _wait_scatter()
    plsc.subcore_barrier()
    pltpu.sync_copy(acc.at[pl.ds(sid * RPT, RPT)],
                    out_hbm.at[cid, pl.ds(sid * RPT, RPT)])


def _final_body(dp_ref, ap_ref, b_ref, o_ref):
    deg = (dp_ref[0] + dp_ref[1])[:N, :1]
    dis = jnp.where(deg > 0, lax.rsqrt(deg), 0.0)
    o_ref[...] = dis * (ap_ref[0] + ap_ref[1])[:N] + b_ref[...]


def _finalize(dp, ap, bias2d):
    return pl.pallas_call(
        _final_body,
        out_shape=jax.ShapeDtypeStruct((N, D), jnp.float32),
    )(dp, ap, bias2d)


def kernel(x, edge_index, weight, bias):
    ei = edge_index.astype(jnp.int32).reshape(2, NSCH, SCH, CHUNK)

    dp = _sc_bincount(ei)
    scaled = _scale_mm(dp, x, weight)
    ap = _sc_scatter(scaled, ei)
    return _finalize(dp, ap, bias.reshape(1, D))

# --- scband reference (transcript-rebuilt; emitter-appended) ---
"""Pipeline reference for scband-gcnconv-58411555225969 (READ-ONLY COPY).

The authoritative reference and input builder live on the scoring server;
editing this copy changes nothing except your own understanding.
"""

import jax, jax.numpy as jnp
import numpy as np

N_NODES = 10000
N_EDGES = 320000
D_IN = 128
D_OUT = 128


def setup_inputs(seed: int = 0) -> dict:
    key = jax.random.key(seed)
    k_x, k_ei, k_w = jax.random.split(key, 3)
    x = jax.random.normal(k_x, (N_NODES, D_IN), dtype=jnp.float32)
    edge_index = jax.random.randint(k_ei, (2, N_EDGES), 0, N_NODES, dtype=jnp.int64)
    # Glorot-initialized weight, zero bias (matches reset_parameters)
    limit = float(np.sqrt(6.0 / (D_IN + D_OUT)))
    weight = jax.random.uniform(k_w, (D_IN, D_OUT), dtype=jnp.float32, minval=-limit, maxval=limit)
    bias = jnp.zeros((D_OUT,), dtype=jnp.float32)
    return {"x": x, "edge_index": edge_index, "weight": weight, "bias": bias}


def reference(x, edge_index, weight, bias):
    row = edge_index[0]
    col = edge_index[1]
    # deg = torch.bincount(row)
    deg = jnp.bincount(row, length=x.shape[0]).astype(x.dtype)
    # deg_inv_sqrt = deg.pow(-0.5)
    deg_inv_sqrt = deg ** -0.5
    # norm = deg_inv_sqrt[row] * deg_inv_sqrt[col]
    norm = deg_inv_sqrt[row] * deg_inv_sqrt[col]
    # support = torch.mm(x, self.weight)
    support = x @ weight
    # scatter-add loop: output[row[i]] += norm[i] * support[col[i]]
    messages = norm[:, None] * jnp.take(support, col, axis=0)
    output = jnp.zeros_like(support).at[row].add(messages)
    output = output + bias
    return output

if __name__ == "__main__":
    import jax
    _d = setup_inputs()
    print(jax.jit(kernel)(*tuple(_d.values())))

</pallas_src>

<mosaic_0001>
#map = affine_map<(d0, d1) -> (0, 0, 0, 0)>
#map1 = affine_map<(d0, d1) -> (0, 0, 0)>
module attributes {stable_mosaic.version = 14 : i64} {
  func.func @_sc_bincount(%arg0: i32, %arg1: i32, %arg2: memref<2x125x20x128xi32, #tpu.memory_space<hbm>>, %arg3: memref<2x10112x16xf32, #tpu.memory_space<hbm>>, %arg4: memref<4x20x128xi32, #tpu.memory_space<vmem>>, %arg5: memref<128x16xf32, #tpu.memory_space<vmem>>, %arg6: memref<128x16xf32, #tpu.memory_space<vmem>>, %arg7: memref<!tpu.dma_semaphore, #tpu.memory_space<semaphore_mem>>, %arg8: memref<!tpu.dma_semaphore, #tpu.memory_space<semaphore_mem>>, %arg9: memref<10112x16xf32, #tpu.memory_space<vmem_shared>>) attributes {dimension_semantics = [#tpu.dimension_semantics<core_parallel>, #tpu.dimension_semantics<subcore_parallel>], iteration_bounds = array<i64: 2, 16>, scalar_prefetch = 0 : i64, scratch_operands = 6 : i64, tpu.core_type = #tpu.core_type<sc_vector_subcore>, window_params = [{transform_indices = #map}, {transform_indices = #map1}]} {
    %mul3A = arith.constant 2 : i32
    %mul3A_0 = arith.muli %arg1, %mul3A : i32
    %add3A = arith.addi %mul3A_0, %arg0 : i32
    %mul3A_1 = arith.constant 125 : i32
    %mul3A_2 = arith.muli %add3A, %mul3A_1 : i32
    %jit3A = arith.constant 32 : i32
    %div3A = arith.divsi %mul3A_2, %jit3A : i32
    %sign3A = arith.constant 0 : i32
    %sign3A_3 = arith.cmpi sgt, %mul3A_2, %sign3A : i32
    %sign3A_4 = arith.extui %sign3A_3 : i1 to i32
    %sign3A_5 = arith.constant 0 : i32
    %sign3A_6 = arith.cmpi slt, %mul3A_2, %sign3A_5 : i32
    %sign3A_7 = arith.extui %sign3A_6 : i1 to i32
    %sign3A_8 = arith.subi %sign3A_4, %sign3A_7 : i32
    %sign3A_9 = arith.constant 0 : i32
    %sign3A_10 = arith.cmpi sgt, %jit3A, %sign3A_9 : i32
    %sign3A_11 = arith.extui %sign3A_10 : i1 to i32
    %sign3A_12 = arith.constant 0 : i32
    %sign3A_13 = arith.cmpi slt, %jit3A, %sign3A_12 : i32
    %sign3A_14 = arith.extui %sign3A_13 : i1 to i32
    %sign3A_15 = arith.subi %sign3A_11, %sign3A_14 : i32
    %ne3A = arith.cmpi ne, %sign3A_8, %sign3A_15 : i32
    %rem3A = arith.remsi %mul3A_2, %jit3A : i32
    %ne3A_16 = arith.constant 0 : i32
    %ne3A_17 = arith.cmpi ne, %rem3A, %ne3A_16 : i32
    %and3A = arith.andi %ne3A, %ne3A_17 : i1
    %sub3A = arith.constant 1 : i32
    %sub3A_18 = arith.subi %div3A, %sub3A : i32
    %select_n3A = arith.select %and3A, %sub3A_18, %div3A : i32
    %add3A_19 = arith.constant 1 : i32
    %add3A_20 = arith.addi %add3A, %add3A_19 : i32
    %mul3A_21 = arith.constant 125 : i32
    %mul3A_22 = arith.muli %add3A_20, %mul3A_21 : i32
    %jit3A_23 = arith.constant 32 : i32
    %div3A_24 = arith.divsi %mul3A_22, %jit3A_23 : i32
    %sign3A_25 = arith.constant 0 : i32
    %sign3A_26 = arith.cmpi sgt, %mul3A_22, %sign3A_25 : i32
    %sign3A_27 = arith.extui %sign3A_26 : i1 to i32
    %sign3A_28 = arith.constant 0 : i32
    %sign3A_29 = arith.cmpi slt, %mul3A_22, %sign3A_28 : i32
    %sign3A_30 = arith.extui %sign3A_29 : i1 to i32
    %sign3A_31 = arith.subi %sign3A_27, %sign3A_30 : i32
    %sign3A_32 = arith.constant 0 : i32
    %sign3A_33 = arith.cmpi sgt, %jit3A_23, %sign3A_32 : i32
    %sign3A_34 = arith.extui %sign3A_33 : i1 to i32
    %sign3A_35 = arith.constant 0 : i32
    %sign3A_36 = arith.cmpi slt, %jit3A_23, %sign3A_35 : i32
    %sign3A_37 = arith.extui %sign3A_36 : i1 to i32
    %sign3A_38 = arith.subi %sign3A_34, %sign3A_37 : i32
    %ne3A_39 = arith.cmpi ne, %sign3A_31, %sign3A_38 : i32
    %rem3A_40 = arith.remsi %mul3A_22, %jit3A_23 : i32
    %ne3A_41 = arith.constant 0 : i32
    %ne3A_42 = arith.cmpi ne, %rem3A_40, %ne3A_41 : i32
    %and3A_43 = arith.andi %ne3A_39, %ne3A_42 : i1
    %sub3A_44 = arith.constant 1 : i32
    %sub3A_45 = arith.subi %div3A_24, %sub3A_44 : i32
    %select_n3A_46 = arith.select %and3A_43, %sub3A_45, %div3A_24 : i32
    %sub3A_47 = arith.subi %select_n3A_46, %select_n3A : i32
    %mul3A_48 = arith.constant 20 : i32
    %mul3A_49 = arith.muli %sub3A_47, %mul3A_48 : i32
    %while3A = arith.constant 0 : i32
    %while3A_50 = arith.constant 0 : i32
    %while3A_51 = arith.subi %sub3A_47, %while3A : i32
    %while3A_52 = arith.addi %while3A, %while3A_51 : i32
    %while3A_53 = arith.constant 1 : i32
    %while3A_54 = arith.divsi %while3A_51, %while3A_53 : i32
    %while3A_55 = arith.muli %while3A_54, %while3A_53 : i32
    %while3A_56 = arith.addi %while3A, %while3A_55 : i32
    %while3A_57 = arith.constant 1 : i32
    %while3A_58 = scf.for %while3A_119 = %while3A to %while3A_56 step %while3A_57 iter_args(%while3A_120 = %while3A_50) -> (i32)  : i32 {
      %add3A_121 = arith.addi %select_n3A, %while3A_119 : i32
      %dma_start3A = arith.constant 0 : i32
      %dma_start3A_122 = arith.constant 0 : i32
      %dma_start3A_123 = arith.constant 0 : i32
      %dma_start3A_124 = tpu.memref_slice %arg4[%while3A_119, %dma_start3A_122, %dma_start3A_123] : memref<4x20x128xi32, #tpu.memory_space<vmem>> -> memref<1x20x128xi32, #tpu.memory_space<vmem>>
      %dma_start3A_125 = tpu.memref_squeeze %dma_start3A_124 : memref<1x20x128xi32, #tpu.memory_space<vmem>> -> memref<20x128xi32, #tpu.memory_space<vmem>>
      %dma_start3A_126 = arith.constant 0 : i32
      %dma_start3A_127 = arith.constant 0 : i32
      %dma_start3A_128 = tpu.memref_slice %arg2[%dma_start3A, %add3A_121, %dma_start3A_126, %dma_start3A_127] : memref<2x125x20x128xi32, #tpu.memory_space<hbm>> -> memref<1x1x20x128xi32, #tpu.memory_space<hbm>>
      %dma_start3A_129 = tpu.memref_squeeze %dma_start3A_128 : memref<1x1x20x128xi32, #tpu.memory_space<hbm>> -> memref<20x128xi32, #tpu.memory_space<hbm>>
      %dma_start3A_130 = arith.constant 0 : i32
      %dma_start3A_131 = arith.constant 0 : i32
      %dma_start3A_132 = tpu.memref_slice %arg4[%while3A_119, %dma_start3A_130, %dma_start3A_131] : memref<4x20x128xi32, #tpu.memory_space<vmem>> -> memref<1x20x128xi32, #tpu.memory_space<vmem>>
      %dma_start3A_133 = tpu.memref_squeeze %dma_start3A_132 : memref<1x20x128xi32, #tpu.memory_space<vmem>> -> memref<20x128xi32, #tpu.memory_space<vmem>>
      %dma_start3A_134 = arith.constant 0 : i32
      %dma_start3A_135 = arith.constant 0 : i32
      %dma_start3A_136 = tpu.memref_slice %arg2[%dma_start3A, %add3A_121, %dma_start3A_134, %dma_start3A_135] : memref<2x125x20x128xi32, #tpu.memory_space<hbm>> -> memref<1x1x20x128xi32, #tpu.memory_space<hbm>>
      %dma_start3A_137 = tpu.memref_squeeze %dma_start3A_136 : memref<1x1x20x128xi32, #tpu.memory_space<hbm>> -> memref<20x128xi32, #tpu.memory_space<hbm>>
      tpu.enqueue_dma source(%dma_start3A_137 : memref<20x128xi32, #tpu.memory_space<hbm>>) target(%dma_start3A_133 : memref<20x128xi32, #tpu.memory_space<vmem>>) target_semaphore(%arg8 : memref<!tpu.dma_semaphore, #tpu.memory_space<semaphore_mem>>)
      %while3A_138 = arith.constant 0 : i32
      scf.yield %while3A_138 : i32
    }
    %while3A_59 = arith.constant 1 : i32
    %while3A_60 = scf.for %while3A_119 = %while3A_56 to %while3A_52 step %while3A_59 iter_args(%while3A_120 = %while3A_58) -> (i32)  : i32 {
      %add3A_121 = arith.addi %select_n3A, %while3A_119 : i32
      %dma_start3A = arith.constant 0 : i32
      %dma_start3A_122 = arith.constant 0 : i32
      %dma_start3A_123 = arith.constant 0 : i32
      %dma_start3A_124 = tpu.memref_slice %arg4[%while3A_119, %dma_start3A_122, %dma_start3A_123] : memref<4x20x128xi32, #tpu.memory_space<vmem>> -> memref<1x20x128xi32, #tpu.memory_space<vmem>>
      %dma_start3A_125 = tpu.memref_squeeze %dma_start3A_124 : memref<1x20x128xi32, #tpu.memory_space<vmem>> -> memref<20x128xi32, #tpu.memory_space<vmem>>
      %dma_start3A_126 = arith.constant 0 : i32
      %dma_start3A_127 = arith.constant 0 : i32
      %dma_start3A_128 = tpu.memref_slice %arg2[%dma_start3A, %add3A_121, %dma_start3A_126, %dma_start3A_127] : memref<2x125x20x128xi32, #tpu.memory_space<hbm>> -> memref<1x1x20x128xi32, #tpu.memory_space<hbm>>
      %dma_start3A_129 = tpu.memref_squeeze %dma_start3A_128 : memref<1x1x20x128xi32, #tpu.memory_space<hbm>> -> memref<20x128xi32, #tpu.memory_space<hbm>>
      %dma_start3A_130 = arith.constant 0 : i32
      %dma_start3A_131 = arith.constant 0 : i32
      %dma_start3A_132 = tpu.memref_slice %arg4[%while3A_119, %dma_start3A_130, %dma_start3A_131] : memref<4x20x128xi32, #tpu.memory_space<vmem>> -> memref<1x20x128xi32, #tpu.memory_space<vmem>>
      %dma_start3A_133 = tpu.memref_squeeze %dma_start3A_132 : memref<1x20x128xi32, #tpu.memory_space<vmem>> -> memref<20x128xi32, #tpu.memory_space<vmem>>
      %dma_start3A_134 = arith.constant 0 : i32
      %dma_start3A_135 = arith.constant 0 : i32
      %dma_start3A_136 = tpu.memref_slice %arg2[%dma_start3A, %add3A_121, %dma_start3A_134, %dma_start3A_135] : memref<2x125x20x128xi32, #tpu.memory_space<hbm>> -> memref<1x1x20x128xi32, #tpu.memory_space<hbm>>
      %dma_start3A_137 = tpu.memref_squeeze %dma_start3A_136 : memref<1x1x20x128xi32, #tpu.memory_space<hbm>> -> memref<20x128xi32, #tpu.memory_space<hbm>>
      tpu.enqueue_dma source(%dma_start3A_137 : memref<20x128xi32, #tpu.memory_space<hbm>>) target(%dma_start3A_133 : memref<20x128xi32, #tpu.memory_space<vmem>>) target_semaphore(%arg8 : memref<!tpu.dma_semaphore, #tpu.memory_space<semaphore_mem>>)
      %while3A_138 = arith.constant 0 : i32
      scf.yield %while3A_138 : i32
    }
    %scan3A = arith.constant 0 : i32
    %scan3A_61 = arith.constant 0 : i32
    %scan3A_62 = arith.constant 128 : i32
    %scan3A_63 = arith.addi %scan3A_61, %scan3A_62 : i32
    %scan3A_64 = arith.constant 1 : i32
    %scan3A_65 = scf.for %scan3A_119 = %scan3A_61 to %scan3A_63 step %scan3A_64 iter_args(%scan3A_120 = %scan3A) -> (i32)  : i32 {
      %broadcast_in_dim3A = arith.constant 1.000000e+00 : f32
      %broadcast_in_dim3A_121 = vector.broadcast %broadcast_in_dim3A : f32 to vector<16xf32>
      %swap3A = arith.index_cast %scan3A_119 : i32 to index
      %swap3A_122 = arith.constant 0 : index
      %swap3A_123 = tpu.vector_load %arg5[%swap3A, %swap3A_122] {strides = array<i32>} : memref<128x16xf32, #tpu.memory_space<vmem>>, vector<1x16xf32>,
      %swap3A_124 = vector.shape_cast %swap3A_123 : vector<1x16xf32> to vector<16xf32>
      %swap3A_125 = vector.shape_cast %broadcast_in_dim3A_121 : vector<16xf32> to vector<1x16xf32>
      tpu.vector_store %arg5[%swap3A, %swap3A_122], %swap3A_125 {strides = array<i32>} : memref<128x16xf32, #tpu.memory_space<vmem>>, vector<1x16xf32>,
      %broadcast_in_dim3A_126 = arith.constant 0.000000e+00 : f32
      %broadcast_in_dim3A_127 = vector.broadcast %broadcast_in_dim3A_126 : f32 to vector<16xf32>
      %swap3A_128 = arith.index_cast %scan3A_119 : i32 to index
      %swap3A_129 = arith.constant 0 : index
      %swap3A_130 = tpu.vector_load %arg6[%swap3A_128, %swap3A_129] {strides = array<i32>} : memref<128x16xf32, #tpu.memory_space<vmem>>, vector<1x16xf32>,
      %swap3A_131 = vector.shape_cast %swap3A_130 : vector<1x16xf32> to vector<16xf32>
      %swap3A_132 = vector.shape_cast %broadcast_in_dim3A_127 : vector<16xf32> to vector<1x16xf32>
      tpu.vector_store %arg6[%swap3A_128, %swap3A_129], %swap3A_132 {strides = array<i32>} : memref<128x16xf32, #tpu.memory_space<vmem>>, vector<1x16xf32>,
      %scan3A_133 = arith.constant 0 : i32
      scf.yield %scan3A_133 : i32
    }
    %scan3A_66 = arith.constant 128 : i32
    %scan3A_67 = arith.constant 0 : i32
    %scan3A_68 = arith.constant 0 : i32
    %scan3A_69 = arith.constant 4 : i32
    %scan3A_70 = arith.addi %scan3A_68, %scan3A_69 : i32
    %scan3A_71 = arith.constant 1 : i32
    %scan3A_72 = scf.for %scan3A_119 = %scan3A_68 to %scan3A_70 step %scan3A_71 iter_args(%scan3A_120 = %scan3A_67) -> (i32)  : i32 {
      %mul3A_121 = arith.constant 632 : i32
      %mul3A_122 = arith.muli %arg1, %mul3A_121 : i32
      %mul3A_123 = arith.constant 128 : i32
      %mul3A_124 = arith.muli %scan3A_119, %mul3A_123 : i32
      %add3A_125 = arith.addi %mul3A_122, %mul3A_124 : i32
      "tpu.region"() ({
        %run_scoped3A = tpu.sem_alloc : memref<!tpu.dma_semaphore, #tpu.memory_space<semaphore_mem>>
        %dma_start3A = arith.constant 0 : i32
        %dma_start3A_127 = tpu.memref_slice %arg9[%add3A_125, %dma_start3A] : memref<10112x16xf32, #tpu.memory_space<vmem_shared>> -> memref<128x16xf32, #tpu.memory_space<vmem_shared>>
        %dma_start3A_128 = arith.constant 0 : i32
        %dma_start3A_129 = tpu.memref_slice %arg9[%add3A_125, %dma_start3A_128] : memref<10112x16xf32, #tpu.memory_space<vmem_shared>> -> memref<128x16xf32, #tpu.memory_space<vmem_shared>>
        tpu.enqueue_dma source(%arg6 : memref<128x16xf32, #tpu.memory_space<vmem>>) target(%dma_start3A_129 : memref<128x16xf32, #tpu.memory_space<vmem_shared>>) target_semaphore(%run_scoped3A : memref<!tpu.dma_semaphore, #tpu.memory_space<semaphore_mem>>)
        %dma_wait3A = arith.constant 0 : i32
        %dma_wait3A_130 = tpu.memref_slice %arg9[%add3A_125, %dma_wait3A] : memref<10112x16xf32, #tpu.memory_space<vmem_shared>> -> memref<128x16xf32, #tpu.memory_space<vmem_shared>>
        %dma_wait3A_131 = arith.constant 0 : i32
        %dma_wait3A_132 = tpu.memref_slice %arg9[%add3A_125, %dma_wait3A_131] : memref<10112x16xf32, #tpu.memory_space<vmem_shared>> -> memref<128x16xf32, #tpu.memory_space<vmem_shared>>
        tpu.wait_dma2 semaphore(%run_scoped3A : memref<!tpu.dma_semaphore, #tpu.memory_space<semaphore_mem>>) src(%arg6 : memref<128x16xf32, #tpu.memory_space<vmem>>) dst(%dma_wait3A_132 : memref<128x16xf32, #tpu.memory_space<vmem_shared>>)
        tpu.yield
      }) : () -> ()
      %scan3A_126 = arith.constant 0 : i32
      scf.yield %scan3A_126 : i32
    }
    %scan3A_73 = arith.constant 4 : i32
    %mul3A_74 = arith.constant 632 : i32
    %mul3A_75 = arith.muli %arg1, %mul3A_74 : i32
    %add3A_76 = arith.constant 512 : i32
    %add3A_77 = arith.addi %mul3A_75, %add3A_76 : i32
    "tpu.region"() ({
      %run_scoped3A = tpu.sem_alloc : memref<!tpu.dma_semaphore, #tpu.memory_space<semaphore_mem>>
      %dma_start3A = arith.constant 0 : i32
      %dma_start3A_119 = arith.constant 0 : i32
      %dma_start3A_120 = tpu.memref_slice %arg6[%dma_start3A, %dma_start3A_119] : memref<128x16xf32, #tpu.memory_space<vmem>> -> memref<120x16xf32, #tpu.memory_space<vmem>>
      %dma_start3A_121 = arith.constant 0 : i32
      %dma_start3A_122 = tpu.memref_slice %arg9[%add3A_77, %dma_start3A_121] : memref<10112x16xf32, #tpu.memory_space<vmem_shared>> -> memref<120x16xf32, #tpu.memory_space<vmem_shared>>
      %dma_start3A_123 = arith.constant 0 : i32
      %dma_start3A_124 = tpu.memref_slice %arg9[%add3A_77, %dma_start3A_123] : memref<10112x16xf32, #tpu.memory_space<vmem_shared>> -> memref<120x16xf32, #tpu.memory_space<vmem_shared>>
      %dma_start3A_125 = arith.constant 0 : i32
      %dma_start3A_126 = arith.constant 0 : i32
      %dma_start3A_127 = tpu.memref_slice %arg6[%dma_start3A_125, %dma_start3A_126] : memref<128x16xf32, #tpu.memory_space<vmem>> -> memref<120x16xf32, #tpu.memory_space<vmem>>
      tpu.enqueue_dma source(%dma_start3A_127 : memref<120x16xf32, #tpu.memory_space<vmem>>) target(%dma_start3A_124 : memref<120x16xf32, #tpu.memory_space<vmem_shared>>) target_semaphore(%run_scoped3A : memref<!tpu.dma_semaphore, #tpu.memory_space<semaphore_mem>>)
      %dma_wait3A = arith.constant 0 : i32
      %dma_wait3A_128 = arith.constant 0 : i32
      %dma_wait3A_129 = tpu.memref_slice %arg6[%dma_wait3A, %dma_wait3A_128] : memref<128x16xf32, #tpu.memory_space<vmem>> -> memref<120x16xf32, #tpu.memory_space<vmem>>
      %dma_wait3A_130 = arith.constant 0 : i32
      %dma_wait3A_131 = tpu.memref_slice %arg9[%add3A_77, %dma_wait3A_130] : memref<10112x16xf32, #tpu.memory_space<vmem_shared>> -> memref<120x16xf32, #tpu.memory_space<vmem_shared>>
      %dma_wait3A_132 = arith.constant 0 : i32
      %dma_wait3A_133 = tpu.memref_slice %arg9[%add3A_77, %dma_wait3A_132] : memref<10112x16xf32, #tpu.memory_space<vmem_shared>> -> memref<120x16xf32, #tpu.memory_space<vmem_shared>>
      %dma_wait3A_134 = arith.constant 0 : i32
      %dma_wait3A_135 = arith.constant 0 : i32
      %dma_wait3A_136 = tpu.memref_slice %arg6[%dma_wait3A_134, %dma_wait3A_135] : memref<128x16xf32, #tpu.memory_space<vmem>> -> memref<120x16xf32, #tpu.memory_space<vmem>>
      tpu.wait_dma2 semaphore(%run_scoped3A : memref<!tpu.dma_semaphore, #tpu.memory_space<semaphore_mem>>) src(%dma_wait3A_136 : memref<120x16xf32, #tpu.memory_space<vmem>>) dst(%dma_wait3A_133 : memref<120x16xf32, #tpu.memory_space<vmem_shared>>)
      tpu.yield
    }) : () -> ()
    %while3A_78 = arith.constant 0 : i32
    %while3A_79 = arith.constant 0 : i32
    %while3A_80 = arith.subi %sub3A_47, %while3A_78 : i32
    %while3A_81 = arith.addi %while3A_78, %while3A_80 : i32
    %while3A_82 = arith.constant 1 : i32
    %while3A_83 = arith.divsi %while3A_80, %while3A_82 : i32
    %while3A_84 = arith.muli %while3A_83, %while3A_82 : i32
    %while3A_85 = arith.addi %while3A_78, %while3A_84 : i32
    %while3A_86 = arith.constant 1 : i32
    %while3A_87 = scf.for %while3A_119 = %while3A_78 to %while3A_85 step %while3A_86 iter_args(%while3A_120 = %while3A_79) -> (i32)  : i32 {
      %dma_wait3A = arith.constant 0 : i32
      %dma_wait3A_121 = arith.constant 0 : i32
      %dma_wait3A_122 = arith.constant 0 : i32
      %dma_wait3A_123 = arith.constant 0 : i32
      %dma_wait3A_124 = tpu.memref_slice %arg4[%dma_wait3A_121, %dma_wait3A_122, %dma_wait3A_123] : memref<4x20x128xi32, #tpu.memory_space<vmem>> -> memref<1x20x128xi32, #tpu.memory_space<vmem>>
      %dma_wait3A_125 = tpu.memref_squeeze %dma_wait3A_124 : memref<1x20x128xi32, #tpu.memory_space<vmem>> -> memref<20x128xi32, #tpu.memory_space<vmem>>
      %dma_wait3A_126 = arith.constant 0 : i32
      %dma_wait3A_127 = arith.constant 0 : i32
      %dma_wait3A_128 = tpu.memref_slice %arg2[%dma_wait3A, %select_n3A, %dma_wait3A_126, %dma_wait3A_127] : memref<2x125x20x128xi32, #tpu.memory_space<hbm>> -> memref<1x1x20x128xi32, #tpu.memory_space<hbm>>
      %dma_wait3A_129 = tpu.memref_squeeze %dma_wait3A_128 : memref<1x1x20x128xi32, #tpu.memory_space<hbm>> -> memref<20x128xi32, #tpu.memory_space<hbm>>
      %dma_wait3A_130 = arith.constant 0 : i32
      %dma_wait3A_131 = arith.constant 0 : i32
      %dma_wait3A_132 = tpu.memref_slice %arg4[%dma_wait3A_121, %dma_wait3A_130, %dma_wait3A_131] : memref<4x20x128xi32, #tpu.memory_space<vmem>> -> memref<1x20x128xi32, #tpu.memory_space<vmem>>
      %dma_wait3A_133 = tpu.memref_squeeze %dma_wait3A_132 : memref<1x20x128xi32, #tpu.memory_space<vmem>> -> memref<20x128xi32, #tpu.memory_space<vmem>>
      %dma_wait3A_134 = arith.constant 0 : i32
      %dma_wait3A_135 = arith.constant 0 : i32
      %dma_wait3A_136 = tpu.memref_slice %arg2[%dma_wait3A, %select_n3A, %dma_wait3A_134, %dma_wait3A_135] : memref<2x125x20x128xi32, #tpu.memory_space<hbm>> -> memref<1x1x20x128xi32, #tpu.memory_space<hbm>>
      %dma_wait3A_137 = tpu.memref_squeeze %dma_wait3A_136 : memref<1x1x20x128xi32, #tpu.memory_space<hbm>> -> memref<20x128xi32, #tpu.memory_space<hbm>>
      tpu.wait_dma2 semaphore(%arg8 : memref<!tpu.dma_semaphore, #tpu.memory_space<semaphore_mem>>) src(%dma_wait3A_137 : memref<20x128xi32, #tpu.memory_space<hbm>>) dst(%dma_wait3A_133 : memref<20x128xi32, #tpu.memory_space<vmem>>)
      %while3A_138 = arith.constant 0 : i32
      scf.yield %while3A_138 : i32
    }
    %while3A_88 = arith.constant 1 : i32
    %while3A_89 = scf.for %while3A_119 = %while3A_85 to %while3A_81 step %while3A_88 iter_args(%while3A_120 = %while3A_87) -> (i32)  : i32 {
      %dma_wait3A = arith.constant 0 : i32
      %dma_wait3A_121 = arith.constant 0 : i32
      %dma_wait3A_122 = arith.constant 0 : i32
      %dma_wait3A_123 = arith.constant 0 : i32
      %dma_wait3A_124 = tpu.memref_slice %arg4[%dma_wait3A_121, %dma_wait3A_122, %dma_wait3A_123] : memref<4x20x128xi32, #tpu.memory_space<vmem>> -> memref<1x20x128xi32, #tpu.memory_space<vmem>>
      %dma_wait3A_125 = tpu.memref_squeeze %dma_wait3A_124 : memref<1x20x128xi32, #tpu.memory_space<vmem>> -> memref<20x128xi32, #tpu.memory_space<vmem>>
      %dma_wait3A_126 = arith.constant 0 : i32
      %dma_wait3A_127 = arith.constant 0 : i32
      %dma_wait3A_128 = tpu.memref_slice %arg2[%dma_wait3A, %select_n3A, %dma_wait3A_126, %dma_wait3A_127] : memref<2x125x20x128xi32, #tpu.memory_space<hbm>> -> memref<1x1x20x128xi32, #tpu.memory_space<hbm>>
      %dma_wait3A_129 = tpu.memref_squeeze %dma_wait3A_128 : memref<1x1x20x128xi32, #tpu.memory_space<hbm>> -> memref<20x128xi32, #tpu.memory_space<hbm>>
      %dma_wait3A_130 = arith.constant 0 : i32
      %dma_wait3A_131 = arith.constant 0 : i32
      %dma_wait3A_132 = tpu.memref_slice %arg4[%dma_wait3A_121, %dma_wait3A_130, %dma_wait3A_131] : memref<4x20x128xi32, #tpu.memory_space<vmem>> -> memref<1x20x128xi32, #tpu.memory_space<vmem>>
      %dma_wait3A_133 = tpu.memref_squeeze %dma_wait3A_132 : memref<1x20x128xi32, #tpu.memory_space<vmem>> -> memref<20x128xi32, #tpu.memory_space<vmem>>
      %dma_wait3A_134 = arith.constant 0 : i32
      %dma_wait3A_135 = arith.constant 0 : i32
      %dma_wait3A_136 = tpu.memref_slice %arg2[%dma_wait3A, %select_n3A, %dma_wait3A_134, %dma_wait3A_135] : memref<2x125x20x128xi32, #tpu.memory_space<hbm>> -> memref<1x1x20x128xi32, #tpu.memory_space<hbm>>
      %dma_wait3A_137 = tpu.memref_squeeze %dma_wait3A_136 : memref<1x1x20x128xi32, #tpu.memory_space<hbm>> -> memref<20x128xi32, #tpu.memory_space<hbm>>
      tpu.wait_dma2 semaphore(%arg8 : memref<!tpu.dma_semaphore, #tpu.memory_space<semaphore_mem>>) src(%dma_wait3A_137 : memref<20x128xi32, #tpu.memory_space<hbm>>) dst(%dma_wait3A_133 : memref<20x128xi32, #tpu.memory_space<vmem>>)
      %while3A_138 = arith.constant 0 : i32
      scf.yield %while3A_138 : i32
    }
    %barrier3A = arith.constant 0 : index
    tpu.barrier barrier_id(%barrier3A)
    %while3A_90 = arith.constant 0 : i32
    %while3A_91 = arith.constant 0 : i32
    %while3A_92 = arith.subi %mul3A_49, %while3A_90 : i32
    %while3A_93 = arith.addi %while3A_90, %while3A_92 : i32
    %while3A_94 = arith.constant 1 : i32
    %while3A_95 = arith.divsi %while3A_92, %while3A_94 : i32
    %while3A_96 = arith.muli %while3A_95, %while3A_94 : i32
    %while3A_97 = arith.addi %while3A_90, %while3A_96 : i32
    %while3A_98 = arith.constant 1 : i32
    %while3A_99 = scf.for %while3A_119 = %while3A_90 to %while3A_97 step %while3A_98 iter_args(%while3A_120 = %while3A_91) -> (i32)  : i32 {
      %jit3A_121 = arith.constant 20 : i32
      %div3A_122 = arith.divsi %while3A_119, %jit3A_121 : i32
      %sign3A_123 = arith.constant 0 : i32
      %sign3A_124 = arith.cmpi sgt, %while3A_119, %sign3A_123 : i32
      %sign3A_125 = arith.extui %sign3A_124 : i1 to i32
      %sign3A_126 = arith.constant 0 : i32
      %sign3A_127 = arith.cmpi slt, %while3A_119, %sign3A_126 : i32
      %sign3A_128 = arith.extui %sign3A_127 : i1 to i32
      %sign3A_129 = arith.subi %sign3A_125, %sign3A_128 : i32
      %sign3A_130 = arith.constant 0 : i32
      %sign3A_131 = arith.cmpi sgt, %jit3A_121, %sign3A_130 : i32
      %sign3A_132 = arith.extui %sign3A_131 : i1 to i32
      %sign3A_133 = arith.constant 0 : i32
      %sign3A_134 = arith.cmpi slt, %jit3A_121, %sign3A_133 : i32
      %sign3A_135 = arith.extui %sign3A_134 : i1 to i32
      %sign3A_136 = arith.subi %sign3A_132, %sign3A_135 : i32
      %ne3A_137 = arith.cmpi ne, %sign3A_129, %sign3A_136 : i32
      %rem3A_138 = arith.remsi %while3A_119, %jit3A_121 : i32
      %ne3A_139 = arith.constant 0 : i32
      %ne3A_140 = arith.cmpi ne, %rem3A_138, %ne3A_139 : i32
      %and3A_141 = arith.andi %ne3A_137, %ne3A_140 : i1
      %sub3A_142 = arith.constant 1 : i32
      %sub3A_143 = arith.subi %div3A_122, %sub3A_142 : i32
      %select_n3A_144 = arith.select %and3A_141, %sub3A_143, %div3A_122 : i32
      %jit3A_145 = arith.constant 20 : i32
      %eq3A = arith.constant 0 : i32
      %eq3A_146 = arith.cmpi eq, %jit3A_145, %eq3A : i32
      %jit3A_147 = arith.constant 1 : i32
      %select_n3A_148 = arith.select %eq3A_146, %jit3A_147, %jit3A_145 : i32
      %rem3A_149 = arith.remsi %while3A_119, %select_n3A_148 : i32
      %ne3A_150 = arith.constant 0 : i32
      %ne3A_151 = arith.cmpi ne, %rem3A_149, %ne3A_150 : i32
      %lt3A = arith.constant 0 : i32
      %lt3A_152 = arith.cmpi slt, %rem3A_149, %lt3A : i32
      %lt3A_153 = arith.constant 0 : i32
      %lt3A_154 = arith.cmpi slt, %select_n3A_148, %lt3A_153 : i32
      %ne3A_155 = arith.xori %lt3A_152, %lt3A_154 : i1
      %and3A_156 = arith.andi %ne3A_155, %ne3A_151 : i1
      %add3A_157 = arith.addi %rem3A_149, %select_n3A_148 : i32
      %select_n3A_158 = arith.select %and3A_156, %add3A_157, %rem3A_149 : i32
      %dma_start3A = arith.constant 0 : i32
      %dma_start3A_159 = tpu.memref_slice %arg4[%select_n3A_144, %select_n3A_158, %dma_start3A] : memref<4x20x128xi32, #tpu.memory_space<vmem>> -> memref<1x1x128xi32, #tpu.memory_space<vmem>>
      %dma_start3A_160 = tpu.memref_squeeze %dma_start3A_159 : memref<1x1x128xi32, #tpu.memory_space<vmem>> -> memref<128xi32, #tpu.memory_space<vmem>>
      %dma_start3A_161 = arith.constant 0 : i32
      %dma_start3A_162 = arith.constant 0 : i32
      %dma_start3A_163 = tpu.memref_slice %arg9[%dma_start3A_161, %dma_start3A_162] : memref<10112x16xf32, #tpu.memory_space<vmem_shared>> -> memref<10112x16xf32, #tpu.memory_space<vmem_shared>>
      tpu.enqueue_indirect_dma source(%arg5 : memref<128x16xf32, #tpu.memory_space<vmem>>) target(%dma_start3A_163 : memref<10112x16xf32, #tpu.memory_space<vmem_shared>>) offsets(%dma_start3A_160 : memref<128xi32, #tpu.memory_space<vmem>>) semaphore(%arg7 : memref<!tpu.dma_semaphore, #tpu.memory_space<semaphore_mem>>) {add = true}
      %while3A_164 = arith.constant 0 : i32
      scf.yield %while3A_164 : i32
    }
    %while3A_100 = arith.constant 1 : i32
    %while3A_101 = scf.for %while3A_119 = %while3A_97 to %while3A_93 step %while3A_100 iter_args(%while3A_120 = %while3A_99) -> (i32)  : i32 {
      %jit3A_121 = arith.constant 20 : i32
      %div3A_122 = arith.divsi %while3A_119, %jit3A_121 : i32
      %sign3A_123 = arith.constant 0 : i32
      %sign3A_124 = arith.cmpi sgt, %while3A_119, %sign3A_123 : i32
      %sign3A_125 = arith.extui %sign3A_124 : i1 to i32
      %sign3A_126 = arith.constant 0 : i32
      %sign3A_127 = arith.cmpi slt, %while3A_119, %sign3A_126 : i32
      %sign3A_128 = arith.extui %sign3A_127 : i1 to i32
      %sign3A_129 = arith.subi %sign3A_125, %sign3A_128 : i32
      %sign3A_130 = arith.constant 0 : i32
      %sign3A_131 = arith.cmpi sgt, %jit3A_121, %sign3A_130 : i32
      %sign3A_132 = arith.extui %sign3A_131 : i1 to i32
      %sign3A_133 = arith.constant 0 : i32
      %sign3A_134 = arith.cmpi slt, %jit3A_121, %sign3A_133 : i32
      %sign3A_135 = arith.extui %sign3A_134 : i1 to i32
      %sign3A_136 = arith.subi %sign3A_132, %sign3A_135 : i32
      %ne3A_137 = arith.cmpi ne, %sign3A_129, %sign3A_136 : i32
      %rem3A_138 = arith.remsi %while3A_119, %jit3A_121 : i32
      %ne3A_139 = arith.constant 0 : i32
      %ne3A_140 = arith.cmpi ne, %rem3A_138, %ne3A_139 : i32
      %and3A_141 = arith.andi %ne3A_137, %ne3A_140 : i1
      %sub3A_142 = arith.constant 1 : i32
      %sub3A_143 = arith.subi %div3A_122, %sub3A_142 : i32
      %select_n3A_144 = arith.select %and3A_141, %sub3A_143, %div3A_122 : i32
      %jit3A_145 = arith.constant 20 : i32
      %eq3A = arith.constant 0 : i32
      %eq3A_146 = arith.cmpi eq, %jit3A_145, %eq3A : i32
      %jit3A_147 = arith.constant 1 : i32
      %select_n3A_148 = arith.select %eq3A_146, %jit3A_147, %jit3A_145 : i32
      %rem3A_149 = arith.remsi %while3A_119, %select_n3A_148 : i32
      %ne3A_150 = arith.constant 0 : i32
      %ne3A_151 = arith.cmpi ne, %rem3A_149, %ne3A_150 : i32
      %lt3A = arith.constant 0 : i32
      %lt3A_152 = arith.cmpi slt, %rem3A_149, %lt3A : i32
      %lt3A_153 = arith.constant 0 : i32
      %lt3A_154 = arith.cmpi slt, %select_n3A_148, %lt3A_153 : i32
      %ne3A_155 = arith.xori %lt3A_152, %lt3A_154 : i1
      %and3A_156 = arith.andi %ne3A_155, %ne3A_151 : i1
      %add3A_157 = arith.addi %rem3A_149, %select_n3A_148 : i32
      %select_n3A_158 = arith.select %and3A_156, %add3A_157, %rem3A_149 : i32
      %dma_start3A = arith.constant 0 : i32
      %dma_start3A_159 = tpu.memref_slice %arg4[%select_n3A_144, %select_n3A_158, %dma_start3A] : memref<4x20x128xi32, #tpu.memory_space<vmem>> -> memref<1x1x128xi32, #tpu.memory_space<vmem>>
      %dma_start3A_160 = tpu.memref_squeeze %dma_start3A_159 : memref<1x1x128xi32, #tpu.memory_space<vmem>> -> memref<128xi32, #tpu.memory_space<vmem>>
      %dma_start3A_161 = arith.constant 0 : i32
      %dma_start3A_162 = arith.constant 0 : i32
      %dma_start3A_163 = tpu.memref_slice %arg9[%dma_start3A_161, %dma_start3A_162] : memref<10112x16xf32, #tpu.memory_space<vmem_shared>> -> memref<10112x16xf32, #tpu.memory_space<vmem_shared>>
      tpu.enqueue_indirect_dma source(%arg5 : memref<128x16xf32, #tpu.memory_space<vmem>>) target(%dma_start3A_163 : memref<10112x16xf32, #tpu.memory_space<vmem_shared>>) offsets(%dma_start3A_160 : memref<128xi32, #tpu.memory_space<vmem>>) semaphore(%arg7 : memref<!tpu.dma_semaphore, #tpu.memory_space<semaphore_mem>>) {add = true}
      %while3A_164 = arith.constant 0 : i32
      scf.yield %while3A_164 : i32
    }
    %while3A_102 = arith.constant 0 : i32
    %while3A_103 = arith.constant 0 : i32
    %while3A_104 = arith.subi %mul3A_49, %while3A_102 : i32
    %while3A_105 = arith.addi %while3A_102, %while3A_104 : i32
    %while3A_106 = arith.constant 1 : i32
    %while3A_107 = arith.divsi %while3A_104, %while3A_106 : i32
    %while3A_108 = arith.muli %while3A_107, %while3A_106 : i32
    %while3A_109 = arith.addi %while3A_102, %while3A_108 : i32
    %while3A_110 = arith.constant 1 : i32
    %while3A_111 = scf.for %while3A_119 = %while3A_102 to %while3A_109 step %while3A_110 iter_args(%while3A_120 = %while3A_103) -> (i32)  : i32 {
      %dma_wait3A = arith.constant 0 : i32
      %dma_wait3A_121 = arith.constant 0 : i32
      %dma_wait3A_122 = arith.constant 0 : i32
      %dma_wait3A_123 = tpu.memref_slice %arg4[%dma_wait3A, %dma_wait3A_121, %dma_wait3A_122] : memref<4x20x128xi32, #tpu.memory_space<vmem>> -> memref<1x1x128xi32, #tpu.memory_space<vmem>>
      %dma_wait3A_124 = tpu.memref_squeeze %dma_wait3A_123 : memref<1x1x128xi32, #tpu.memory_space<vmem>> -> memref<128xi32, #tpu.memory_space<vmem>>
      %dma_wait3A_125 = arith.constant 0 : i32
      %dma_wait3A_126 = arith.constant 0 : i32
      %dma_wait3A_127 = tpu.memref_slice %arg9[%dma_wait3A_125, %dma_wait3A_126] : memref<10112x16xf32, #tpu.memory_space<vmem_shared>> -> memref<10112x16xf32, #tpu.memory_space<vmem_shared>>
      tpu.wait_indirect_dma semaphore(%arg7 : memref<!tpu.dma_semaphore, #tpu.memory_space<semaphore_mem>>) src(%arg5 : memref<128x16xf32, #tpu.memory_space<vmem>>) dst(%dma_wait3A_127 : memref<10112x16xf32, #tpu.memory_space<vmem_shared>>)
      %while3A_128 = arith.constant 0 : i32
      scf.yield %while3A_128 : i32
    }
    %while3A_112 = arith.constant 1 : i32
    %while3A_113 = scf.for %while3A_119 = %while3A_109 to %while3A_105 step %while3A_112 iter_args(%while3A_120 = %while3A_111) -> (i32)  : i32 {
      %dma_wait3A = arith.constant 0 : i32
      %dma_wait3A_121 = arith.constant 0 : i32
      %dma_wait3A_122 = arith.constant 0 : i32
      %dma_wait3A_123 = tpu.memref_slice %arg4[%dma_wait3A, %dma_wait3A_121, %dma_wait3A_122] : memref<4x20x128xi32, #tpu.memory_space<vmem>> -> memref<1x1x128xi32, #tpu.memory_space<vmem>>
      %dma_wait3A_124 = tpu.memref_squeeze %dma_wait3A_123 : memref<1x1x128xi32, #tpu.memory_space<vmem>> -> memref<128xi32, #tpu.memory_space<vmem>>
      %dma_wait3A_125 = arith.constant 0 : i32
      %dma_wait3A_126 = arith.constant 0 : i32
      %dma_wait3A_127 = tpu.memref_slice %arg9[%dma_wait3A_125, %dma_wait3A_126] : memref<10112x16xf32, #tpu.memory_space<vmem_shared>> -> memref<10112x16xf32, #tpu.memory_space<vmem_shared>>
      tpu.wait_indirect_dma semaphore(%arg7 : memref<!tpu.dma_semaphore, #tpu.memory_space<semaphore_mem>>) src(%arg5 : memref<128x16xf32, #tpu.memory_space<vmem>>) dst(%dma_wait3A_127 : memref<10112x16xf32, #tpu.memory_space<vmem_shared>>)
      %while3A_128 = arith.constant 0 : i32
      scf.yield %while3A_128 : i32
    }
    %barrier3A_114 = arith.constant 0 : index
    tpu.barrier barrier_id(%barrier3A_114)
    %mul3A_115 = arith.constant 632 : i32
    %mul3A_116 = arith.muli %arg1, %mul3A_115 : i32
    %mul3A_117 = arith.constant 632 : i32
    %mul3A_118 = arith.muli %arg1, %mul3A_117 : i32
    "tpu.region"() ({
      %run_scoped3A = tpu.sem_alloc : memref<!tpu.dma_semaphore, #tpu.memory_space<semaphore_mem>>
      %dma_start3A = arith.constant 0 : i32
      %dma_start3A_119 = tpu.memref_slice %arg3[%arg0, %mul3A_118, %dma_start3A] : memref<2x10112x16xf32, #tpu.memory_space<hbm>> -> memref<1x632x16xf32, #tpu.memory_space<hbm>>
      %dma_start3A_120 = tpu.memref_squeeze %dma_start3A_119 : memref<1x632x16xf32, #tpu.memory_space<hbm>> -> memref<632x16xf32, #tpu.memory_space<hbm>>
      %dma_start3A_121 = arith.constant 0 : i32
      %dma_start3A_122 = tpu.memref_slice %arg9[%mul3A_116, %dma_start3A_121] : memref<10112x16xf32, #tpu.memory_space<vmem_shared>> -> memref<632x16xf32, #tpu.memory_space<vmem_shared>>
      tpu.enqueue_dma source(%dma_start3A_122 : memref<632x16xf32, #tpu.memory_space<vmem_shared>>) target(%dma_start3A_120 : memref<632x16xf32, #tpu.memory_space<hbm>>) target_semaphore(%run_scoped3A : memref<!tpu.dma_semaphore, #tpu.memory_space<semaphore_mem>>)
      %dma_wait3A = arith.constant 0 : i32
      %dma_wait3A_123 = tpu.memref_slice %arg3[%arg0, %mul3A_118, %dma_wait3A] : memref<2x10112x16xf32, #tpu.memory_space<hbm>> -> memref<1x632x16xf32, #tpu.memory_space<hbm>>
      %dma_wait3A_124 = tpu.memref_squeeze %dma_wait3A_123 : memref<1x632x16xf32, #tpu.memory_space<hbm>> -> memref<632x16xf32, #tpu.memory_space<hbm>>
      %dma_wait3A_125 = arith.constant 0 : i32
      %dma_wait3A_126 = tpu.memref_slice %arg9[%mul3A_116, %dma_wait3A_125] : memref<10112x16xf32, #tpu.memory_space<vmem_shared>> -> memref<632x16xf32, #tpu.memory_space<vmem_shared>>
      tpu.wait_dma2 semaphore(%run_scoped3A : memref<!tpu.dma_semaphore, #tpu.memory_space<semaphore_mem>>) src(%dma_wait3A_126 : memref<632x16xf32, #tpu.memory_space<vmem_shared>>) dst(%dma_wait3A_124 : memref<632x16xf32, #tpu.memory_space<hbm>>)
      tpu.yield
    }) : () -> ()
    return
  }
}

#map = affine_map<(d0, d1) -> (0, 0)>
#map1 = affine_map<(d0, d1) -> (0, 0, 0, 0)>
#map2 = affine_map<(d0, d1) -> (0, 0, 0)>
module attributes {stable_mosaic.version = 14 : i64} {
  func.func @_sc_scatter(%arg0: i32, %arg1: i32, %arg2: memref<10112x128xf32, #tpu.memory_space<hbm>>, %arg3: memref<2x125x20x128xi32, #tpu.memory_space<hbm>>, %arg4: memref<2x10112x128xf32, #tpu.memory_space<hbm>>, %arg5: memref<2x20x128xi32, #tpu.memory_space<vmem>>, %arg6: memref<2x20x128xi32, #tpu.memory_space<vmem>>, %arg7: memref<2x128x128xf32, #tpu.memory_space<vmem>>, %arg8: memref<!tpu.dma_semaphore, #tpu.memory_space<semaphore_mem>>, %arg9: memref<!tpu.dma_semaphore, #tpu.memory_space<semaphore_mem>>, %arg10: memref<!tpu.dma_semaphore, #tpu.memory_space<semaphore_mem>>, %arg11: memref<10112x128xf32, #tpu.memory_space<vmem_shared>>) attributes {dimension_semantics = [#tpu.dimension_semantics<core_parallel>, #tpu.dimension_semantics<subcore_parallel>], iteration_bounds = array<i64: 2, 16>, scalar_prefetch = 0 : i64, scratch_operands = 7 : i64, tpu.core_type = #tpu.core_type<sc_vector_subcore>, window_params = [{transform_indices = #map}, {transform_indices = #map1}, {transform_indices = #map2}]} {
    %mul3A = arith.constant 2 : i32
    %mul3A_0 = arith.muli %arg1, %mul3A : i32
    %add3A = arith.addi %mul3A_0, %arg0 : i32
    %mul3A_1 = arith.constant 125 : i32
    %mul3A_2 = arith.muli %add3A, %mul3A_1 : i32
    %jit3A = arith.constant 32 : i32
    %div3A = arith.divsi %mul3A_2, %jit3A : i32
    %sign3A = arith.constant 0 : i32
    %sign3A_3 = arith.cmpi sgt, %mul3A_2, %sign3A : i32
    %sign3A_4 = arith.extui %sign3A_3 : i1 to i32
    %sign3A_5 = arith.constant 0 : i32
    %sign3A_6 = arith.cmpi slt, %mul3A_2, %sign3A_5 : i32
    %sign3A_7 = arith.extui %sign3A_6 : i1 to i32
    %sign3A_8 = arith.subi %sign3A_4, %sign3A_7 : i32
    %sign3A_9 = arith.constant 0 : i32
    %sign3A_10 = arith.cmpi sgt, %jit3A, %sign3A_9 : i32
    %sign3A_11 = arith.extui %sign3A_10 : i1 to i32
    %sign3A_12 = arith.constant 0 : i32
    %sign3A_13 = arith.cmpi slt, %jit3A, %sign3A_12 : i32
    %sign3A_14 = arith.extui %sign3A_13 : i1 to i32
    %sign3A_15 = arith.subi %sign3A_11, %sign3A_14 : i32
    %ne3A = arith.cmpi ne, %sign3A_8, %sign3A_15 : i32
    %rem3A = arith.remsi %mul3A_2, %jit3A : i32
    %ne3A_16 = arith.constant 0 : i32
    %ne3A_17 = arith.cmpi ne, %rem3A, %ne3A_16 : i32
    %and3A = arith.andi %ne3A, %ne3A_17 : i1
    %sub3A = arith.constant 1 : i32
    %sub3A_18 = arith.subi %div3A, %sub3A : i32
    %select_n3A = arith.select %and3A, %sub3A_18, %div3A : i32
    %add3A_19 = arith.constant 1 : i32
    %add3A_20 = arith.addi %add3A, %add3A_19 : i32
    %mul3A_21 = arith.constant 125 : i32
    %mul3A_22 = arith.muli %add3A_20, %mul3A_21 : i32
    %jit3A_23 = arith.constant 32 : i32
    %div3A_24 = arith.divsi %mul3A_22, %jit3A_23 : i32
    %sign3A_25 = arith.constant 0 : i32
    %sign3A_26 = arith.cmpi sgt, %mul3A_22, %sign3A_25 : i32
    %sign3A_27 = arith.extui %sign3A_26 : i1 to i32
    %sign3A_28 = arith.constant 0 : i32
    %sign3A_29 = arith.cmpi slt, %mul3A_22, %sign3A_28 : i32
    %sign3A_30 = arith.extui %sign3A_29 : i1 to i32
    %sign3A_31 = arith.subi %sign3A_27, %sign3A_30 : i32
    %sign3A_32 = arith.constant 0 : i32
    %sign3A_33 = arith.cmpi sgt, %jit3A_23, %sign3A_32 : i32
    %sign3A_34 = arith.extui %sign3A_33 : i1 to i32
    %sign3A_35 = arith.constant 0 : i32
    %sign3A_36 = arith.cmpi slt, %jit3A_23, %sign3A_35 : i32
    %sign3A_37 = arith.extui %sign3A_36 : i1 to i32
    %sign3A_38 = arith.subi %sign3A_34, %sign3A_37 : i32
    %ne3A_39 = arith.cmpi ne, %sign3A_31, %sign3A_38 : i32
    %rem3A_40 = arith.remsi %mul3A_22, %jit3A_23 : i32
    %ne3A_41 = arith.constant 0 : i32
    %ne3A_42 = arith.cmpi ne, %rem3A_40, %ne3A_41 : i32
    %and3A_43 = arith.andi %ne3A_39, %ne3A_42 : i1
    %sub3A_44 = arith.constant 1 : i32
    %sub3A_45 = arith.subi %div3A_24, %sub3A_44 : i32
    %select_n3A_46 = arith.select %and3A_43, %sub3A_45, %div3A_24 : i32
    %sub3A_47 = arith.subi %select_n3A_46, %select_n3A : i32
    %scan3A = arith.constant 0 : i32
    %scan3A_48 = arith.constant 0 : i32
    %scan3A_49 = arith.constant 128 : i32
    %scan3A_50 = arith.addi %scan3A_48, %scan3A_49 : i32
    %scan3A_51 = arith.constant 1 : i32
    %scan3A_52 = scf.for %scan3A_263 = %scan3A_48 to %scan3A_50 step %scan3A_51 iter_args(%scan3A_264 = %scan3A) -> (i32)  : i32 {
      %broadcast_in_dim3A = arith.constant 0.000000e+00 : f32
      %broadcast_in_dim3A_265 = vector.broadcast %broadcast_in_dim3A : f32 to vector<16xf32>
      %swap3A = arith.constant 0 : i32
      %swap3A_266 = arith.index_cast %swap3A : i32 to index
      %swap3A_267 = arith.index_cast %scan3A_263 : i32 to index
      %swap3A_268 = arith.constant 0 : index
      %swap3A_269 = tpu.vector_load %arg7[%swap3A_266, %swap3A_267, %swap3A_268] {strides = array<i32>} : memref<2x128x128xf32, #tpu.memory_space<vmem>>, vector<1x1x16xf32>,
      %swap3A_270 = vector.shape_cast %swap3A_269 : vector<1x1x16xf32> to vector<16xf32>
      %swap3A_271 = vector.shape_cast %broadcast_in_dim3A_265 : vector<16xf32> to vector<1x1x16xf32>
      tpu.vector_store %arg7[%swap3A_266, %swap3A_267, %swap3A_268], %swap3A_271 {strides = array<i32>} : memref<2x128x128xf32, #tpu.memory_space<vmem>>, vector<1x1x16xf32>,
      %broadcast_in_dim3A_272 = arith.constant 0.000000e+00 : f32
      %broadcast_in_dim3A_273 = vector.broadcast %broadcast_in_dim3A_272 : f32 to vector<16xf32>
      %swap3A_274 = arith.constant 0 : i32
      %swap3A_275 = arith.index_cast %swap3A_274 : i32 to index
      %swap3A_276 = arith.index_cast %scan3A_263 : i32 to index
      %swap3A_277 = arith.constant 16 : index
      %swap3A_278 = tpu.vector_load %arg7[%swap3A_275, %swap3A_276, %swap3A_277] {strides = array<i32>} : memref<2x128x128xf32, #tpu.memory_space<vmem>>, vector<1x1x16xf32>,
      %swap3A_279 = vector.shape_cast %swap3A_278 : vector<1x1x16xf32> to vector<16xf32>
      %swap3A_280 = vector.shape_cast %broadcast_in_dim3A_273 : vector<16xf32> to vector<1x1x16xf32>
      tpu.vector_store %arg7[%swap3A_275, %swap3A_276, %swap3A_277], %swap3A_280 {strides = array<i32>} : memref<2x128x128xf32, #tpu.memory_space<vmem>>, vector<1x1x16xf32>,
      %broadcast_in_dim3A_281 = arith.constant 0.000000e+00 : f32
      %broadcast_in_dim3A_282 = vector.broadcast %broadcast_in_dim3A_281 : f32 to vector<16xf32>
      %swap3A_283 = arith.constant 0 : i32
      %swap3A_284 = arith.index_cast %swap3A_283 : i32 to index
      %swap3A_285 = arith.index_cast %scan3A_263 : i32 to index
      %swap3A_286 = arith.constant 32 : index
      %swap3A_287 = tpu.vector_load %arg7[%swap3A_284, %swap3A_285, %swap3A_286] {strides = array<i32>} : memref<2x128x128xf32, #tpu.memory_space<vmem>>, vector<1x1x16xf32>,
      %swap3A_288 = vector.shape_cast %swap3A_287 : vector<1x1x16xf32> to vector<16xf32>
      %swap3A_289 = vector.shape_cast %broadcast_in_dim3A_282 : vector<16xf32> to vector<1x1x16xf32>
      tpu.vector_store %arg7[%swap3A_284, %swap3A_285, %swap3A_286], %swap3A_289 {strides = array<i32>} : memref<2x128x128xf32, #tpu.memory_space<vmem>>, vector<1x1x16xf32>,
      %broadcast_in_dim3A_290 = arith.constant 0.000000e+00 : f32
      %broadcast_in_dim3A_291 = vector.broadcast %broadcast_in_dim3A_290 : f32 to vector<16xf32>
      %swap3A_292 = arith.constant 0 : i32
      %swap3A_293 = arith.index_cast %swap3A_292 : i32 to index
      %swap3A_294 = arith.index_cast %scan3A_263 : i32 to index
      %swap3A_295 = arith.constant 48 : index
      %swap3A_296 = tpu.vector_load %arg7[%swap3A_293, %swap3A_294, %swap3A_295] {strides = array<i32>} : memref<2x128x128xf32, #tpu.memory_space<vmem>>, vector<1x1x16xf32>,
      %swap3A_297 = vector.shape_cast %swap3A_296 : vector<1x1x16xf32> to vector<16xf32>
      %swap3A_298 = vector.shape_cast %broadcast_in_dim3A_291 : vector<16xf32> to vector<1x1x16xf32>
      tpu.vector_store %arg7[%swap3A_293, %swap3A_294, %swap3A_295], %swap3A_298 {strides = array<i32>} : memref<2x128x128xf32, #tpu.memory_space<vmem>>, vector<1x1x16xf32>,
      %broadcast_in_dim3A_299 = arith.constant 0.000000e+00 : f32
      %broadcast_in_dim3A_300 = vector.broadcast %broadcast_in_dim3A_299 : f32 to vector<16xf32>
      %swap3A_301 = arith.constant 0 : i32
      %swap3A_302 = arith.index_cast %swap3A_301 : i32 to index
      %swap3A_303 = arith.index_cast %scan3A_263 : i32 to index
      %swap3A_304 = arith.constant 64 : index
      %swap3A_305 = tpu.vector_load %arg7[%swap3A_302, %swap3A_303, %swap3A_304] {strides = array<i32>} : memref<2x128x128xf32, #tpu.memory_space<vmem>>, vector<1x1x16xf32>,
      %swap3A_306 = vector.shape_cast %swap3A_305 : vector<1x1x16xf32> to vector<16xf32>
      %swap3A_307 = vector.shape_cast %broadcast_in_dim3A_300 : vector<16xf32> to vector<1x1x16xf32>
      tpu.vector_store %arg7[%swap3A_302, %swap3A_303, %swap3A_304], %swap3A_307 {strides = array<i32>} : memref<2x128x128xf32, #tpu.memory_space<vmem>>, vector<1x1x16xf32>,
      %broadcast_in_dim3A_308 = arith.constant 0.000000e+00 : f32
      %broadcast_in_dim3A_309 = vector.broadcast %broadcast_in_dim3A_308 : f32 to vector<16xf32>
      %swap3A_310 = arith.constant 0 : i32
      %swap3A_311 = arith.index_cast %swap3A_310 : i32 to index
      %swap3A_312 = arith.index_cast %scan3A_263 : i32 to index
      %swap3A_313 = arith.constant 80 : index
      %swap3A_314 = tpu.vector_load %arg7[%swap3A_311, %swap3A_312, %swap3A_313] {strides = array<i32>} : memref<2x128x128xf32, #tpu.memory_space<vmem>>, vector<1x1x16xf32>,
      %swap3A_315 = vector.shape_cast %swap3A_314 : vector<1x1x16xf32> to vector<16xf32>
      %swap3A_316 = vector.shape_cast %broadcast_in_dim3A_309 : vector<16xf32> to vector<1x1x16xf32>
      tpu.vector_store %arg7[%swap3A_311, %swap3A_312, %swap3A_313], %swap3A_316 {strides = array<i32>} : memref<2x128x128xf32, #tpu.memory_space<vmem>>, vector<1x1x16xf32>,
      %broadcast_in_dim3A_317 = arith.constant 0.000000e+00 : f32
      %broadcast_in_dim3A_318 = vector.broadcast %broadcast_in_dim3A_317 : f32 to vector<16xf32>
      %swap3A_319 = arith.constant 0 : i32
      %swap3A_320 = arith.index_cast %swap3A_319 : i32 to index
      %swap3A_321 = arith.index_cast %scan3A_263 : i32 to index
      %swap3A_322 = arith.constant 96 : index
      %swap3A_323 = tpu.vector_load %arg7[%swap3A_320, %swap3A_321, %swap3A_322] {strides = array<i32>} : memref<2x128x128xf32, #tpu.memory_space<vmem>>, vector<1x1x16xf32>,
      %swap3A_324 = vector.shape_cast %swap3A_323 : vector<1x1x16xf32> to vector<16xf32>
      %swap3A_325 = vector.shape_cast %broadcast_in_dim3A_318 : vector<16xf32> to vector<1x1x16xf32>
      tpu.vector_store %arg7[%swap3A_320, %swap3A_321, %swap3A_322], %swap3A_325 {strides = array<i32>} : memref<2x128x128xf32, #tpu.memory_space<vmem>>, vector<1x1x16xf32>,
      %broadcast_in_dim3A_326 = arith.constant 0.000000e+00 : f32
      %broadcast_in_dim3A_327 = vector.broadcast %broadcast_in_dim3A_326 : f32 to vector<16xf32>
      %swap3A_328 = arith.constant 0 : i32
      %swap3A_329 = arith.index_cast %swap3A_328 : i32 to index
      %swap3A_330 = arith.index_cast %scan3A_263 : i32 to index
      %swap3A_331 = arith.constant 112 : index
      %swap3A_332 = tpu.vector_load %arg7[%swap3A_329, %swap3A_330, %swap3A_331] {strides = array<i32>} : memref<2x128x128xf32, #tpu.memory_space<vmem>>, vector<1x1x16xf32>,
      %swap3A_333 = vector.shape_cast %swap3A_332 : vector<1x1x16xf32> to vector<16xf32>
      %swap3A_334 = vector.shape_cast %broadcast_in_dim3A_327 : vector<16xf32> to vector<1x1x16xf32>
      tpu.vector_store %arg7[%swap3A_329, %swap3A_330, %swap3A_331], %swap3A_334 {strides = array<i32>} : memref<2x128x128xf32, #tpu.memory_space<vmem>>, vector<1x1x16xf32>,
      %scan3A_335 = arith.constant 0 : i32
      scf.yield %scan3A_335 : i32
    }
    %scan3A_53 = arith.constant 128 : i32
    %mul3A_54 = arith.constant 632 : i32
    %mul3A_55 = arith.muli %arg1, %mul3A_54 : i32
    %add3A_56 = arith.constant 0 : i32
    %add3A_57 = arith.addi %mul3A_55, %add3A_56 : i32
    %dma_start3A = arith.constant 0 : i32
    %dma_start3A_58 = arith.constant 0 : i32
    %dma_start3A_59 = arith.constant 0 : i32
    %dma_start3A_60 = tpu.memref_slice %arg7[%dma_start3A, %dma_start3A_58, %dma_start3A_59] : memref<2x128x128xf32, #tpu.memory_space<vmem>> -> memref<1x128x128xf32, #tpu.memory_space<vmem>>
    %dma_start3A_61 = tpu.memref_squeeze %dma_start3A_60 : memref<1x128x128xf32, #tpu.memory_space<vmem>> -> memref<128x128xf32, #tpu.memory_space<vmem>>
    %dma_start3A_62 = arith.constant 0 : i32
    %dma_start3A_63 = tpu.memref_slice %arg11[%add3A_57, %dma_start3A_62] : memref<10112x128xf32, #tpu.memory_space<vmem_shared>> -> memref<128x128xf32, #tpu.memory_space<vmem_shared>>
    %dma_start3A_64 = arith.constant 0 : i32
    %dma_start3A_65 = tpu.memref_slice %arg11[%add3A_57, %dma_start3A_64] : memref<10112x128xf32, #tpu.memory_space<vmem_shared>> -> memref<128x128xf32, #tpu.memory_space<vmem_shared>>
    %dma_start3A_66 = arith.constant 0 : i32
    %dma_start3A_67 = arith.constant 0 : i32
    %dma_start3A_68 = tpu.memref_slice %arg7[%dma_start3A, %dma_start3A_66, %dma_start3A_67] : memref<2x128x128xf32, #tpu.memory_space<vmem>> -> memref<1x128x128xf32, #tpu.memory_space<vmem>>
    %dma_start3A_69 = tpu.memref_squeeze %dma_start3A_68 : memref<1x128x128xf32, #tpu.memory_space<vmem>> -> memref<128x128xf32, #tpu.memory_space<vmem>>
    tpu.enqueue_dma source(%dma_start3A_69 : memref<128x128xf32, #tpu.memory_space<vmem>>) target(%dma_start3A_65 : memref<128x128xf32, #tpu.memory_space<vmem_shared>>) target_semaphore(%arg10 : memref<!tpu.dma_semaphore, #tpu.memory_space<semaphore_mem>>)
    %mul3A_70 = arith.constant 632 : i32
    %mul3A_71 = arith.muli %arg1, %mul3A_70 : i32
    %add3A_72 = arith.constant 128 : i32
    %add3A_73 = arith.addi %mul3A_71, %add3A_72 : i32
    %dma_start3A_74 = arith.constant 0 : i32
    %dma_start3A_75 = arith.constant 0 : i32
    %dma_start3A_76 = arith.constant 0 : i32
    %dma_start3A_77 = tpu.memref_slice %arg7[%dma_start3A_74, %dma_start3A_75, %dma_start3A_76] : memref<2x128x128xf32, #tpu.memory_space<vmem>> -> memref<1x128x128xf32, #tpu.memory_space<vmem>>
    %dma_start3A_78 = tpu.memref_squeeze %dma_start3A_77 : memref<1x128x128xf32, #tpu.memory_space<vmem>> -> memref<128x128xf32, #tpu.memory_space<vmem>>
    %dma_start3A_79 = arith.constant 0 : i32
    %dma_start3A_80 = tpu.memref_slice %arg11[%add3A_73, %dma_start3A_79] : memref<10112x128xf32, #tpu.memory_space<vmem_shared>> -> memref<128x128xf32, #tpu.memory_space<vmem_shared>>
    %dma_start3A_81 = arith.constant 0 : i32
    %dma_start3A_82 = tpu.memref_slice %arg11[%add3A_73, %dma_start3A_81] : memref<10112x128xf32, #tpu.memory_space<vmem_shared>> -> memref<128x128xf32, #tpu.memory_space<vmem_shared>>
    %dma_start3A_83 = arith.constant 0 : i32
    %dma_start3A_84 = arith.constant 0 : i32
    %dma_start3A_85 = tpu.memref_slice %arg7[%dma_start3A_74, %dma_start3A_83, %dma_start3A_84] : memref<2x128x128xf32, #tpu.memory_space<vmem>> -> memref<1x128x128xf32, #tpu.memory_space<vmem>>
    %dma_start3A_86 = tpu.memref_squeeze %dma_start3A_85 : memref<1x128x128xf32, #tpu.memory_space<vmem>> -> memref<128x128xf32, #tpu.memory_space<vmem>>
    tpu.enqueue_dma source(%dma_start3A_86 : memref<128x128xf32, #tpu.memory_space<vmem>>) target(%dma_start3A_82 : memref<128x128xf32, #tpu.memory_space<vmem_shared>>) target_semaphore(%arg10 : memref<!tpu.dma_semaphore, #tpu.memory_space<semaphore_mem>>)
    %mul3A_87 = arith.constant 632 : i32
    %mul3A_88 = arith.muli %arg1, %mul3A_87 : i32
    %add3A_89 = arith.constant 256 : i32
    %add3A_90 = arith.addi %mul3A_88, %add3A_89 : i32
    %dma_start3A_91 = arith.constant 0 : i32
    %dma_start3A_92 = arith.constant 0 : i32
    %dma_start3A_93 = arith.constant 0 : i32
    %dma_start3A_94 = tpu.memref_slice %arg7[%dma_start3A_91, %dma_start3A_92, %dma_start3A_93] : memref<2x128x128xf32, #tpu.memory_space<vmem>> -> memref<1x128x128xf32, #tpu.memory_space<vmem>>
    %dma_start3A_95 = tpu.memref_squeeze %dma_start3A_94 : memref<1x128x128xf32, #tpu.memory_space<vmem>> -> memref<128x128xf32, #tpu.memory_space<vmem>>
    %dma_start3A_96 = arith.constant 0 : i32
    %dma_start3A_97 = tpu.memref_slice %arg11[%add3A_90, %dma_start3A_96] : memref<10112x128xf32, #tpu.memory_space<vmem_shared>> -> memref<128x128xf32, #tpu.memory_space<vmem_shared>>
    %dma_start3A_98 = arith.constant 0 : i32
    %dma_start3A_99 = tpu.memref_slice %arg11[%add3A_90, %dma_start3A_98] : memref<10112x128xf32, #tpu.memory_space<vmem_shared>> -> memref<128x128xf32, #tpu.memory_space<vmem_shared>>
    %dma_start3A_100 = arith.constant 0 : i32
    %dma_start3A_101 = arith.constant 0 : i32
    %dma_start3A_102 = tpu.memref_slice %arg7[%dma_start3A_91, %dma_start3A_100, %dma_start3A_101] : memref<2x128x128xf32, #tpu.memory_space<vmem>> -> memref<1x128x128xf32, #tpu.memory_space<vmem>>
    %dma_start3A_103 = tpu.memref_squeeze %dma_start3A_102 : memref<1x128x128xf32, #tpu.memory_space<vmem>> -> memref<128x128xf32, #tpu.memory_space<vmem>>
    tpu.enqueue_dma source(%dma_start3A_103 : memref<128x128xf32, #tpu.memory_space<vmem>>) target(%dma_start3A_99 : memref<128x128xf32, #tpu.memory_space<vmem_shared>>) target_semaphore(%arg10 : memref<!tpu.dma_semaphore, #tpu.memory_space<semaphore_mem>>)
    %mul3A_104 = arith.constant 632 : i32
    %mul3A_105 = arith.muli %arg1, %mul3A_104 : i32
    %add3A_106 = arith.constant 384 : i32
    %add3A_107 = arith.addi %mul3A_105, %add3A_106 : i32
    %dma_start3A_108 = arith.constant 0 : i32
    %dma_start3A_109 = arith.constant 0 : i32
    %dma_start3A_110 = arith.constant 0 : i32
    %dma_start3A_111 = tpu.memref_slice %arg7[%dma_start3A_108, %dma_start3A_109, %dma_start3A_110] : memref<2x128x128xf32, #tpu.memory_space<vmem>> -> memref<1x128x128xf32, #tpu.memory_space<vmem>>
    %dma_start3A_112 = tpu.memref_squeeze %dma_start3A_111 : memref<1x128x128xf32, #tpu.memory_space<vmem>> -> memref<128x128xf32, #tpu.memory_space<vmem>>
    %dma_start3A_113 = arith.constant 0 : i32
    %dma_start3A_114 = tpu.memref_slice %arg11[%add3A_107, %dma_start3A_113] : memref<10112x128xf32, #tpu.memory_space<vmem_shared>> -> memref<128x128xf32, #tpu.memory_space<vmem_shared>>
    %dma_start3A_115 = arith.constant 0 : i32
    %dma_start3A_116 = tpu.memref_slice %arg11[%add3A_107, %dma_start3A_115] : memref<10112x128xf32, #tpu.memory_space<vmem_shared>> -> memref<128x128xf32, #tpu.memory_space<vmem_shared>>
    %dma_start3A_117 = arith.constant 0 : i32
    %dma_start3A_118 = arith.constant 0 : i32
    %dma_start3A_119 = tpu.memref_slice %arg7[%dma_start3A_108, %dma_start3A_117, %dma_start3A_118] : memref<2x128x128xf32, #tpu.memory_space<vmem>> -> memref<1x128x128xf32, #tpu.memory_space<vmem>>
    %dma_start3A_120 = tpu.memref_squeeze %dma_start3A_119 : memref<1x128x128xf32, #tpu.memory_space<vmem>> -> memref<128x128xf32, #tpu.memory_space<vmem>>
    tpu.enqueue_dma source(%dma_start3A_120 : memref<128x128xf32, #tpu.memory_space<vmem>>) target(%dma_start3A_116 : memref<128x128xf32, #tpu.memory_space<vmem_shared>>) target_semaphore(%arg10 : memref<!tpu.dma_semaphore, #tpu.memory_space<semaphore_mem>>)
    %mul3A_121 = arith.constant 632 : i32
    %mul3A_122 = arith.muli %arg1, %mul3A_121 : i32
    %add3A_123 = arith.constant 512 : i32
    %add3A_124 = arith.addi %mul3A_122, %add3A_123 : i32
    %dma_start3A_125 = arith.constant 0 : i32
    %dma_start3A_126 = arith.constant 0 : i32
    %dma_start3A_127 = arith.constant 0 : i32
    %dma_start3A_128 = tpu.memref_slice %arg7[%dma_start3A_125, %dma_start3A_126, %dma_start3A_127] : memref<2x128x128xf32, #tpu.memory_space<vmem>> -> memref<1x120x128xf32, #tpu.memory_space<vmem>>
    %dma_start3A_129 = tpu.memref_squeeze %dma_start3A_128 : memref<1x120x128xf32, #tpu.memory_space<vmem>> -> memref<120x128xf32, #tpu.memory_space<vmem>>
    %dma_start3A_130 = arith.constant 0 : i32
    %dma_start3A_131 = tpu.memref_slice %arg11[%add3A_124, %dma_start3A_130] : memref<10112x128xf32, #tpu.memory_space<vmem_shared>> -> memref<120x128xf32, #tpu.memory_space<vmem_shared>>
    %dma_start3A_132 = arith.constant 0 : i32
    %dma_start3A_133 = tpu.memref_slice %arg11[%add3A_124, %dma_start3A_132] : memref<10112x128xf32, #tpu.memory_space<vmem_shared>> -> memref<120x128xf32, #tpu.memory_space<vmem_shared>>
    %dma_start3A_134 = arith.constant 0 : i32
    %dma_start3A_135 = arith.constant 0 : i32
    %dma_start3A_136 = tpu.memref_slice %arg7[%dma_start3A_125, %dma_start3A_134, %dma_start3A_135] : memref<2x128x128xf32, #tpu.memory_space<vmem>> -> memref<1x120x128xf32, #tpu.memory_space<vmem>>
    %dma_start3A_137 = tpu.memref_squeeze %dma_start3A_136 : memref<1x120x128xf32, #tpu.memory_space<vmem>> -> memref<120x128xf32, #tpu.memory_space<vmem>>
    tpu.enqueue_dma source(%dma_start3A_137 : memref<120x128xf32, #tpu.memory_space<vmem>>) target(%dma_start3A_133 : memref<120x128xf32, #tpu.memory_space<vmem_shared>>) target_semaphore(%arg10 : memref<!tpu.dma_semaphore, #tpu.memory_space<semaphore_mem>>)
    %run_scoped3A = arith.constant 0 : i32
    %run_scoped3A_138 = arith.constant 0 : i32
    "tpu.region"() ({
      %run_scoped3A_263 = tpu.sem_alloc : memref<!tpu.dma_semaphore, #tpu.memory_space<semaphore_mem>>
      %dma_start3A_264 = arith.constant 0 : i32
      %dma_start3A_265 = arith.constant 0 : i32
      %dma_start3A_266 = tpu.memref_slice %arg5[%run_scoped3A_138, %dma_start3A_264, %dma_start3A_265] : memref<2x20x128xi32, #tpu.memory_space<vmem>> -> memref<1x20x128xi32, #tpu.memory_space<vmem>>
      %dma_start3A_267 = tpu.memref_squeeze %dma_start3A_266 : memref<1x20x128xi32, #tpu.memory_space<vmem>> -> memref<20x128xi32, #tpu.memory_space<vmem>>
      %dma_start3A_268 = arith.constant 0 : i32
      %dma_start3A_269 = arith.constant 0 : i32
      %dma_start3A_270 = tpu.memref_slice %arg3[%run_scoped3A, %select_n3A, %dma_start3A_268, %dma_start3A_269] : memref<2x125x20x128xi32, #tpu.memory_space<hbm>> -> memref<1x1x20x128xi32, #tpu.memory_space<hbm>>
      %dma_start3A_271 = tpu.memref_squeeze %dma_start3A_270 : memref<1x1x20x128xi32, #tpu.memory_space<hbm>> -> memref<20x128xi32, #tpu.memory_space<hbm>>
      %dma_start3A_272 = arith.constant 0 : i32
      %dma_start3A_273 = arith.constant 0 : i32
      %dma_start3A_274 = tpu.memref_slice %arg5[%run_scoped3A_138, %dma_start3A_272, %dma_start3A_273] : memref<2x20x128xi32, #tpu.memory_space<vmem>> -> memref<1x20x128xi32, #tpu.memory_space<vmem>>
      %dma_start3A_275 = tpu.memref_squeeze %dma_start3A_274 : memref<1x20x128xi32, #tpu.memory_space<vmem>> -> memref<20x128xi32, #tpu.memory_space<vmem>>
      %dma_start3A_276 = arith.constant 0 : i32
      %dma_start3A_277 = arith.constant 0 : i32
      %dma_start3A_278 = tpu.memref_slice %arg3[%run_scoped3A, %select_n3A, %dma_start3A_276, %dma_start3A_277] : memref<2x125x20x128xi32, #tpu.memory_space<hbm>> -> memref<1x1x20x128xi32, #tpu.memory_space<hbm>>
      %dma_start3A_279 = tpu.memref_squeeze %dma_start3A_278 : memref<1x1x20x128xi32, #tpu.memory_space<hbm>> -> memref<20x128xi32, #tpu.memory_space<hbm>>
      tpu.enqueue_dma source(%dma_start3A_279 : memref<20x128xi32, #tpu.memory_space<hbm>>) target(%dma_start3A_275 : memref<20x128xi32, #tpu.memory_space<vmem>>) target_semaphore(%run_scoped3A_263 : memref<!tpu.dma_semaphore, #tpu.memory_space<semaphore_mem>>)
      %dma_wait3A_280 = arith.constant 0 : i32
      %dma_wait3A_281 = arith.constant 0 : i32
      %dma_wait3A_282 = tpu.memref_slice %arg5[%run_scoped3A_138, %dma_wait3A_280, %dma_wait3A_281] : memref<2x20x128xi32, #tpu.memory_space<vmem>> -> memref<1x20x128xi32, #tpu.memory_space<vmem>>
      %dma_wait3A_283 = tpu.memref_squeeze %dma_wait3A_282 : memref<1x20x128xi32, #tpu.memory_space<vmem>> -> memref<20x128xi32, #tpu.memory_space<vmem>>
      %dma_wait3A_284 = arith.constant 0 : i32
      %dma_wait3A_285 = arith.constant 0 : i32
      %dma_wait3A_286 = tpu.memref_slice %arg3[%run_scoped3A, %select_n3A, %dma_wait3A_284, %dma_wait3A_285] : memref<2x125x20x128xi32, #tpu.memory_space<hbm>> -> memref<1x1x20x128xi32, #tpu.memory_space<hbm>>
      %dma_wait3A_287 = tpu.memref_squeeze %dma_wait3A_286 : memref<1x1x20x128xi32, #tpu.memory_space<hbm>> -> memref<20x128xi32, #tpu.memory_space<hbm>>
      %dma_wait3A_288 = arith.constant 0 : i32
      %dma_wait3A_289 = arith.constant 0 : i32
      %dma_wait3A_290 = tpu.memref_slice %arg5[%run_scoped3A_138, %dma_wait3A_288, %dma_wait3A_289] : memref<2x20x128xi32, #tpu.memory_space<vmem>> -> memref<1x20x128xi32, #tpu.memory_space<vmem>>
      %dma_wait3A_291 = tpu.memref_squeeze %dma_wait3A_290 : memref<1x20x128xi32, #tpu.memory_space<vmem>> -> memref<20x128xi32, #tpu.memory_space<vmem>>
      %dma_wait3A_292 = arith.constant 0 : i32
      %dma_wait3A_293 = arith.constant 0 : i32
      %dma_wait3A_294 = tpu.memref_slice %arg3[%run_scoped3A, %select_n3A, %dma_wait3A_292, %dma_wait3A_293] : memref<2x125x20x128xi32, #tpu.memory_space<hbm>> -> memref<1x1x20x128xi32, #tpu.memory_space<hbm>>
      %dma_wait3A_295 = tpu.memref_squeeze %dma_wait3A_294 : memref<1x1x20x128xi32, #tpu.memory_space<hbm>> -> memref<20x128xi32, #tpu.memory_space<hbm>>
      tpu.wait_dma2 semaphore(%run_scoped3A_263 : memref<!tpu.dma_semaphore, #tpu.memory_space<semaphore_mem>>) src(%dma_wait3A_295 : memref<20x128xi32, #tpu.memory_space<hbm>>) dst(%dma_wait3A_291 : memref<20x128xi32, #tpu.memory_space<vmem>>)
      tpu.yield
    }) : () -> ()
    %run_scoped3A_139 = arith.constant 1 : i32
    %run_scoped3A_140 = arith.constant 0 : i32
    "tpu.region"() ({
      %run_scoped3A_263 = tpu.sem_alloc : memref<!tpu.dma_semaphore, #tpu.memory_space<semaphore_mem>>
      %dma_start3A_264 = arith.constant 0 : i32
      %dma_start3A_265 = arith.constant 0 : i32
      %dma_start3A_266 = tpu.memref_slice %arg6[%run_scoped3A_140, %dma_start3A_264, %dma_start3A_265] : memref<2x20x128xi32, #tpu.memory_space<vmem>> -> memref<1x20x128xi32, #tpu.memory_space<vmem>>
      %dma_start3A_267 = tpu.memref_squeeze %dma_start3A_266 : memref<1x20x128xi32, #tpu.memory_space<vmem>> -> memref<20x128xi32, #tpu.memory_space<vmem>>
      %dma_start3A_268 = arith.constant 0 : i32
      %dma_start3A_269 = arith.constant 0 : i32
      %dma_start3A_270 = tpu.memref_slice %arg3[%run_scoped3A_139, %select_n3A, %dma_start3A_268, %dma_start3A_269] : memref<2x125x20x128xi32, #tpu.memory_space<hbm>> -> memref<1x1x20x128xi32, #tpu.memory_space<hbm>>
      %dma_start3A_271 = tpu.memref_squeeze %dma_start3A_270 : memref<1x1x20x128xi32, #tpu.memory_space<hbm>> -> memref<20x128xi32, #tpu.memory_space<hbm>>
      %dma_start3A_272 = arith.constant 0 : i32
      %dma_start3A_273 = arith.constant 0 : i32
      %dma_start3A_274 = tpu.memref_slice %arg6[%run_scoped3A_140, %dma_start3A_272, %dma_start3A_273] : memref<2x20x128xi32, #tpu.memory_space<vmem>> -> memref<1x20x128xi32, #tpu.memory_space<vmem>>
      %dma_start3A_275 = tpu.memref_squeeze %dma_start3A_274 : memref<1x20x128xi32, #tpu.memory_space<vmem>> -> memref<20x128xi32, #tpu.memory_space<vmem>>
      %dma_start3A_276 = arith.constant 0 : i32
      %dma_start3A_277 = arith.constant 0 : i32
      %dma_start3A_278 = tpu.memref_slice %arg3[%run_scoped3A_139, %select_n3A, %dma_start3A_276, %dma_start3A_277] : memref<2x125x20x128xi32, #tpu.memory_space<hbm>> -> memref<1x1x20x128xi32, #tpu.memory_space<hbm>>
      %dma_start3A_279 = tpu.memref_squeeze %dma_start3A_278 : memref<1x1x20x128xi32, #tpu.memory_space<hbm>> -> memref<20x128xi32, #tpu.memory_space<hbm>>
      tpu.enqueue_dma source(%dma_start3A_279 : memref<20x128xi32, #tpu.memory_space<hbm>>) target(%dma_start3A_275 : memref<20x128xi32, #tpu.memory_space<vmem>>) target_semaphore(%run_scoped3A_263 : memref<!tpu.dma_semaphore, #tpu.memory_space<semaphore_mem>>)
      %dma_wait3A_280 = arith.constant 0 : i32
      %dma_wait3A_281 = arith.constant 0 : i32
      %dma_wait3A_282 = tpu.memref_slice %arg6[%run_scoped3A_140, %dma_wait3A_280, %dma_wait3A_281] : memref<2x20x128xi32, #tpu.memory_space<vmem>> -> memref<1x20x128xi32, #tpu.memory_space<vmem>>
      %dma_wait3A_283 = tpu.memref_squeeze %dma_wait3A_282 : memref<1x20x128xi32, #tpu.memory_space<vmem>> -> memref<20x128xi32, #tpu.memory_space<vmem>>
      %dma_wait3A_284 = arith.constant 0 : i32
      %dma_wait3A_285 = arith.constant 0 : i32
      %dma_wait3A_286 = tpu.memref_slice %arg3[%run_scoped3A_139, %select_n3A, %dma_wait3A_284, %dma_wait3A_285] : memref<2x125x20x128xi32, #tpu.memory_space<hbm>> -> memref<1x1x20x128xi32, #tpu.memory_space<hbm>>
      %dma_wait3A_287 = tpu.memref_squeeze %dma_wait3A_286 : memref<1x1x20x128xi32, #tpu.memory_space<hbm>> -> memref<20x128xi32, #tpu.memory_space<hbm>>
      %dma_wait3A_288 = arith.constant 0 : i32
      %dma_wait3A_289 = arith.constant 0 : i32
      %dma_wait3A_290 = tpu.memref_slice %arg6[%run_scoped3A_140, %dma_wait3A_288, %dma_wait3A_289] : memref<2x20x128xi32, #tpu.memory_space<vmem>> -> memref<1x20x128xi32, #tpu.memory_space<vmem>>
      %dma_wait3A_291 = tpu.memref_squeeze %dma_wait3A_290 : memref<1x20x128xi32, #tpu.memory_space<vmem>> -> memref<20x128xi32, #tpu.memory_space<vmem>>
      %dma_wait3A_292 = arith.constant 0 : i32
      %dma_wait3A_293 = arith.constant 0 : i32
      %dma_wait3A_294 = tpu.memref_slice %arg3[%run_scoped3A_139, %select_n3A, %dma_wait3A_292, %dma_wait3A_293] : memref<2x125x20x128xi32, #tpu.memory_space<hbm>> -> memref<1x1x20x128xi32, #tpu.memory_space<hbm>>
      %dma_wait3A_295 = tpu.memref_squeeze %dma_wait3A_294 : memref<1x1x20x128xi32, #tpu.memory_space<hbm>> -> memref<20x128xi32, #tpu.memory_space<hbm>>
      tpu.wait_dma2 semaphore(%run_scoped3A_263 : memref<!tpu.dma_semaphore, #tpu.memory_space<semaphore_mem>>) src(%dma_wait3A_295 : memref<20x128xi32, #tpu.memory_space<hbm>>) dst(%dma_wait3A_291 : memref<20x128xi32, #tpu.memory_space<vmem>>)
      tpu.yield
    }) : () -> ()
    %mul3A_141 = arith.constant 632 : i32
    %mul3A_142 = arith.muli %arg1, %mul3A_141 : i32
    %dma_wait3A = arith.constant 0 : i32
    %dma_wait3A_143 = arith.constant 0 : i32
    %dma_wait3A_144 = arith.constant 0 : i32
    %dma_wait3A_145 = tpu.memref_slice %arg7[%dma_wait3A, %dma_wait3A_143, %dma_wait3A_144] : memref<2x128x128xf32, #tpu.memory_space<vmem>> -> memref<1x128x128xf32, #tpu.memory_space<vmem>>
    %dma_wait3A_146 = tpu.memref_squeeze %dma_wait3A_145 : memref<1x128x128xf32, #tpu.memory_space<vmem>> -> memref<128x128xf32, #tpu.memory_space<vmem>>
    %dma_wait3A_147 = arith.constant 0 : i32
    %dma_wait3A_148 = tpu.memref_slice %arg11[%mul3A_142, %dma_wait3A_147] : memref<10112x128xf32, #tpu.memory_space<vmem_shared>> -> memref<128x128xf32, #tpu.memory_space<vmem_shared>>
    %dma_wait3A_149 = arith.constant 0 : i32
    %dma_wait3A_150 = tpu.memref_slice %arg11[%mul3A_142, %dma_wait3A_149] : memref<10112x128xf32, #tpu.memory_space<vmem_shared>> -> memref<128x128xf32, #tpu.memory_space<vmem_shared>>
    %dma_wait3A_151 = arith.constant 0 : i32
    %dma_wait3A_152 = arith.constant 0 : i32
    %dma_wait3A_153 = tpu.memref_slice %arg7[%dma_wait3A, %dma_wait3A_151, %dma_wait3A_152] : memref<2x128x128xf32, #tpu.memory_space<vmem>> -> memref<1x128x128xf32, #tpu.memory_space<vmem>>
    %dma_wait3A_154 = tpu.memref_squeeze %dma_wait3A_153 : memref<1x128x128xf32, #tpu.memory_space<vmem>> -> memref<128x128xf32, #tpu.memory_space<vmem>>
    tpu.wait_dma2 semaphore(%arg10 : memref<!tpu.dma_semaphore, #tpu.memory_space<semaphore_mem>>) src(%dma_wait3A_154 : memref<128x128xf32, #tpu.memory_space<vmem>>) dst(%dma_wait3A_150 : memref<128x128xf32, #tpu.memory_space<vmem_shared>>)
    %mul3A_155 = arith.constant 632 : i32
    %mul3A_156 = arith.muli %arg1, %mul3A_155 : i32
    %dma_wait3A_157 = arith.constant 0 : i32
    %dma_wait3A_158 = arith.constant 0 : i32
    %dma_wait3A_159 = arith.constant 0 : i32
    %dma_wait3A_160 = tpu.memref_slice %arg7[%dma_wait3A_157, %dma_wait3A_158, %dma_wait3A_159] : memref<2x128x128xf32, #tpu.memory_space<vmem>> -> memref<1x128x128xf32, #tpu.memory_space<vmem>>
    %dma_wait3A_161 = tpu.memref_squeeze %dma_wait3A_160 : memref<1x128x128xf32, #tpu.memory_space<vmem>> -> memref<128x128xf32, #tpu.memory_space<vmem>>
    %dma_wait3A_162 = arith.constant 0 : i32
    %dma_wait3A_163 = tpu.memref_slice %arg11[%mul3A_156, %dma_wait3A_162] : memref<10112x128xf32, #tpu.memory_space<vmem_shared>> -> memref<128x128xf32, #tpu.memory_space<vmem_shared>>
    %dma_wait3A_164 = arith.constant 0 : i32
    %dma_wait3A_165 = tpu.memref_slice %arg11[%mul3A_156, %dma_wait3A_164] : memref<10112x128xf32, #tpu.memory_space<vmem_shared>> -> memref<128x128xf32, #tpu.memory_space<vmem_shared>>
    %dma_wait3A_166 = arith.constant 0 : i32
    %dma_wait3A_167 = arith.constant 0 : i32
    %dma_wait3A_168 = tpu.memref_slice %arg7[%dma_wait3A_157, %dma_wait3A_166, %dma_wait3A_167] : memref<2x128x128xf32, #tpu.memory_space<vmem>> -> memref<1x128x128xf32, #tpu.memory_space<vmem>>
    %dma_wait3A_169 = tpu.memref_squeeze %dma_wait3A_168 : memref<1x128x128xf32, #tpu.memory_space<vmem>> -> memref<128x128xf32, #tpu.memory_space<vmem>>
    tpu.wait_dma2 semaphore(%arg10 : memref<!tpu.dma_semaphore, #tpu.memory_space<semaphore_mem>>) src(%dma_wait3A_169 : memref<128x128xf32, #tpu.memory_space<vmem>>) dst(%dma_wait3A_165 : memref<128x128xf32, #tpu.memory_space<vmem_shared>>)
    %mul3A_170 = arith.constant 632 : i32
    %mul3A_171 = arith.muli %arg1, %mul3A_170 : i32
    %dma_wait3A_172 = arith.constant 0 : i32
    %dma_wait3A_173 = arith.constant 0 : i32
    %dma_wait3A_174 = arith.constant 0 : i32
    %dma_wait3A_175 = tpu.memref_slice %arg7[%dma_wait3A_172, %dma_wait3A_173, %dma_wait3A_174] : memref<2x128x128xf32, #tpu.memory_space<vmem>> -> memref<1x128x128xf32, #tpu.memory_space<vmem>>
    %dma_wait3A_176 = tpu.memref_squeeze %dma_wait3A_175 : memref<1x128x128xf32, #tpu.memory_space<vmem>> -> memref<128x128xf32, #tpu.memory_space<vmem>>
    %dma_wait3A_177 = arith.constant 0 : i32
    %dma_wait3A_178 = tpu.memref_slice %arg11[%mul3A_171, %dma_wait3A_177] : memref<10112x128xf32, #tpu.memory_space<vmem_shared>> -> memref<128x128xf32, #tpu.memory_space<vmem_shared>>
    %dma_wait3A_179 = arith.constant 0 : i32
    %dma_wait3A_180 = tpu.memref_slice %arg11[%mul3A_171, %dma_wait3A_179] : memref<10112x128xf32, #tpu.memory_space<vmem_shared>> -> memref<128x128xf32, #tpu.memory_space<vmem_shared>>
    %dma_wait3A_181 = arith.constant 0 : i32
    %dma_wait3A_182 = arith.constant 0 : i32
    %dma_wait3A_183 = tpu.memref_slice %arg7[%dma_wait3A_172, %dma_wait3A_181, %dma_wait3A_182] : memref<2x128x128xf32, #tpu.memory_space<vmem>> -> memref<1x128x128xf32, #tpu.memory_space<vmem>>
    %dma_wait3A_184 = tpu.memref_squeeze %dma_wait3A_183 : memref<1x128x128xf32, #tpu.memory_space<vmem>> -> memref<128x128xf32, #tpu.memory_space<vmem>>
    tpu.wait_dma2 semaphore(%arg10 : memref<!tpu.dma_semaphore, #tpu.memory_space<semaphore_mem>>) src(%dma_wait3A_184 : memref<128x128xf32, #tpu.memory_space<vmem>>) dst(%dma_wait3A_180 : memref<128x128xf32, #tpu.memory_space<vmem_shared>>)
    %mul3A_185 = arith.constant 632 : i32
    %mul3A_186 = arith.muli %arg1, %mul3A_185 : i32
    %dma_wait3A_187 = arith.constant 0 : i32
    %dma_wait3A_188 = arith.constant 0 : i32
    %dma_wait3A_189 = arith.constant 0 : i32
    %dma_wait3A_190 = tpu.memref_slice %arg7[%dma_wait3A_187, %dma_wait3A_188, %dma_wait3A_189] : memref<2x128x128xf32, #tpu.memory_space<vmem>> -> memref<1x128x128xf32, #tpu.memory_space<vmem>>
    %dma_wait3A_191 = tpu.memref_squeeze %dma_wait3A_190 : memref<1x128x128xf32, #tpu.memory_space<vmem>> -> memref<128x128xf32, #tpu.memory_space<vmem>>
    %dma_wait3A_192 = arith.constant 0 : i32
    %dma_wait3A_193 = tpu.memref_slice %arg11[%mul3A_186, %dma_wait3A_192] : memref<10112x128xf32, #tpu.memory_space<vmem_shared>> -> memref<128x128xf32, #tpu.memory_space<vmem_shared>>
    %dma_wait3A_194 = arith.constant 0 : i32
    %dma_wait3A_195 = tpu.memref_slice %arg11[%mul3A_186, %dma_wait3A_194] : memref<10112x128xf32, #tpu.memory_space<vmem_shared>> -> memref<128x128xf32, #tpu.memory_space<vmem_shared>>
    %dma_wait3A_196 = arith.constant 0 : i32
    %dma_wait3A_197 = arith.constant 0 : i32
    %dma_wait3A_198 = tpu.memref_slice %arg7[%dma_wait3A_187, %dma_wait3A_196, %dma_wait3A_197] : memref<2x128x128xf32, #tpu.memory_space<vmem>> -> memref<1x128x128xf32, #tpu.memory_space<vmem>>
    %dma_wait3A_199 = tpu.memref_squeeze %dma_wait3A_198 : memref<1x128x128xf32, #tpu.memory_space<vmem>> -> memref<128x128xf32, #tpu.memory_space<vmem>>
    tpu.wait_dma2 semaphore(%arg10 : memref<!tpu.dma_semaphore, #tpu.memory_space<semaphore_mem>>) src(%dma_wait3A_199 : memref<128x128xf32, #tpu.memory_space<vmem>>) dst(%dma_wait3A_195 : memref<128x128xf32, #tpu.memory_space<vmem_shared>>)
    %mul3A_200 = arith.constant 632 : i32
    %mul3A_201 = arith.muli %arg1, %mul3A_200 : i32
    %dma_wait3A_202 = arith.constant 0 : i32
    %dma_wait3A_203 = arith.constant 0 : i32
    %dma_wait3A_204 = arith.constant 0 : i32
    %dma_wait3A_205 = tpu.memref_slice %arg7[%dma_wait3A_202, %dma_wait3A_203, %dma_wait3A_204] : memref<2x128x128xf32, #tpu.memory_space<vmem>> -> memref<1x120x128xf32, #tpu.memory_space<vmem>>
    %dma_wait3A_206 = tpu.memref_squeeze %dma_wait3A_205 : memref<1x120x128xf32, #tpu.memory_space<vmem>> -> memref<120x128xf32, #tpu.memory_space<vmem>>
    %dma_wait3A_207 = arith.constant 0 : i32
    %dma_wait3A_208 = tpu.memref_slice %arg11[%mul3A_201, %dma_wait3A_207] : memref<10112x128xf32, #tpu.memory_space<vmem_shared>> -> memref<120x128xf32, #tpu.memory_space<vmem_shared>>
    %dma_wait3A_209 = arith.constant 0 : i32
    %dma_wait3A_210 = tpu.memref_slice %arg11[%mul3A_201, %dma_wait3A_209] : memref<10112x128xf32, #tpu.memory_space<vmem_shared>> -> memref<120x128xf32, #tpu.memory_space<vmem_shared>>
    %dma_wait3A_211 = arith.constant 0 : i32
    %dma_wait3A_212 = arith.constant 0 : i32
    %dma_wait3A_213 = tpu.memref_slice %arg7[%dma_wait3A_202, %dma_wait3A_211, %dma_wait3A_212] : memref<2x128x128xf32, #tpu.memory_space<vmem>> -> memref<1x120x128xf32, #tpu.memory_space<vmem>>
    %dma_wait3A_214 = tpu.memref_squeeze %dma_wait3A_213 : memref<1x120x128xf32, #tpu.memory_space<vmem>> -> memref<120x128xf32, #tpu.memory_space<vmem>>
    tpu.wait_dma2 semaphore(%arg10 : memref<!tpu.dma_semaphore, #tpu.memory_space<semaphore_mem>>) src(%dma_wait3A_214 : memref<120x128xf32, #tpu.memory_space<vmem>>) dst(%dma_wait3A_210 : memref<120x128xf32, #tpu.memory_space<vmem_shared>>)
    %barrier3A = arith.constant 0 : index
    tpu.barrier barrier_id(%barrier3A)
    %dma_start3A_215 = arith.constant 0 : i32
    %dma_start3A_216 = arith.constant 0 : i32
    %dma_start3A_217 = arith.constant 0 : i32
    %dma_start3A_218 = arith.constant 0 : i32
    %dma_start3A_219 = arith.constant 0 : i32
    %dma_start3A_220 = tpu.memref_slice %arg7[%dma_start3A_217, %dma_start3A_218, %dma_start3A_219] : memref<2x128x128xf32, #tpu.memory_space<vmem>> -> memref<1x128x128xf32, #tpu.memory_space<vmem>>
    %dma_start3A_221 = tpu.memref_squeeze %dma_start3A_220 : memref<1x128x128xf32, #tpu.memory_space<vmem>> -> memref<128x128xf32, #tpu.memory_space<vmem>>
    %dma_start3A_222 = arith.constant 0 : i32
    %dma_start3A_223 = tpu.memref_slice %arg6[%dma_start3A_215, %dma_start3A_216, %dma_start3A_222] : memref<2x20x128xi32, #tpu.memory_space<vmem>> -> memref<1x1x128xi32, #tpu.memory_space<vmem>>
    %dma_start3A_224 = tpu.memref_squeeze %dma_start3A_223 : memref<1x1x128xi32, #tpu.memory_space<vmem>> -> memref<128xi32, #tpu.memory_space<vmem>>
    %dma_start3A_225 = arith.constant 0 : i32
    %dma_start3A_226 = arith.constant 0 : i32
    %dma_start3A_227 = tpu.memref_slice %arg2[%dma_start3A_225, %dma_start3A_226] : memref<10112x128xf32, #tpu.memory_space<hbm>> -> memref<10112x128xf32, #tpu.memory_space<hbm>>
    tpu.enqueue_indirect_dma source(%dma_start3A_227 : memref<10112x128xf32, #tpu.memory_space<hbm>>) target(%dma_start3A_221 : memref<128x128xf32, #tpu.memory_space<vmem>>) offsets(%dma_start3A_224 : memref<128xi32, #tpu.memory_space<vmem>>) semaphore(%arg8 : memref<!tpu.dma_semaphore, #tpu.memory_space<semaphore_mem>>)
    %gt3A = arith.constant 0 : i32
    %gt3A_228 = arith.cmpi sgt, %sub3A_47, %gt3A : i32
    %convert_element_type3A = arith.extui %gt3A_228 : i1 to i32
    %cond3A = arith.constant 0 : i32
    %cond3A_229 = arith.cmpi ne, %convert_element_type3A, %cond3A : i32
    scf.if %cond3A_229 {
      %gt3A_263 = arith.constant 1 : i32
      %gt3A_264 = arith.cmpi sgt, %sub3A_47, %gt3A_263 : i32
      %convert_element_type3A_265 = arith.extui %gt3A_264 : i1 to i32
      %cond3A_266 = arith.constant 0 : i32
      %cond3A_267 = arith.cmpi ne, %convert_element_type3A_265, %cond3A_266 : i32
      scf.if %cond3A_267 {
        %add3A_329 = arith.constant 0 : i32
        %add3A_330 = arith.addi %select_n3A, %add3A_329 : i32
        %add3A_331 = arith.constant 1 : i32
        %add3A_332 = arith.addi %add3A_330, %add3A_331 : i32
        %dma_start3A_333 = arith.constant 0 : i32
        %dma_start3A_334 = arith.constant 1 : i32
        %dma_start3A_335 = arith.constant 0 : i32
        %dma_start3A_336 = arith.constant 0 : i32
        %dma_start3A_337 = tpu.memref_slice %arg5[%dma_start3A_334, %dma_start3A_335, %dma_start3A_336] : memref<2x20x128xi32, #tpu.memory_space<vmem>> -> memref<1x20x128xi32, #tpu.memory_space<vmem>>
        %dma_start3A_338 = tpu.memref_squeeze %dma_start3A_337 : memref<1x20x128xi32, #tpu.memory_space<vmem>> -> memref<20x128xi32, #tpu.memory_space<vmem>>
        %dma_start3A_339 = arith.constant 0 : i32
        %dma_start3A_340 = arith.constant 0 : i32
        %dma_start3A_341 = tpu.memref_slice %arg3[%dma_start3A_333, %add3A_332, %dma_start3A_339, %dma_start3A_340] : memref<2x125x20x128xi32, #tpu.memory_space<hbm>> -> memref<1x1x20x128xi32, #tpu.memory_space<hbm>>
        %dma_start3A_342 = tpu.memref_squeeze %dma_start3A_341 : memref<1x1x20x128xi32, #tpu.memory_space<hbm>> -> memref<20x128xi32, #tpu.memory_space<hbm>>
        %dma_start3A_343 = arith.constant 0 : i32
        %dma_start3A_344 = arith.constant 0 : i32
        %dma_start3A_345 = tpu.memref_slice %arg5[%dma_start3A_334, %dma_start3A_343, %dma_start3A_344] : memref<2x20x128xi32, #tpu.memory_space<vmem>> -> memref<1x20x128xi32, #tpu.memory_space<vmem>>
        %dma_start3A_346 = tpu.memref_squeeze %dma_start3A_345 : memref<1x20x128xi32, #tpu.memory_space<vmem>> -> memref<20x128xi32, #tpu.memory_space<vmem>>
        %dma_start3A_347 = arith.constant 0 : i32
        %dma_start3A_348 = arith.constant 0 : i32
        %dma_start3A_349 = tpu.memref_slice %arg3[%dma_start3A_333, %add3A_332, %dma_start3A_347, %dma_start3A_348] : memref<2x125x20x128xi32, #tpu.memory_space<hbm>> -> memref<1x1x20x128xi32, #tpu.memory_space<hbm>>
        %dma_start3A_350 = tpu.memref_squeeze %dma_start3A_349 : memref<1x1x20x128xi32, #tpu.memory_space<hbm>> -> memref<20x128xi32, #tpu.memory_space<hbm>>
        tpu.enqueue_dma source(%dma_start3A_350 : memref<20x128xi32, #tpu.memory_space<hbm>>) target(%dma_start3A_346 : memref<20x128xi32, #tpu.memory_space<vmem>>) target_semaphore(%arg9 : memref<!tpu.dma_semaphore, #tpu.memory_space<semaphore_mem>>)
        %add3A_351 = arith.constant 0 : i32
        %add3A_352 = arith.addi %select_n3A, %add3A_351 : i32
        %add3A_353 = arith.constant 1 : i32
        %add3A_354 = arith.addi %add3A_352, %add3A_353 : i32
        %dma_start3A_355 = arith.constant 1 : i32
        %dma_start3A_356 = arith.constant 1 : i32
        %dma_start3A_357 = arith.constant 0 : i32
        %dma_start3A_358 = arith.constant 0 : i32
        %dma_start3A_359 = tpu.memref_slice %arg6[%dma_start3A_356, %dma_start3A_357, %dma_start3A_358] : memref<2x20x128xi32, #tpu.memory_space<vmem>> -> memref<1x20x128xi32, #tpu.memory_space<vmem>>
        %dma_start3A_360 = tpu.memref_squeeze %dma_start3A_359 : memref<1x20x128xi32, #tpu.memory_space<vmem>> -> memref<20x128xi32, #tpu.memory_space<vmem>>
        %dma_start3A_361 = arith.constant 0 : i32
        %dma_start3A_362 = arith.constant 0 : i32
        %dma_start3A_363 = tpu.memref_slice %arg3[%dma_start3A_355, %add3A_354, %dma_start3A_361, %dma_start3A_362] : memref<2x125x20x128xi32, #tpu.memory_space<hbm>> -> memref<1x1x20x128xi32, #tpu.memory_space<hbm>>
        %dma_start3A_364 = tpu.memref_squeeze %dma_start3A_363 : memref<1x1x20x128xi32, #tpu.memory_space<hbm>> -> memref<20x128xi32, #tpu.memory_space<hbm>>
        %dma_start3A_365 = arith.constant 0 : i32
        %dma_start3A_366 = arith.constant 0 : i32
        %dma_start3A_367 = tpu.memref_slice %arg6[%dma_start3A_356, %dma_start3A_365, %dma_start3A_366] : memref<2x20x128xi32, #tpu.memory_space<vmem>> -> memref<1x20x128xi32, #tpu.memory_space<vmem>>
        %dma_start3A_368 = tpu.memref_squeeze %dma_start3A_367 : memref<1x20x128xi32, #tpu.memory_space<vmem>> -> memref<20x128xi32, #tpu.memory_space<vmem>>
        %dma_start3A_369 = arith.constant 0 : i32
        %dma_start3A_370 = arith.constant 0 : i32
        %dma_start3A_371 = tpu.memref_slice %arg3[%dma_start3A_355, %add3A_354, %dma_start3A_369, %dma_start3A_370] : memref<2x125x20x128xi32, #tpu.memory_space<hbm>> -> memref<1x1x20x128xi32, #tpu.memory_space<hbm>>
        %dma_start3A_372 = tpu.memref_squeeze %dma_start3A_371 : memref<1x1x20x128xi32, #tpu.memory_space<hbm>> -> memref<20x128xi32, #tpu.memory_space<hbm>>
        tpu.enqueue_dma source(%dma_start3A_372 : memref<20x128xi32, #tpu.memory_space<hbm>>) target(%dma_start3A_368 : memref<20x128xi32, #tpu.memory_space<vmem>>) target_semaphore(%arg9 : memref<!tpu.dma_semaphore, #tpu.memory_space<semaphore_mem>>)
      } else {
      }
      %scan3A_268 = arith.constant 0 : i32
      %scan3A_269 = arith.constant 0 : i32
      %scan3A_270 = arith.constant 0 : i32
      %scan3A_271 = arith.constant 0 : i32
      %scan3A_272 = arith.constant 19 : i32
      %scan3A_273 = arith.addi %scan3A_271, %scan3A_272 : i32
      %scan3A_274 = arith.constant 1 : i32
      %scan3A_275 = scf.for %scan3A_329 = %scan3A_271 to %scan3A_273 step %scan3A_274 iter_args(%scan3A_330 = %scan3A_270) -> (i32)  : i32 {
        %gt3A_331 = arith.constant 0 : i32
        %gt3A_332 = arith.cmpi sgt, %scan3A_329, %gt3A_331 : i32
        %convert_element_type3A_333 = arith.extui %gt3A_332 : i1 to i32
        %cond3A_334 = arith.constant 0 : i32
        %cond3A_335 = arith.cmpi ne, %convert_element_type3A_333, %cond3A_334 : i32
        scf.if %cond3A_335 {
          %dma_wait3A_429 = arith.constant 0 : i32
          %dma_wait3A_430 = arith.constant 0 : i32
          %dma_wait3A_431 = arith.constant 0 : i32
          %dma_wait3A_432 = arith.constant 0 : i32
          %dma_wait3A_433 = arith.constant 0 : i32
          %dma_wait3A_434 = tpu.memref_slice %arg7[%dma_wait3A_429, %dma_wait3A_432, %dma_wait3A_433] : memref<2x128x128xf32, #tpu.memory_space<vmem>> -> memref<1x128x128xf32, #tpu.memory_space<vmem>>
          %dma_wait3A_435 = tpu.memref_squeeze %dma_wait3A_434 : memref<1x128x128xf32, #tpu.memory_space<vmem>> -> memref<128x128xf32, #tpu.memory_space<vmem>>
          %dma_wait3A_436 = arith.constant 0 : i32
          %dma_wait3A_437 = tpu.memref_slice %arg5[%dma_wait3A_430, %dma_wait3A_431, %dma_wait3A_436] : memref<2x20x128xi32, #tpu.memory_space<vmem>> -> memref<1x1x128xi32, #tpu.memory_space<vmem>>
          %dma_wait3A_438 = tpu.memref_squeeze %dma_wait3A_437 : memref<1x1x128xi32, #tpu.memory_space<vmem>> -> memref<128xi32, #tpu.memory_space<vmem>>
          %dma_wait3A_439 = arith.constant 0 : i32
          %dma_wait3A_440 = arith.constant 0 : i32
          %dma_wait3A_441 = tpu.memref_slice %arg11[%dma_wait3A_439, %dma_wait3A_440] : memref<10112x128xf32, #tpu.memory_space<vmem_shared>> -> memref<10112x128xf32, #tpu.memory_space<vmem_shared>>
          tpu.wait_indirect_dma semaphore(%arg10 : memref<!tpu.dma_semaphore, #tpu.memory_space<semaphore_mem>>) src(%dma_wait3A_435 : memref<128x128xf32, #tpu.memory_space<vmem>>) dst(%dma_wait3A_441 : memref<10112x128xf32, #tpu.memory_space<vmem_shared>>)
        } else {
        }
        %add3A_336 = arith.constant 1 : i32
        %add3A_337 = arith.addi %scan3A_329, %add3A_336 : i32
        %add3A_338 = arith.constant 1 : i32
        %add3A_339 = arith.addi %scan3A_329, %add3A_338 : i32
        %jit3A_340 = arith.constant 2 : i32
        %eq3A = arith.constant 0 : i32
        %eq3A_341 = arith.cmpi eq, %jit3A_340, %eq3A : i32
        %jit3A_342 = arith.constant 1 : i32
        %select_n3A_343 = arith.select %eq3A_341, %jit3A_342, %jit3A_340 : i32
        %rem3A_344 = arith.remsi %add3A_339, %select_n3A_343 : i32
        %ne3A_345 = arith.constant 0 : i32
        %ne3A_346 = arith.cmpi ne, %rem3A_344, %ne3A_345 : i32
        %lt3A = arith.constant 0 : i32
        %lt3A_347 = arith.cmpi slt, %rem3A_344, %lt3A : i32
        %lt3A_348 = arith.constant 0 : i32
        %lt3A_349 = arith.cmpi slt, %select_n3A_343, %lt3A_348 : i32
        %ne3A_350 = arith.xori %lt3A_347, %lt3A_349 : i1
        %and3A_351 = arith.andi %ne3A_350, %ne3A_346 : i1
        %add3A_352 = arith.addi %rem3A_344, %select_n3A_343 : i32
        %select_n3A_353 = arith.select %and3A_351, %add3A_352, %rem3A_344 : i32
        %dma_start3A_354 = arith.constant 0 : i32
        %dma_start3A_355 = arith.constant 0 : i32
        %dma_start3A_356 = tpu.memref_slice %arg7[%select_n3A_353, %dma_start3A_354, %dma_start3A_355] : memref<2x128x128xf32, #tpu.memory_space<vmem>> -> memref<1x128x128xf32, #tpu.memory_space<vmem>>
        %dma_start3A_357 = tpu.memref_squeeze %dma_start3A_356 : memref<1x128x128xf32, #tpu.memory_space<vmem>> -> memref<128x128xf32, #tpu.memory_space<vmem>>
        %dma_start3A_358 = arith.constant 0 : i32
        %dma_start3A_359 = arith.constant 0 : i32
        %dma_start3A_360 = tpu.memref_slice %arg6[%scan3A_268, %dma_start3A_358, %dma_start3A_359] : memref<2x20x128xi32, #tpu.memory_space<vmem>> -> memref<1x20x128xi32, #tpu.memory_space<vmem>>
        %dma_start3A_361 = tpu.memref_squeeze %dma_start3A_360 : memref<1x20x128xi32, #tpu.memory_space<vmem>> -> memref<20x128xi32, #tpu.memory_space<vmem>>
        %dma_start3A_362 = arith.constant 0 : i32
        %dma_start3A_363 = tpu.memref_slice %dma_start3A_361[%add3A_337, %dma_start3A_362] : memref<20x128xi32, #tpu.memory_space<vmem>> -> memref<1x128xi32, #tpu.memory_space<vmem>>
        %dma_start3A_364 = tpu.memref_squeeze %dma_start3A_363 : memref<1x128xi32, #tpu.memory_space<vmem>> -> memref<128xi32, #tpu.memory_space<vmem>>
        %dma_start3A_365 = arith.constant 0 : i32
        %dma_start3A_366 = arith.constant 0 : i32
        %dma_start3A_367 = tpu.memref_slice %arg2[%dma_start3A_365, %dma_start3A_366] : memref<10112x128xf32, #tpu.memory_space<hbm>> -> memref<10112x128xf32, #tpu.memory_space<hbm>>
        tpu.enqueue_indirect_dma source(%dma_start3A_367 : memref<10112x128xf32, #tpu.memory_space<hbm>>) target(%dma_start3A_357 : memref<128x128xf32, #tpu.memory_space<vmem>>) offsets(%dma_start3A_364 : memref<128xi32, #tpu.memory_space<vmem>>) semaphore(%arg8 : memref<!tpu.dma_semaphore, #tpu.memory_space<semaphore_mem>>)
        %jit3A_368 = arith.constant 2 : i32
        %eq3A_369 = arith.constant 0 : i32
        %eq3A_370 = arith.cmpi eq, %jit3A_368, %eq3A_369 : i32
        %jit3A_371 = arith.constant 1 : i32
        %select_n3A_372 = arith.select %eq3A_370, %jit3A_371, %jit3A_368 : i32
        %rem3A_373 = arith.remsi %scan3A_329, %select_n3A_372 : i32
        %ne3A_374 = arith.constant 0 : i32
        %ne3A_375 = arith.cmpi ne, %rem3A_373, %ne3A_374 : i32
        %lt3A_376 = arith.constant 0 : i32
        %lt3A_377 = arith.cmpi slt, %rem3A_373, %lt3A_376 : i32
        %lt3A_378 = arith.constant 0 : i32
        %lt3A_379 = arith.cmpi slt, %select_n3A_372, %lt3A_378 : i32
        %ne3A_380 = arith.xori %lt3A_377, %lt3A_379 : i1
        %and3A_381 = arith.andi %ne3A_380, %ne3A_375 : i1
        %add3A_382 = arith.addi %rem3A_373, %select_n3A_372 : i32
        %select_n3A_383 = arith.select %and3A_381, %add3A_382, %rem3A_373 : i32
        %dma_wait3A_384 = arith.constant 0 : i32
        %dma_wait3A_385 = arith.constant 0 : i32
        %dma_wait3A_386 = tpu.memref_slice %arg7[%select_n3A_383, %dma_wait3A_384, %dma_wait3A_385] : memref<2x128x128xf32, #tpu.memory_space<vmem>> -> memref<1x128x128xf32, #tpu.memory_space<vmem>>
        %dma_wait3A_387 = tpu.memref_squeeze %dma_wait3A_386 : memref<1x128x128xf32, #tpu.memory_space<vmem>> -> memref<128x128xf32, #tpu.memory_space<vmem>>
        %dma_wait3A_388 = arith.constant 0 : i32
        %dma_wait3A_389 = arith.constant 0 : i32
        %dma_wait3A_390 = tpu.memref_slice %arg6[%scan3A_268, %dma_wait3A_388, %dma_wait3A_389] : memref<2x20x128xi32, #tpu.memory_space<vmem>> -> memref<1x20x128xi32, #tpu.memory_space<vmem>>
        %dma_wait3A_391 = tpu.memref_squeeze %dma_wait3A_390 : memref<1x20x128xi32, #tpu.memory_space<vmem>> -> memref<20x128xi32, #tpu.memory_space<vmem>>
        %dma_wait3A_392 = arith.constant 0 : i32
        %dma_wait3A_393 = tpu.memref_slice %dma_wait3A_391[%scan3A_329, %dma_wait3A_392] : memref<20x128xi32, #tpu.memory_space<vmem>> -> memref<1x128xi32, #tpu.memory_space<vmem>>
        %dma_wait3A_394 = tpu.memref_squeeze %dma_wait3A_393 : memref<1x128xi32, #tpu.memory_space<vmem>> -> memref<128xi32, #tpu.memory_space<vmem>>
        %dma_wait3A_395 = arith.constant 0 : i32
        %dma_wait3A_396 = arith.constant 0 : i32
        %dma_wait3A_397 = tpu.memref_slice %arg2[%dma_wait3A_395, %dma_wait3A_396] : memref<10112x128xf32, #tpu.memory_space<hbm>> -> memref<10112x128xf32, #tpu.memory_space<hbm>>
        tpu.wait_indirect_dma semaphore(%arg8 : memref<!tpu.dma_semaphore, #tpu.memory_space<semaphore_mem>>) src(%dma_wait3A_397 : memref<10112x128xf32, #tpu.memory_space<hbm>>) dst(%dma_wait3A_387 : memref<128x128xf32, #tpu.memory_space<vmem>>)
        %jit3A_398 = arith.constant 2 : i32
        %eq3A_399 = arith.constant 0 : i32
        %eq3A_400 = arith.cmpi eq, %jit3A_398, %eq3A_399 : i32
        %jit3A_401 = arith.constant 1 : i32
        %select_n3A_402 = arith.select %eq3A_400, %jit3A_401, %jit3A_398 : i32
        %rem3A_403 = arith.remsi %scan3A_329, %select_n3A_402 : i32
        %ne3A_404 = arith.constant 0 : i32
        %ne3A_405 = arith.cmpi ne, %rem3A_403, %ne3A_404 : i32
        %lt3A_406 = arith.constant 0 : i32
        %lt3A_407 = arith.cmpi slt, %rem3A_403, %lt3A_406 : i32
        %lt3A_408 = arith.constant 0 : i32
        %lt3A_409 = arith.cmpi slt, %select_n3A_402, %lt3A_408 : i32
        %ne3A_410 = arith.xori %lt3A_407, %lt3A_409 : i1
        %and3A_411 = arith.andi %ne3A_410, %ne3A_405 : i1
        %add3A_412 = arith.addi %rem3A_403, %select_n3A_402 : i32
        %select_n3A_413 = arith.select %and3A_411, %add3A_412, %rem3A_403 : i32
        %dma_start3A_414 = arith.constant 0 : i32
        %dma_start3A_415 = arith.constant 0 : i32
        %dma_start3A_416 = tpu.memref_slice %arg7[%select_n3A_413, %dma_start3A_414, %dma_start3A_415] : memref<2x128x128xf32, #tpu.memory_space<vmem>> -> memref<1x128x128xf32, #tpu.memory_space<vmem>>
        %dma_start3A_417 = tpu.memref_squeeze %dma_start3A_416 : memref<1x128x128xf32, #tpu.memory_space<vmem>> -> memref<128x128xf32, #tpu.memory_space<vmem>>
        %dma_start3A_418 = arith.constant 0 : i32
        %dma_start3A_419 = arith.constant 0 : i32
        %dma_start3A_420 = tpu.memref_slice %arg5[%scan3A_269, %dma_start3A_418, %dma_start3A_419] : memref<2x20x128xi32, #tpu.memory_space<vmem>> -> memref<1x20x128xi32, #tpu.memory_space<vmem>>
        %dma_start3A_421 = tpu.memref_squeeze %dma_start3A_420 : memref<1x20x128xi32, #tpu.memory_space<vmem>> -> memref<20x128xi32, #tpu.memory_space<vmem>>
        %dma_start3A_422 = arith.constant 0 : i32
        %dma_start3A_423 = tpu.memref_slice %dma_start3A_421[%scan3A_329, %dma_start3A_422] : memref<20x128xi32, #tpu.memory_space<vmem>> -> memref<1x128xi32, #tpu.memory_space<vmem>>
        %dma_start3A_424 = tpu.memref_squeeze %dma_start3A_423 : memref<1x128xi32, #tpu.memory_space<vmem>> -> memref<128xi32, #tpu.memory_space<vmem>>
        %dma_start3A_425 = arith.constant 0 : i32
        %dma_start3A_426 = arith.constant 0 : i32
        %dma_start3A_427 = tpu.memref_slice %arg11[%dma_start3A_425, %dma_start3A_426] : memref<10112x128xf32, #tpu.memory_space<vmem_shared>> -> memref<10112x128xf32, #tpu.memory_space<vmem_shared>>
        tpu.enqueue_indirect_dma source(%dma_start3A_417 : memref<128x128xf32, #tpu.memory_space<vmem>>) target(%dma_start3A_427 : memref<10112x128xf32, #tpu.memory_space<vmem_shared>>) offsets(%dma_start3A_424 : memref<128xi32, #tpu.memory_space<vmem>>) semaphore(%arg10 : memref<!tpu.dma_semaphore, #tpu.memory_space<semaphore_mem>>) {add = true}
        %scan3A_428 = arith.constant 0 : i32
        scf.yield %scan3A_428 : i32
      }
      %scan3A_276 = arith.constant 19 : i32
      %dma_wait3A_277 = arith.constant 0 : i32
      %dma_wait3A_278 = arith.constant 0 : i32
      %dma_wait3A_279 = arith.constant 0 : i32
      %dma_wait3A_280 = arith.constant 0 : i32
      %dma_wait3A_281 = arith.constant 0 : i32
      %dma_wait3A_282 = tpu.memref_slice %arg7[%dma_wait3A_277, %dma_wait3A_280, %dma_wait3A_281] : memref<2x128x128xf32, #tpu.memory_space<vmem>> -> memref<1x128x128xf32, #tpu.memory_space<vmem>>
      %dma_wait3A_283 = tpu.memref_squeeze %dma_wait3A_282 : memref<1x128x128xf32, #tpu.memory_space<vmem>> -> memref<128x128xf32, #tpu.memory_space<vmem>>
      %dma_wait3A_284 = arith.constant 0 : i32
      %dma_wait3A_285 = tpu.memref_slice %arg5[%dma_wait3A_278, %dma_wait3A_279, %dma_wait3A_284] : memref<2x20x128xi32, #tpu.memory_space<vmem>> -> memref<1x1x128xi32, #tpu.memory_space<vmem>>
      %dma_wait3A_286 = tpu.memref_squeeze %dma_wait3A_285 : memref<1x1x128xi32, #tpu.memory_space<vmem>> -> memref<128xi32, #tpu.memory_space<vmem>>
      %dma_wait3A_287 = arith.constant 0 : i32
      %dma_wait3A_288 = arith.constant 0 : i32
      %dma_wait3A_289 = tpu.memref_slice %arg11[%dma_wait3A_287, %dma_wait3A_288] : memref<10112x128xf32, #tpu.memory_space<vmem_shared>> -> memref<10112x128xf32, #tpu.memory_space<vmem_shared>>
      tpu.wait_indirect_dma semaphore(%arg10 : memref<!tpu.dma_semaphore, #tpu.memory_space<semaphore_mem>>) src(%dma_wait3A_283 : memref<128x128xf32, #tpu.memory_space<vmem>>) dst(%dma_wait3A_289 : memref<10112x128xf32, #tpu.memory_space<vmem_shared>>)
      %gt3A_290 = arith.constant 1 : i32
      %gt3A_291 = arith.cmpi sgt, %sub3A_47, %gt3A_290 : i32
      %convert_element_type3A_292 = arith.extui %gt3A_291 : i1 to i32
      %cond3A_293 = arith.constant 0 : i32
      %cond3A_294 = arith.cmpi ne, %convert_element_type3A_292, %cond3A_293 : i32
      scf.if %cond3A_294 {
        %dma_wait3A_329 = arith.constant 0 : i32
        %dma_wait3A_330 = arith.constant 1 : i32
        %dma_wait3A_331 = arith.constant 0 : i32
        %dma_wait3A_332 = arith.constant 0 : i32
        %dma_wait3A_333 = tpu.memref_slice %arg5[%dma_wait3A_330, %dma_wait3A_331, %dma_wait3A_332] : memref<2x20x128xi32, #tpu.memory_space<vmem>> -> memref<1x20x128xi32, #tpu.memory_space<vmem>>
        %dma_wait3A_334 = tpu.memref_squeeze %dma_wait3A_333 : memref<1x20x128xi32, #tpu.memory_space<vmem>> -> memref<20x128xi32, #tpu.memory_space<vmem>>
        %dma_wait3A_335 = arith.constant 0 : i32
        %dma_wait3A_336 = arith.constant 0 : i32
        %dma_wait3A_337 = tpu.memref_slice %arg3[%dma_wait3A_329, %select_n3A, %dma_wait3A_335, %dma_wait3A_336] : memref<2x125x20x128xi32, #tpu.memory_space<hbm>> -> memref<1x1x20x128xi32, #tpu.memory_space<hbm>>
        %dma_wait3A_338 = tpu.memref_squeeze %dma_wait3A_337 : memref<1x1x20x128xi32, #tpu.memory_space<hbm>> -> memref<20x128xi32, #tpu.memory_space<hbm>>
        %dma_wait3A_339 = arith.constant 0 : i32
        %dma_wait3A_340 = arith.constant 0 : i32
        %dma_wait3A_341 = tpu.memref_slice %arg5[%dma_wait3A_330, %dma_wait3A_339, %dma_wait3A_340] : memref<2x20x128xi32, #tpu.memory_space<vmem>> -> memref<1x20x128xi32, #tpu.memory_space<vmem>>
        %dma_wait3A_342 = tpu.memref_squeeze %dma_wait3A_341 : memref<1x20x128xi32, #tpu.memory_space<vmem>> -> memref<20x128xi32, #tpu.memory_space<vmem>>
        %dma_wait3A_343 = arith.constant 0 : i32
        %dma_wait3A_344 = arith.constant 0 : i32
        %dma_wait3A_345 = tpu.memref_slice %arg3[%dma_wait3A_329, %select_n3A, %dma_wait3A_343, %dma_wait3A_344] : memref<2x125x20x128xi32, #tpu.memory_space<hbm>> -> memref<1x1x20x128xi32, #tpu.memory_space<hbm>>
        %dma_wait3A_346 = tpu.memref_squeeze %dma_wait3A_345 : memref<1x1x20x128xi32, #tpu.memory_space<hbm>> -> memref<20x128xi32, #tpu.memory_space<hbm>>
        tpu.wait_dma2 semaphore(%arg9 : memref<!tpu.dma_semaphore, #tpu.memory_space<semaphore_mem>>) src(%dma_wait3A_346 : memref<20x128xi32, #tpu.memory_space<hbm>>) dst(%dma_wait3A_342 : memref<20x128xi32, #tpu.memory_space<vmem>>)
        %dma_wait3A_347 = arith.constant 1 : i32
        %dma_wait3A_348 = arith.constant 1 : i32
        %dma_wait3A_349 = arith.constant 0 : i32
        %dma_wait3A_350 = arith.constant 0 : i32
        %dma_wait3A_351 = tpu.memref_slice %arg6[%dma_wait3A_348, %dma_wait3A_349, %dma_wait3A_350] : memref<2x20x128xi32, #tpu.memory_space<vmem>> -> memref<1x20x128xi32, #tpu.memory_space<vmem>>
        %dma_wait3A_352 = tpu.memref_squeeze %dma_wait3A_351 : memref<1x20x128xi32, #tpu.memory_space<vmem>> -> memref<20x128xi32, #tpu.memory_space<vmem>>
        %dma_wait3A_353 = arith.constant 0 : i32
        %dma_wait3A_354 = arith.constant 0 : i32
        %dma_wait3A_355 = tpu.memref_slice %arg3[%dma_wait3A_347, %select_n3A, %dma_wait3A_353, %dma_wait3A_354] : memref<2x125x20x128xi32, #tpu.memory_space<hbm>> -> memref<1x1x20x128xi32, #tpu.memory_space<hbm>>
        %dma_wait3A_356 = tpu.memref_squeeze %dma_wait3A_355 : memref<1x1x20x128xi32, #tpu.memory_space<hbm>> -> memref<20x128xi32, #tpu.memory_space<hbm>>
        %dma_wait3A_357 = arith.constant 0 : i32
        %dma_wait3A_358 = arith.constant 0 : i32
        %dma_wait3A_359 = tpu.memref_slice %arg6[%dma_wait3A_348, %dma_wait3A_357, %dma_wait3A_358] : memref<2x20x128xi32, #tpu.memory_space<vmem>> -> memref<1x20x128xi32, #tpu.memory_space<vmem>>
        %dma_wait3A_360 = tpu.memref_squeeze %dma_wait3A_359 : memref<1x20x128xi32, #tpu.memory_space<vmem>> -> memref<20x128xi32, #tpu.memory_space<vmem>>
        %dma_wait3A_361 = arith.constant 0 : i32
        %dma_wait3A_362 = arith.constant 0 : i32
        %dma_wait3A_363 = tpu.memref_slice %arg3[%dma_wait3A_347, %select_n3A, %dma_wait3A_361, %dma_wait3A_362] : memref<2x125x20x128xi32, #tpu.memory_space<hbm>> -> memref<1x1x20x128xi32, #tpu.memory_space<hbm>>
        %dma_wait3A_364 = tpu.memref_squeeze %dma_wait3A_363 : memref<1x1x20x128xi32, #tpu.memory_space<hbm>> -> memref<20x128xi32, #tpu.memory_space<hbm>>
        tpu.wait_dma2 semaphore(%arg9 : memref<!tpu.dma_semaphore, #tpu.memory_space<semaphore_mem>>) src(%dma_wait3A_364 : memref<20x128xi32, #tpu.memory_space<hbm>>) dst(%dma_wait3A_360 : memref<20x128xi32, #tpu.memory_space<vmem>>)
        %dma_start3A_365 = arith.constant 1 : i32
        %dma_start3A_366 = arith.constant 0 : i32
        %dma_start3A_367 = arith.constant 0 : i32
        %dma_start3A_368 = arith.constant 0 : i32
        %dma_start3A_369 = arith.constant 0 : i32
        %dma_start3A_370 = tpu.memref_slice %arg7[%dma_start3A_367, %dma_start3A_368, %dma_start3A_369] : memref<2x128x128xf32, #tpu.memory_space<vmem>> -> memref<1x128x128xf32, #tpu.memory_space<vmem>>
        %dma_start3A_371 = tpu.memref_squeeze %dma_start3A_370 : memref<1x128x128xf32, #tpu.memory_space<vmem>> -> memref<128x128xf32, #tpu.memory_space<vmem>>
        %dma_start3A_372 = arith.constant 0 : i32
        %dma_start3A_373 = tpu.memref_slice %arg6[%dma_start3A_365, %dma_start3A_366, %dma_start3A_372] : memref<2x20x128xi32, #tpu.memory_space<vmem>> -> memref<1x1x128xi32, #tpu.memory_space<vmem>>
        %dma_start3A_374 = tpu.memref_squeeze %dma_start3A_373 : memref<1x1x128xi32, #tpu.memory_space<vmem>> -> memref<128xi32, #tpu.memory_space<vmem>>
        %dma_start3A_375 = arith.constant 0 : i32
        %dma_start3A_376 = arith.constant 0 : i32
        %dma_start3A_377 = tpu.memref_slice %arg2[%dma_start3A_375, %dma_start3A_376] : memref<10112x128xf32, #tpu.memory_space<hbm>> -> memref<10112x128xf32, #tpu.memory_space<hbm>>
        tpu.enqueue_indirect_dma source(%dma_start3A_377 : memref<10112x128xf32, #tpu.memory_space<hbm>>) target(%dma_start3A_371 : memref<128x128xf32, #tpu.memory_space<vmem>>) offsets(%dma_start3A_374 : memref<128xi32, #tpu.memory_space<vmem>>) semaphore(%arg8 : memref<!tpu.dma_semaphore, #tpu.memory_space<semaphore_mem>>)
      } else {
      }
      %dma_wait3A_295 = arith.constant 0 : i32
      %dma_wait3A_296 = arith.constant 19 : i32
      %dma_wait3A_297 = arith.constant 1 : i32
      %dma_wait3A_298 = arith.constant 0 : i32
      %dma_wait3A_299 = arith.constant 0 : i32
      %dma_wait3A_300 = tpu.memref_slice %arg7[%dma_wait3A_297, %dma_wait3A_298, %dma_wait3A_299] : memref<2x128x128xf32, #tpu.memory_space<vmem>> -> memref<1x128x128xf32, #tpu.memory_space<vmem>>
      %dma_wait3A_301 = tpu.memref_squeeze %dma_wait3A_300 : memref<1x128x128xf32, #tpu.memory_space<vmem>> -> memref<128x128xf32, #tpu.memory_space<vmem>>
      %dma_wait3A_302 = arith.constant 0 : i32
      %dma_wait3A_303 = arith.constant 0 : i32
      %dma_wait3A_304 = tpu.memref_slice %arg6[%dma_wait3A_295, %dma_wait3A_302, %dma_wait3A_303] : memref<2x20x128xi32, #tpu.memory_space<vmem>> -> memref<1x20x128xi32, #tpu.memory_space<vmem>>
      %dma_wait3A_305 = tpu.memref_squeeze %dma_wait3A_304 : memref<1x20x128xi32, #tpu.memory_space<vmem>> -> memref<20x128xi32, #tpu.memory_space<vmem>>
      %dma_wait3A_306 = arith.constant 0 : i32
      %dma_wait3A_307 = tpu.memref_slice %dma_wait3A_305[%dma_wait3A_296, %dma_wait3A_306] : memref<20x128xi32, #tpu.memory_space<vmem>> -> memref<1x128xi32, #tpu.memory_space<vmem>>
      %dma_wait3A_308 = tpu.memref_squeeze %dma_wait3A_307 : memref<1x128xi32, #tpu.memory_space<vmem>> -> memref<128xi32, #tpu.memory_space<vmem>>
      %dma_wait3A_309 = arith.constant 0 : i32
      %dma_wait3A_310 = arith.constant 0 : i32
      %dma_wait3A_311 = tpu.memref_slice %arg2[%dma_wait3A_309, %dma_wait3A_310] : memref<10112x128xf32, #tpu.memory_space<hbm>> -> memref<10112x128xf32, #tpu.memory_space<hbm>>
      tpu.wait_indirect_dma semaphore(%arg8 : memref<!tpu.dma_semaphore, #tpu.memory_space<semaphore_mem>>) src(%dma_wait3A_311 : memref<10112x128xf32, #tpu.memory_space<hbm>>) dst(%dma_wait3A_301 : memref<128x128xf32, #tpu.memory_space<vmem>>)
      %dma_start3A_312 = arith.constant 1 : i32
      %dma_start3A_313 = arith.constant 0 : i32
      %dma_start3A_314 = arith.constant 19 : i32
      %dma_start3A_315 = arith.constant 0 : i32
      %dma_start3A_316 = arith.constant 0 : i32
      %dma_start3A_317 = tpu.memref_slice %arg7[%dma_start3A_312, %dma_start3A_315, %dma_start3A_316] : memref<2x128x128xf32, #tpu.memory_space<vmem>> -> memref<1x128x128xf32, #tpu.memory_space<vmem>>
      %dma_start3A_318 = tpu.memref_squeeze %dma_start3A_317 : memref<1x128x128xf32, #tpu.memory_space<vmem>> -> memref<128x128xf32, #tpu.memory_space<vmem>>
      %dma_start3A_319 = arith.constant 0 : i32
      %dma_start3A_320 = arith.constant 0 : i32
      %dma_start3A_321 = tpu.memref_slice %arg5[%dma_start3A_313, %dma_start3A_319, %dma_start3A_320] : memref<2x20x128xi32, #tpu.memory_space<vmem>> -> memref<1x20x128xi32, #tpu.memory_space<vmem>>
      %dma_start3A_322 = tpu.memref_squeeze %dma_start3A_321 : memref<1x20x128xi32, #tpu.memory_space<vmem>> -> memref<20x128xi32, #tpu.memory_space<vmem>>
      %dma_start3A_323 = arith.constant 0 : i32
      %dma_start3A_324 = tpu.memref_slice %dma_start3A_322[%dma_start3A_314, %dma_start3A_323] : memref<20x128xi32, #tpu.memory_space<vmem>> -> memref<1x128xi32, #tpu.memory_space<vmem>>
      %dma_start3A_325 = tpu.memref_squeeze %dma_start3A_324 : memref<1x128xi32, #tpu.memory_space<vmem>> -> memref<128xi32, #tpu.memory_space<vmem>>
      %dma_start3A_326 = arith.constant 0 : i32
      %dma_start3A_327 = arith.constant 0 : i32
      %dma_start3A_328 = tpu.memref_slice %arg11[%dma_start3A_326, %dma_start3A_327] : memref<10112x128xf32, #tpu.memory_space<vmem_shared>> -> memref<10112x128xf32, #tpu.memory_space<vmem_shared>>
      tpu.enqueue_indirect_dma source(%dma_start3A_318 : memref<128x128xf32, #tpu.memory_space<vmem>>) target(%dma_start3A_328 : memref<10112x128xf32, #tpu.memory_space<vmem_shared>>) offsets(%dma_start3A_325 : memref<128xi32, #tpu.memory_space<vmem>>) semaphore(%arg10 : memref<!tpu.dma_semaphore, #tpu.memory_space<semaphore_mem>>) {add = true}
    } else {
    }
    %gt3A_230 = arith.constant 1 : i32
    %gt3A_231 = arith.cmpi sgt, %sub3A_47, %gt3A_230 : i32
    %convert_element_type3A_232 = arith.extui %gt3A_231 : i1 to i32
    %cond3A_233 = arith.constant 0 : i32
    %cond3A_234 = arith.cmpi ne, %convert_element_type3A_232, %cond3A_233 : i32
    scf.if %cond3A_234 {
      %gt3A_263 = arith.constant 2 : i32
      %gt3A_264 = arith.cmpi sgt, %sub3A_47, %gt3A_263 : i32
      %convert_element_type3A_265 = arith.extui %gt3A_264 : i1 to i32
      %cond3A_266 = arith.constant 0 : i32
      %cond3A_267 = arith.cmpi ne, %convert_element_type3A_265, %cond3A_266 : i32
      scf.if %cond3A_267 {
        %add3A_329 = arith.constant 1 : i32
        %add3A_330 = arith.addi %select_n3A, %add3A_329 : i32
        %add3A_331 = arith.constant 1 : i32
        %add3A_332 = arith.addi %add3A_330, %add3A_331 : i32
        %dma_start3A_333 = arith.constant 0 : i32
        %dma_start3A_334 = arith.constant 0 : i32
        %dma_start3A_335 = arith.constant 0 : i32
        %dma_start3A_336 = arith.constant 0 : i32
        %dma_start3A_337 = tpu.memref_slice %arg5[%dma_start3A_334, %dma_start3A_335, %dma_start3A_336] : memref<2x20x128xi32, #tpu.memory_space<vmem>> -> memref<1x20x128xi32, #tpu.memory_space<vmem>>
        %dma_start3A_338 = tpu.memref_squeeze %dma_start3A_337 : memref<1x20x128xi32, #tpu.memory_space<vmem>> -> memref<20x128xi32, #tpu.memory_space<vmem>>
        %dma_start3A_339 = arith.constant 0 : i32
        %dma_start3A_340 = arith.constant 0 : i32
        %dma_start3A_341 = tpu.memref_slice %arg3[%dma_start3A_333, %add3A_332, %dma_start3A_339, %dma_start3A_340] : memref<2x125x20x128xi32, #tpu.memory_space<hbm>> -> memref<1x1x20x128xi32, #tpu.memory_space<hbm>>
        %dma_start3A_342 = tpu.memref_squeeze %dma_start3A_341 : memref<1x1x20x128xi32, #tpu.memory_space<hbm>> -> memref<20x128xi32, #tpu.memory_space<hbm>>
        %dma_start3A_343 = arith.constant 0 : i32
        %dma_start3A_344 = arith.constant 0 : i32
        %dma_start3A_345 = tpu.memref_slice %arg5[%dma_start3A_334, %dma_start3A_343, %dma_start3A_344] : memref<2x20x128xi32, #tpu.memory_space<vmem>> -> memref<1x20x128xi32, #tpu.memory_space<vmem>>
        %dma_start3A_346 = tpu.memref_squeeze %dma_start3A_345 : memref<1x20x128xi32, #tpu.memory_space<vmem>> -> memref<20x128xi32, #tpu.memory_space<vmem>>
        %dma_start3A_347 = arith.constant 0 : i32
        %dma_start3A_348 = arith.constant 0 : i32
        %dma_start3A_349 = tpu.memref_slice %arg3[%dma_start3A_333, %add3A_332, %dma_start3A_347, %dma_start3A_348] : memref<2x125x20x128xi32, #tpu.memory_space<hbm>> -> memref<1x1x20x128xi32, #tpu.memory_space<hbm>>
        %dma_start3A_350 = tpu.memref_squeeze %dma_start3A_349 : memref<1x1x20x128xi32, #tpu.memory_space<hbm>> -> memref<20x128xi32, #tpu.memory_space<hbm>>
        tpu.enqueue_dma source(%dma_start3A_350 : memref<20x128xi32, #tpu.memory_space<hbm>>) target(%dma_start3A_346 : memref<20x128xi32, #tpu.memory_space<vmem>>) target_semaphore(%arg9 : memref<!tpu.dma_semaphore, #tpu.memory_space<semaphore_mem>>)
        %add3A_351 = arith.constant 1 : i32
        %add3A_352 = arith.addi %select_n3A, %add3A_351 : i32
        %add3A_353 = arith.constant 1 : i32
        %add3A_354 = arith.addi %add3A_352, %add3A_353 : i32
        %dma_start3A_355 = arith.constant 1 : i32
        %dma_start3A_356 = arith.constant 0 : i32
        %dma_start3A_357 = arith.constant 0 : i32
        %dma_start3A_358 = arith.constant 0 : i32
        %dma_start3A_359 = tpu.memref_slice %arg6[%dma_start3A_356, %dma_start3A_357, %dma_start3A_358] : memref<2x20x128xi32, #tpu.memory_space<vmem>> -> memref<1x20x128xi32, #tpu.memory_space<vmem>>
        %dma_start3A_360 = tpu.memref_squeeze %dma_start3A_359 : memref<1x20x128xi32, #tpu.memory_space<vmem>> -> memref<20x128xi32, #tpu.memory_space<vmem>>
        %dma_start3A_361 = arith.constant 0 : i32
        %dma_start3A_362 = arith.constant 0 : i32
        %dma_start3A_363 = tpu.memref_slice %arg3[%dma_start3A_355, %add3A_354, %dma_start3A_361, %dma_start3A_362] : memref<2x125x20x128xi32, #tpu.memory_space<hbm>> -> memref<1x1x20x128xi32, #tpu.memory_space<hbm>>
        %dma_start3A_364 = tpu.memref_squeeze %dma_start3A_363 : memref<1x1x20x128xi32, #tpu.memory_space<hbm>> -> memref<20x128xi32, #tpu.memory_space<hbm>>
        %dma_start3A_365 = arith.constant 0 : i32
        %dma_start3A_366 = arith.constant 0 : i32
        %dma_start3A_367 = tpu.memref_slice %arg6[%dma_start3A_356, %dma_start3A_365, %dma_start3A_366] : memref<2x20x128xi32, #tpu.memory_space<vmem>> -> memref<1x20x128xi32, #tpu.memory_space<vmem>>
        %dma_start3A_368 = tpu.memref_squeeze %dma_start3A_367 : memref<1x20x128xi32, #tpu.memory_space<vmem>> -> memref<20x128xi32, #tpu.memory_space<vmem>>
        %dma_start3A_369 = arith.constant 0 : i32
        %dma_start3A_370 = arith.constant 0 : i32
        %dma_start3A_371 = tpu.memref_slice %arg3[%dma_start3A_355, %add3A_354, %dma_start3A_369, %dma_start3A_370] : memref<2x125x20x128xi32, #tpu.memory_space<hbm>> -> memref<1x1x20x128xi32, #tpu.memory_space<hbm>>
        %dma_start3A_372 = tpu.memref_squeeze %dma_start3A_371 : memref<1x1x20x128xi32, #tpu.memory_space<hbm>> -> memref<20x128xi32, #tpu.memory_space<hbm>>
        tpu.enqueue_dma source(%dma_start3A_372 : memref<20x128xi32, #tpu.memory_space<hbm>>) target(%dma_start3A_368 : memref<20x128xi32, #tpu.memory_space<vmem>>) target_semaphore(%arg9 : memref<!tpu.dma_semaphore, #tpu.memory_space<semaphore_mem>>)
      } else {
      }
      %scan3A_268 = arith.constant 1 : i32
      %scan3A_269 = arith.constant 1 : i32
      %scan3A_270 = arith.constant 0 : i32
      %scan3A_271 = arith.constant 0 : i32
      %scan3A_272 = arith.constant 19 : i32
      %scan3A_273 = arith.addi %scan3A_271, %scan3A_272 : i32
      %scan3A_274 = arith.constant 1 : i32
      %scan3A_275 = scf.for %scan3A_329 = %scan3A_271 to %scan3A_273 step %scan3A_274 iter_args(%scan3A_330 = %scan3A_270) -> (i32)  : i32 {
        %dma_wait3A_331 = arith.constant 0 : i32
        %dma_wait3A_332 = arith.constant 0 : i32
        %dma_wait3A_333 = arith.constant 0 : i32
        %dma_wait3A_334 = arith.constant 0 : i32
        %dma_wait3A_335 = arith.constant 0 : i32
        %dma_wait3A_336 = tpu.memref_slice %arg7[%dma_wait3A_331, %dma_wait3A_334, %dma_wait3A_335] : memref<2x128x128xf32, #tpu.memory_space<vmem>> -> memref<1x128x128xf32, #tpu.memory_space<vmem>>
        %dma_wait3A_337 = tpu.memref_squeeze %dma_wait3A_336 : memref<1x128x128xf32, #tpu.memory_space<vmem>> -> memref<128x128xf32, #tpu.memory_space<vmem>>
        %dma_wait3A_338 = arith.constant 0 : i32
        %dma_wait3A_339 = tpu.memref_slice %arg5[%dma_wait3A_332, %dma_wait3A_333, %dma_wait3A_338] : memref<2x20x128xi32, #tpu.memory_space<vmem>> -> memref<1x1x128xi32, #tpu.memory_space<vmem>>
        %dma_wait3A_340 = tpu.memref_squeeze %dma_wait3A_339 : memref<1x1x128xi32, #tpu.memory_space<vmem>> -> memref<128xi32, #tpu.memory_space<vmem>>
        %dma_wait3A_341 = arith.constant 0 : i32
        %dma_wait3A_342 = arith.constant 0 : i32
        %dma_wait3A_343 = tpu.memref_slice %arg11[%dma_wait3A_341, %dma_wait3A_342] : memref<10112x128xf32, #tpu.memory_space<vmem_shared>> -> memref<10112x128xf32, #tpu.memory_space<vmem_shared>>
        tpu.wait_indirect_dma semaphore(%arg10 : memref<!tpu.dma_semaphore, #tpu.memory_space<semaphore_mem>>) src(%dma_wait3A_337 : memref<128x128xf32, #tpu.memory_space<vmem>>) dst(%dma_wait3A_343 : memref<10112x128xf32, #tpu.memory_space<vmem_shared>>)
        %add3A_344 = arith.constant 1 : i32
        %add3A_345 = arith.addi %scan3A_329, %add3A_344 : i32
        %add3A_346 = arith.constant 1 : i32
        %add3A_347 = arith.addi %scan3A_329, %add3A_346 : i32
        %jit3A_348 = arith.constant 2 : i32
        %eq3A = arith.constant 0 : i32
        %eq3A_349 = arith.cmpi eq, %jit3A_348, %eq3A : i32
        %jit3A_350 = arith.constant 1 : i32
        %select_n3A_351 = arith.select %eq3A_349, %jit3A_350, %jit3A_348 : i32
        %rem3A_352 = arith.remsi %add3A_347, %select_n3A_351 : i32
        %ne3A_353 = arith.constant 0 : i32
        %ne3A_354 = arith.cmpi ne, %rem3A_352, %ne3A_353 : i32
        %lt3A = arith.constant 0 : i32
        %lt3A_355 = arith.cmpi slt, %rem3A_352, %lt3A : i32
        %lt3A_356 = arith.constant 0 : i32
        %lt3A_357 = arith.cmpi slt, %select_n3A_351, %lt3A_356 : i32
        %ne3A_358 = arith.xori %lt3A_355, %lt3A_357 : i1
        %and3A_359 = arith.andi %ne3A_358, %ne3A_354 : i1
        %add3A_360 = arith.addi %rem3A_352, %select_n3A_351 : i32
        %select_n3A_361 = arith.select %and3A_359, %add3A_360, %rem3A_352 : i32
        %dma_start3A_362 = arith.constant 0 : i32
        %dma_start3A_363 = arith.constant 0 : i32
        %dma_start3A_364 = tpu.memref_slice %arg7[%select_n3A_361, %dma_start3A_362, %dma_start3A_363] : memref<2x128x128xf32, #tpu.memory_space<vmem>> -> memref<1x128x128xf32, #tpu.memory_space<vmem>>
        %dma_start3A_365 = tpu.memref_squeeze %dma_start3A_364 : memref<1x128x128xf32, #tpu.memory_space<vmem>> -> memref<128x128xf32, #tpu.memory_space<vmem>>
        %dma_start3A_366 = arith.constant 0 : i32
        %dma_start3A_367 = arith.constant 0 : i32
        %dma_start3A_368 = tpu.memref_slice %arg6[%scan3A_268, %dma_start3A_366, %dma_start3A_367] : memref<2x20x128xi32, #tpu.memory_space<vmem>> -> memref<1x20x128xi32, #tpu.memory_space<vmem>>
        %dma_start3A_369 = tpu.memref_squeeze %dma_start3A_368 : memref<1x20x128xi32, #tpu.memory_space<vmem>> -> memref<20x128xi32, #tpu.memory_space<vmem>>
        %dma_start3A_370 = arith.constant 0 : i32
        %dma_start3A_371 = tpu.memref_slice %dma_start3A_369[%add3A_345, %dma_start3A_370] : memref<20x128xi32, #tpu.memory_space<vmem>> -> memref<1x128xi32, #tpu.memory_space<vmem>>
        %dma_start3A_372 = tpu.memref_squeeze %dma_start3A_371 : memref<1x128xi32, #tpu.memory_space<vmem>> -> memref<128xi32, #tpu.memory_space<vmem>>
        %dma_start3A_373 = arith.constant 0 : i32
        %dma_start3A_374 = arith.constant 0 : i32
        %dma_start3A_375 = tpu.memref_slice %arg2[%dma_start3A_373, %dma_start3A_374] : memref<10112x128xf32, #tpu.memory_space<hbm>> -> memref<10112x128xf32, #tpu.memory_space<hbm>>
        tpu.enqueue_indirect_dma source(%dma_start3A_375 : memref<10112x128xf32, #tpu.memory_space<hbm>>) target(%dma_start3A_365 : memref<128x128xf32, #tpu.memory_space<vmem>>) offsets(%dma_start3A_372 : memref<128xi32, #tpu.memory_space<vmem>>) semaphore(%arg8 : memref<!tpu.dma_semaphore, #tpu.memory_space<semaphore_mem>>)
        %jit3A_376 = arith.constant 2 : i32
        %eq3A_377 = arith.constant 0 : i32
        %eq3A_378 = arith.cmpi eq, %jit3A_376, %eq3A_377 : i32
        %jit3A_379 = arith.constant 1 : i32
        %select_n3A_380 = arith.select %eq3A_378, %jit3A_379, %jit3A_376 : i32
        %rem3A_381 = arith.remsi %scan3A_329, %select_n3A_380 : i32
        %ne3A_382 = arith.constant 0 : i32
        %ne3A_383 = arith.cmpi ne, %rem3A_381, %ne3A_382 : i32
        %lt3A_384 = arith.constant 0 : i32
        %lt3A_385 = arith.cmpi slt, %rem3A_381, %lt3A_384 : i32
        %lt3A_386 = arith.constant 0 : i32
        %lt3A_387 = arith.cmpi slt, %select_n3A_380, %lt3A_386 : i32
        %ne3A_388 = arith.xori %lt3A_385, %lt3A_387 : i1
        %and3A_389 = arith.andi %ne3A_388, %ne3A_383 : i1
        %add3A_390 = arith.addi %rem3A_381, %select_n3A_380 : i32
        %select_n3A_391 = arith.select %and3A_389, %add3A_390, %rem3A_381 : i32
        %dma_wait3A_392 = arith.constant 0 : i32
        %dma_wait3A_393 = arith.constant 0 : i32
        %dma_wait3A_394 = tpu.memref_slice %arg7[%select_n3A_391, %dma_wait3A_392, %dma_wait3A_393] : memref<2x128x128xf32, #tpu.memory_space<vmem>> -> memref<1x128x128xf32, #tpu.memory_space<vmem>>
        %dma_wait3A_395 = tpu.memref_squeeze %dma_wait3A_394 : memref<1x128x128xf32, #tpu.memory_space<vmem>> -> memref<128x128xf32, #tpu.memory_space<vmem>>
        %dma_wait3A_396 = arith.constant 0 : i32
        %dma_wait3A_397 = arith.constant 0 : i32
        %dma_wait3A_398 = tpu.memref_slice %arg6[%scan3A_268, %dma_wait3A_396, %dma_wait3A_397] : memref<2x20x128xi32, #tpu.memory_space<vmem>> -> memref<1x20x128xi32, #tpu.memory_space<vmem>>
        %dma_wait3A_399 = tpu.memref_squeeze %dma_wait3A_398 : memref<1x20x128xi32, #tpu.memory_space<vmem>> -> memref<20x128xi32, #tpu.memory_space<vmem>>
        %dma_wait3A_400 = arith.constant 0 : i32
        %dma_wait3A_401 = tpu.memref_slice %dma_wait3A_399[%scan3A_329, %dma_wait3A_400] : memref<20x128xi32, #tpu.memory_space<vmem>> -> memref<1x128xi32, #tpu.memory_space<vmem>>
        %dma_wait3A_402 = tpu.memref_squeeze %dma_wait3A_401 : memref<1x128xi32, #tpu.memory_space<vmem>> -> memref<128xi32, #tpu.memory_space<vmem>>
        %dma_wait3A_403 = arith.constant 0 : i32
        %dma_wait3A_404 = arith.constant 0 : i32
        %dma_wait3A_405 = tpu.memref_slice %arg2[%dma_wait3A_403, %dma_wait3A_404] : memref<10112x128xf32, #tpu.memory_space<hbm>> -> memref<10112x128xf32, #tpu.memory_space<hbm>>
        tpu.wait_indirect_dma semaphore(%arg8 : memref<!tpu.dma_semaphore, #tpu.memory_space<semaphore_mem>>) src(%dma_wait3A_405 : memref<10112x128xf32, #tpu.memory_space<hbm>>) dst(%dma_wait3A_395 : memref<128x128xf32, #tpu.memory_space<vmem>>)
        %jit3A_406 = arith.constant 2 : i32
        %eq3A_407 = arith.constant 0 : i32
        %eq3A_408 = arith.cmpi eq, %jit3A_406, %eq3A_407 : i32
        %jit3A_409 = arith.constant 1 : i32
        %select_n3A_410 = arith.select %eq3A_408, %jit3A_409, %jit3A_406 : i32
        %rem3A_411 = arith.remsi %scan3A_329, %select_n3A_410 : i32
        %ne3A_412 = arith.constant 0 : i32
        %ne3A_413 = arith.cmpi ne, %rem3A_411, %ne3A_412 : i32
        %lt3A_414 = arith.constant 0 : i32
        %lt3A_415 = arith.cmpi slt, %rem3A_411, %lt3A_414 : i32
        %lt3A_416 = arith.constant 0 : i32
        %lt3A_417 = arith.cmpi slt, %select_n3A_410, %lt3A_416 : i32
        %ne3A_418 = arith.xori %lt3A_415, %lt3A_417 : i1
        %and3A_419 = arith.andi %ne3A_418, %ne3A_413 : i1
        %add3A_420 = arith.addi %rem3A_411, %select_n3A_410 : i32
        %select_n3A_421 = arith.select %and3A_419, %add3A_420, %rem3A_411 : i32
        %dma_start3A_422 = arith.constant 0 : i32
        %dma_start3A_423 = arith.constant 0 : i32
        %dma_start3A_424 = tpu.memref_slice %arg7[%select_n3A_421, %dma_start3A_422, %dma_start3A_423] : memref<2x128x128xf32, #tpu.memory_space<vmem>> -> memref<1x128x128xf32, #tpu.memory_space<vmem>>
        %dma_start3A_425 = tpu.memref_squeeze %dma_start3A_424 : memref<1x128x128xf32, #tpu.memory_space<vmem>> -> memref<128x128xf32, #tpu.memory_space<vmem>>
        %dma_start3A_426 = arith.constant 0 : i32
        %dma_start3A_427 = arith.constant 0 : i32
        %dma_start3A_428 = tpu.memref_slice %arg5[%scan3A_269, %dma_start3A_426, %dma_start3A_427] : memref<2x20x128xi32, #tpu.memory_space<vmem>> -> memref<1x20x128xi32, #tpu.memory_space<vmem>>
        %dma_start3A_429 = tpu.memref_squeeze %dma_start3A_428 : memref<1x20x128xi32, #tpu.memory_space<vmem>> -> memref<20x128xi32, #tpu.memory_space<vmem>>
        %dma_start3A_430 = arith.constant 0 : i32
        %dma_start3A_431 = tpu.memref_slice %dma_start3A_429[%scan3A_329, %dma_start3A_430] : memref<20x128xi32, #tpu.memory_space<vmem>> -> memref<1x128xi32, #tpu.memory_space<vmem>>
        %dma_start3A_432 = tpu.memref_squeeze %dma_start3A_431 : memref<1x128xi32, #tpu.memory_space<vmem>> -> memref<128xi32, #tpu.memory_space<vmem>>
        %dma_start3A_433 = arith.constant 0 : i32
        %dma_start3A_434 = arith.constant 0 : i32
        %dma_start3A_435 = tpu.memref_slice %arg11[%dma_start3A_433, %dma_start3A_434] : memref<10112x128xf32, #tpu.memory_space<vmem_shared>> -> memref<10112x128xf32, #tpu.memory_space<vmem_shared>>
        tpu.enqueue_indirect_dma source(%dma_start3A_425 : memref<128x128xf32, #tpu.memory_space<vmem>>) target(%dma_start3A_435 : memref<10112x128xf32, #tpu.memory_space<vmem_shared>>) offsets(%dma_start3A_432 : memref<128xi32, #tpu.memory_space<vmem>>) semaphore(%arg10 : memref<!tpu.dma_semaphore, #tpu.memory_space<semaphore_mem>>) {add = true}
        %scan3A_436 = arith.constant 0 : i32
        scf.yield %scan3A_436 : i32
      }
      %scan3A_276 = arith.constant 19 : i32
      %dma_wait3A_277 = arith.constant 0 : i32
      %dma_wait3A_278 = arith.constant 0 : i32
      %dma_wait3A_279 = arith.constant 0 : i32
      %dma_wait3A_280 = arith.constant 0 : i32
      %dma_wait3A_281 = arith.constant 0 : i32
      %dma_wait3A_282 = tpu.memref_slice %arg7[%dma_wait3A_277, %dma_wait3A_280, %dma_wait3A_281] : memref<2x128x128xf32, #tpu.memory_space<vmem>> -> memref<1x128x128xf32, #tpu.memory_space<vmem>>
      %dma_wait3A_283 = tpu.memref_squeeze %dma_wait3A_282 : memref<1x128x128xf32, #tpu.memory_space<vmem>> -> memref<128x128xf32, #tpu.memory_space<vmem>>
      %dma_wait3A_284 = arith.constant 0 : i32
      %dma_wait3A_285 = tpu.memref_slice %arg5[%dma_wait3A_278, %dma_wait3A_279, %dma_wait3A_284] : memref<2x20x128xi32, #tpu.memory_space<vmem>> -> memref<1x1x128xi32, #tpu.memory_space<vmem>>
      %dma_wait3A_286 = tpu.memref_squeeze %dma_wait3A_285 : memref<1x1x128xi32, #tpu.memory_space<vmem>> -> memref<128xi32, #tpu.memory_space<vmem>>
      %dma_wait3A_287 = arith.constant 0 : i32
      %dma_wait3A_288 = arith.constant 0 : i32
      %dma_wait3A_289 = tpu.memref_slice %arg11[%dma_wait3A_287, %dma_wait3A_288] : memref<10112x128xf32, #tpu.memory_space<vmem_shared>> -> memref<10112x128xf32, #tpu.memory_space<vmem_shared>>
      tpu.wait_indirect_dma semaphore(%arg10 : memref<!tpu.dma_semaphore, #tpu.memory_space<semaphore_mem>>) src(%dma_wait3A_283 : memref<128x128xf32, #tpu.memory_space<vmem>>) dst(%dma_wait3A_289 : memref<10112x128xf32, #tpu.memory_space<vmem_shared>>)
      %gt3A_290 = arith.constant 2 : i32
      %gt3A_291 = arith.cmpi sgt, %sub3A_47, %gt3A_290 : i32
      %convert_element_type3A_292 = arith.extui %gt3A_291 : i1 to i32
      %cond3A_293 = arith.constant 0 : i32
      %cond3A_294 = arith.cmpi ne, %convert_element_type3A_292, %cond3A_293 : i32
      scf.if %cond3A_294 {
        %dma_wait3A_329 = arith.constant 0 : i32
        %dma_wait3A_330 = arith.constant 0 : i32
        %dma_wait3A_331 = arith.constant 0 : i32
        %dma_wait3A_332 = arith.constant 0 : i32
        %dma_wait3A_333 = tpu.memref_slice %arg5[%dma_wait3A_330, %dma_wait3A_331, %dma_wait3A_332] : memref<2x20x128xi32, #tpu.memory_space<vmem>> -> memref<1x20x128xi32, #tpu.memory_space<vmem>>
        %dma_wait3A_334 = tpu.memref_squeeze %dma_wait3A_333 : memref<1x20x128xi32, #tpu.memory_space<vmem>> -> memref<20x128xi32, #tpu.memory_space<vmem>>
        %dma_wait3A_335 = arith.constant 0 : i32
        %dma_wait3A_336 = arith.constant 0 : i32
        %dma_wait3A_337 = tpu.memref_slice %arg3[%dma_wait3A_329, %select_n3A, %dma_wait3A_335, %dma_wait3A_336] : memref<2x125x20x128xi32, #tpu.memory_space<hbm>> -> memref<1x1x20x128xi32, #tpu.memory_space<hbm>>
        %dma_wait3A_338 = tpu.memref_squeeze %dma_wait3A_337 : memref<1x1x20x128xi32, #tpu.memory_space<hbm>> -> memref<20x128xi32, #tpu.memory_space<hbm>>
        %dma_wait3A_339 = arith.constant 0 : i32
        %dma_wait3A_340 = arith.constant 0 : i32
        %dma_wait3A_341 = tpu.memref_slice %arg5[%dma_wait3A_330, %dma_wait3A_339, %dma_wait3A_340] : memref<2x20x128xi32, #tpu.memory_space<vmem>> -> memref<1x20x128xi32, #tpu.memory_space<vmem>>
        %dma_wait3A_342 = tpu.memref_squeeze %dma_wait3A_341 : memref<1x20x128xi32, #tpu.memory_space<vmem>> -> memref<20x128xi32, #tpu.memory_space<vmem>>
        %dma_wait3A_343 = arith.constant 0 : i32
        %dma_wait3A_344 = arith.constant 0 : i32
        %dma_wait3A_345 = tpu.memref_slice %arg3[%dma_wait3A_329, %select_n3A, %dma_wait3A_343, %dma_wait3A_344] : memref<2x125x20x128xi32, #tpu.memory_space<hbm>> -> memref<1x1x20x128xi32, #tpu.memory_space<hbm>>
        %dma_wait3A_346 = tpu.memref_squeeze %dma_wait3A_345 : memref<1x1x20x128xi32, #tpu.memory_space<hbm>> -> memref<20x128xi32, #tpu.memory_space<hbm>>
        tpu.wait_dma2 semaphore(%arg9 : memref<!tpu.dma_semaphore, #tpu.memory_space<semaphore_mem>>) src(%dma_wait3A_346 : memref<20x128xi32, #tpu.memory_space<hbm>>) dst(%dma_wait3A_342 : memref<20x128xi32, #tpu.memory_space<vmem>>)
        %dma_wait3A_347 = arith.constant 1 : i32
        %dma_wait3A_348 = arith.constant 0 : i32
        %dma_wait3A_349 = arith.constant 0 : i32
        %dma_wait3A_350 = arith.constant 0 : i32
        %dma_wait3A_351 = tpu.memref_slice %arg6[%dma_wait3A_348, %dma_wait3A_349, %dma_wait3A_350] : memref<2x20x128xi32, #tpu.memory_space<vmem>> -> memref<1x20x128xi32, #tpu.memory_space<vmem>>
        %dma_wait3A_352 = tpu.memref_squeeze %dma_wait3A_351 : memref<1x20x128xi32, #tpu.memory_space<vmem>> -> memref<20x128xi32, #tpu.memory_space<vmem>>
        %dma_wait3A_353 = arith.constant 0 : i32
        %dma_wait3A_354 = arith.constant 0 : i32
        %dma_wait3A_355 = tpu.memref_slice %arg3[%dma_wait3A_347, %select_n3A, %dma_wait3A_353, %dma_wait3A_354] : memref<2x125x20x128xi32, #tpu.memory_space<hbm>> -> memref<1x1x20x128xi32, #tpu.memory_space<hbm>>
        %dma_wait3A_356 = tpu.memref_squeeze %dma_wait3A_355 : memref<1x1x20x128xi32, #tpu.memory_space<hbm>> -> memref<20x128xi32, #tpu.memory_space<hbm>>
        %dma_wait3A_357 = arith.constant 0 : i32
        %dma_wait3A_358 = arith.constant 0 : i32
        %dma_wait3A_359 = tpu.memref_slice %arg6[%dma_wait3A_348, %dma_wait3A_357, %dma_wait3A_358] : memref<2x20x128xi32, #tpu.memory_space<vmem>> -> memref<1x20x128xi32, #tpu.memory_space<vmem>>
        %dma_wait3A_360 = tpu.memref_squeeze %dma_wait3A_359 : memref<1x20x128xi32, #tpu.memory_space<vmem>> -> memref<20x128xi32, #tpu.memory_space<vmem>>
        %dma_wait3A_361 = arith.constant 0 : i32
        %dma_wait3A_362 = arith.constant 0 : i32
        %dma_wait3A_363 = tpu.memref_slice %arg3[%dma_wait3A_347, %select_n3A, %dma_wait3A_361, %dma_wait3A_362] : memref<2x125x20x128xi32, #tpu.memory_space<hbm>> -> memref<1x1x20x128xi32, #tpu.memory_space<hbm>>
        %dma_wait3A_364 = tpu.memref_squeeze %dma_wait3A_363 : memref<1x1x20x128xi32, #tpu.memory_space<hbm>> -> memref<20x128xi32, #tpu.memory_space<hbm>>
        tpu.wait_dma2 semaphore(%arg9 : memref<!tpu.dma_semaphore, #tpu.memory_space<semaphore_mem>>) src(%dma_wait3A_364 : memref<20x128xi32, #tpu.memory_space<hbm>>) dst(%dma_wait3A_360 : memref<20x128xi32, #tpu.memory_space<vmem>>)
        %dma_start3A_365 = arith.constant 0 : i32
        %dma_start3A_366 = arith.constant 0 : i32
        %dma_start3A_367 = arith.constant 0 : i32
        %dma_start3A_368 = arith.constant 0 : i32
        %dma_start3A_369 = arith.constant 0 : i32
        %dma_start3A_370 = tpu.memref_slice %arg7[%dma_start3A_367, %dma_start3A_368, %dma_start3A_369] : memref<2x128x128xf32, #tpu.memory_space<vmem>> -> memref<1x128x128xf32, #tpu.memory_space<vmem>>
        %dma_start3A_371 = tpu.memref_squeeze %dma_start3A_370 : memref<1x128x128xf32, #tpu.memory_space<vmem>> -> memref<128x128xf32, #tpu.memory_space<vmem>>
        %dma_start3A_372 = arith.constant 0 : i32
        %dma_start3A_373 = tpu.memref_slice %arg6[%dma_start3A_365, %dma_start3A_366, %dma_start3A_372] : memref<2x20x128xi32, #tpu.memory_space<vmem>> -> memref<1x1x128xi32, #tpu.memory_space<vmem>>
        %dma_start3A_374 = tpu.memref_squeeze %dma_start3A_373 : memref<1x1x128xi32, #tpu.memory_space<vmem>> -> memref<128xi32, #tpu.memory_space<vmem>>
        %dma_start3A_375 = arith.constant 0 : i32
        %dma_start3A_376 = arith.constant 0 : i32
        %dma_start3A_377 = tpu.memref_slice %arg2[%dma_start3A_375, %dma_start3A_376] : memref<10112x128xf32, #tpu.memory_space<hbm>> -> memref<10112x128xf32, #tpu.memory_space<hbm>>
        tpu.enqueue_indirect_dma source(%dma_start3A_377 : memref<10112x128xf32, #tpu.memory_space<hbm>>) target(%dma_start3A_371 : memref<128x128xf32, #tpu.memory_space<vmem>>) offsets(%dma_start3A_374 : memref<128xi32, #tpu.memory_space<vmem>>) semaphore(%arg8 : memref<!tpu.dma_semaphore, #tpu.memory_space<semaphore_mem>>)
      } else {
      }
      %dma_wait3A_295 = arith.constant 1 : i32
      %dma_wait3A_296 = arith.constant 19 : i32
      %dma_wait3A_297 = arith.constant 1 : i32
      %dma_wait3A_298 = arith.constant 0 : i32
      %dma_wait3A_299 = arith.constant 0 : i32
      %dma_wait3A_300 = tpu.memref_slice %arg7[%dma_wait3A_297, %dma_wait3A_298, %dma_wait3A_299] : memref<2x128x128xf32, #tpu.memory_space<vmem>> -> memref<1x128x128xf32, #tpu.memory_space<vmem>>
      %dma_wait3A_301 = tpu.memref_squeeze %dma_wait3A_300 : memref<1x128x128xf32, #tpu.memory_space<vmem>> -> memref<128x128xf32, #tpu.memory_space<vmem>>
      %dma_wait3A_302 = arith.constant 0 : i32
      %dma_wait3A_303 = arith.constant 0 : i32
      %dma_wait3A_304 = tpu.memref_slice %arg6[%dma_wait3A_295, %dma_wait3A_302, %dma_wait3A_303] : memref<2x20x128xi32, #tpu.memory_space<vmem>> -> memref<1x20x128xi32, #tpu.memory_space<vmem>>
      %dma_wait3A_305 = tpu.memref_squeeze %dma_wait3A_304 : memref<1x20x128xi32, #tpu.memory_space<vmem>> -> memref<20x128xi32, #tpu.memory_space<vmem>>
      %dma_wait3A_306 = arith.constant 0 : i32
      %dma_wait3A_307 = tpu.memref_slice %dma_wait3A_305[%dma_wait3A_296, %dma_wait3A_306] : memref<20x128xi32, #tpu.memory_space<vmem>> -> memref<1x128xi32, #tpu.memory_space<vmem>>
      %dma_wait3A_308 = tpu.memref_squeeze %dma_wait3A_307 : memref<1x128xi32, #tpu.memory_space<vmem>> -> memref<128xi32, #tpu.memory_space<vmem>>
      %dma_wait3A_309 = arith.constant 0 : i32
      %dma_wait3A_310 = arith.constant 0 : i32
      %dma_wait3A_311 = tpu.memref_slice %arg2[%dma_wait3A_309, %dma_wait3A_310] : memref<10112x128xf32, #tpu.memory_space<hbm>> -> memref<10112x128xf32, #tpu.memory_space<hbm>>
      tpu.wait_indirect_dma semaphore(%arg8 : memref<!tpu.dma_semaphore, #tpu.memory_space<semaphore_mem>>) src(%dma_wait3A_311 : memref<10112x128xf32, #tpu.memory_space<hbm>>) dst(%dma_wait3A_301 : memref<128x128xf32, #tpu.memory_space<vmem>>)
      %dma_start3A_312 = arith.constant 1 : i32
      %dma_start3A_313 = arith.constant 1 : i32
      %dma_start3A_314 = arith.constant 19 : i32
      %dma_start3A_315 = arith.constant 0 : i32
      %dma_start3A_316 = arith.constant 0 : i32
      %dma_start3A_317 = tpu.memref_slice %arg7[%dma_start3A_312, %dma_start3A_315, %dma_start3A_316] : memref<2x128x128xf32, #tpu.memory_space<vmem>> -> memref<1x128x128xf32, #tpu.memory_space<vmem>>
      %dma_start3A_318 = tpu.memref_squeeze %dma_start3A_317 : memref<1x128x128xf32, #tpu.memory_space<vmem>> -> memref<128x128xf32, #tpu.memory_space<vmem>>
      %dma_start3A_319 = arith.constant 0 : i32
      %dma_start3A_320 = arith.constant 0 : i32
      %dma_start3A_321 = tpu.memref_slice %arg5[%dma_start3A_313, %dma_start3A_319, %dma_start3A_320] : memref<2x20x128xi32, #tpu.memory_space<vmem>> -> memref<1x20x128xi32, #tpu.memory_space<vmem>>
      %dma_start3A_322 = tpu.memref_squeeze %dma_start3A_321 : memref<1x20x128xi32, #tpu.memory_space<vmem>> -> memref<20x128xi32, #tpu.memory_space<vmem>>
      %dma_start3A_323 = arith.constant 0 : i32
      %dma_start3A_324 = tpu.memref_slice %dma_start3A_322[%dma_start3A_314, %dma_start3A_323] : memref<20x128xi32, #tpu.memory_space<vmem>> -> memref<1x128xi32, #tpu.memory_space<vmem>>
      %dma_start3A_325 = tpu.memref_squeeze %dma_start3A_324 : memref<1x128xi32, #tpu.memory_space<vmem>> -> memref<128xi32, #tpu.memory_space<vmem>>
      %dma_start3A_326 = arith.constant 0 : i32
      %dma_start3A_327 = arith.constant 0 : i32
      %dma_start3A_328 = tpu.memref_slice %arg11[%dma_start3A_326, %dma_start3A_327] : memref<10112x128xf32, #tpu.memory_space<vmem_shared>> -> memref<10112x128xf32, #tpu.memory_space<vmem_shared>>
      tpu.enqueue_indirect_dma source(%dma_start3A_318 : memref<128x128xf32, #tpu.memory_space<vmem>>) target(%dma_start3A_328 : memref<10112x128xf32, #tpu.memory_space<vmem_shared>>) offsets(%dma_start3A_325 : memref<128xi32, #tpu.memory_space<vmem>>) semaphore(%arg10 : memref<!tpu.dma_semaphore, #tpu.memory_space<semaphore_mem>>) {add = true}
    } else {
    }
    %gt3A_235 = arith.constant 2 : i32
    %gt3A_236 = arith.cmpi sgt, %sub3A_47, %gt3A_235 : i32
    %convert_element_type3A_237 = arith.extui %gt3A_236 : i1 to i32
    %cond3A_238 = arith.constant 0 : i32
    %cond3A_239 = arith.cmpi ne, %convert_element_type3A_237, %cond3A_238 : i32
    scf.if %cond3A_239 {
      %gt3A_263 = arith.constant 3 : i32
      %gt3A_264 = arith.cmpi sgt, %sub3A_47, %gt3A_263 : i32
      %convert_element_type3A_265 = arith.extui %gt3A_264 : i1 to i32
      %cond3A_266 = arith.constant 0 : i32
      %cond3A_267 = arith.cmpi ne, %convert_element_type3A_265, %cond3A_266 : i32
      scf.if %cond3A_267 {
        %add3A_329 = arith.constant 2 : i32
        %add3A_330 = arith.addi %select_n3A, %add3A_329 : i32
        %add3A_331 = arith.constant 1 : i32
        %add3A_332 = arith.addi %add3A_330, %add3A_331 : i32
        %dma_start3A_333 = arith.constant 0 : i32
        %dma_start3A_334 = arith.constant 1 : i32
        %dma_start3A_335 = arith.constant 0 : i32
        %dma_start3A_336 = arith.constant 0 : i32
        %dma_start3A_337 = tpu.memref_slice %arg5[%dma_start3A_334, %dma_start3A_335, %dma_start3A_336] : memref<2x20x128xi32, #tpu.memory_space<vmem>> -> memref<1x20x128xi32, #tpu.memory_space<vmem>>
        %dma_start3A_338 = tpu.memref_squeeze %dma_start3A_337 : memref<1x20x128xi32, #tpu.memory_space<vmem>> -> memref<20x128xi32, #tpu.memory_space<vmem>>
        %dma_start3A_339 = arith.constant 0 : i32
        %dma_start3A_340 = arith.constant 0 : i32
        %dma_start3A_341 = tpu.memref_slice %arg3[%dma_start3A_333, %add3A_332, %dma_start3A_339, %dma_start3A_340] : memref<2x125x20x128xi32, #tpu.memory_space<hbm>> -> memref<1x1x20x128xi32, #tpu.memory_space<hbm>>
        %dma_start3A_342 = tpu.memref_squeeze %dma_start3A_341 : memref<1x1x20x128xi32, #tpu.memory_space<hbm>> -> memref<20x128xi32, #tpu.memory_space<hbm>>
        %dma_start3A_343 = arith.constant 0 : i32
        %dma_start3A_344 = arith.constant 0 : i32
        %dma_start3A_345 = tpu.memref_slice %arg5[%dma_start3A_334, %dma_start3A_343, %dma_start3A_344] : memref<2x20x128xi32, #tpu.memory_space<vmem>> -> memref<1x20x128xi32, #tpu.memory_space<vmem>>
        %dma_start3A_346 = tpu.memref_squeeze %dma_start3A_345 : memref<1x20x128xi32, #tpu.memory_space<vmem>> -> memref<20x128xi32, #tpu.memory_space<vmem>>
        %dma_start3A_347 = arith.constant 0 : i32
        %dma_start3A_348 = arith.constant 0 : i32
        %dma_start3A_349 = tpu.memref_slice %arg3[%dma_start3A_333, %add3A_332, %dma_start3A_347, %dma_start3A_348] : memref<2x125x20x128xi32, #tpu.memory_space<hbm>> -> memref<1x1x20x128xi32, #tpu.memory_space<hbm>>
        %dma_start3A_350 = tpu.memref_squeeze %dma_start3A_349 : memref<1x1x20x128xi32, #tpu.memory_space<hbm>> -> memref<20x128xi32, #tpu.memory_space<hbm>>
        tpu.enqueue_dma source(%dma_start3A_350 : memref<20x128xi32, #tpu.memory_space<hbm>>) target(%dma_start3A_346 : memref<20x128xi32, #tpu.memory_space<vmem>>) target_semaphore(%arg9 : memref<!tpu.dma_semaphore, #tpu.memory_space<semaphore_mem>>)
        %add3A_351 = arith.constant 2 : i32
        %add3A_352 = arith.addi %select_n3A, %add3A_351 : i32
        %add3A_353 = arith.constant 1 : i32
        %add3A_354 = arith.addi %add3A_352, %add3A_353 : i32
        %dma_start3A_355 = arith.constant 1 : i32
        %dma_start3A_356 = arith.constant 1 : i32
        %dma_start3A_357 = arith.constant 0 : i32
        %dma_start3A_358 = arith.constant 0 : i32
        %dma_start3A_359 = tpu.memref_slice %arg6[%dma_start3A_356, %dma_start3A_357, %dma_start3A_358] : memref<2x20x128xi32, #tpu.memory_space<vmem>> -> memref<1x20x128xi32, #tpu.memory_space<vmem>>
        %dma_start3A_360 = tpu.memref_squeeze %dma_start3A_359 : memref<1x20x128xi32, #tpu.memory_space<vmem>> -> memref<20x128xi32, #tpu.memory_space<vmem>>
        %dma_start3A_361 = arith.constant 0 : i32
        %dma_start3A_362 = arith.constant 0 : i32
        %dma_start3A_363 = tpu.memref_slice %arg3[%dma_start3A_355, %add3A_354, %dma_start3A_361, %dma_start3A_362] : memref<2x125x20x128xi32, #tpu.memory_space<hbm>> -> memref<1x1x20x128xi32, #tpu.memory_space<hbm>>
        %dma_start3A_364 = tpu.memref_squeeze %dma_start3A_363 : memref<1x1x20x128xi32, #tpu.memory_space<hbm>> -> memref<20x128xi32, #tpu.memory_space<hbm>>
        %dma_start3A_365 = arith.constant 0 : i32
        %dma_start3A_366 = arith.constant 0 : i32
        %dma_start3A_367 = tpu.memref_slice %arg6[%dma_start3A_356, %dma_start3A_365, %dma_start3A_366] : memref<2x20x128xi32, #tpu.memory_space<vmem>> -> memref<1x20x128xi32, #tpu.memory_space<vmem>>
        %dma_start3A_368 = tpu.memref_squeeze %dma_start3A_367 : memref<1x20x128xi32, #tpu.memory_space<vmem>> -> memref<20x128xi32, #tpu.memory_space<vmem>>
        %dma_start3A_369 = arith.constant 0 : i32
        %dma_start3A_370 = arith.constant 0 : i32
        %dma_start3A_371 = tpu.memref_slice %arg3[%dma_start3A_355, %add3A_354, %dma_start3A_369, %dma_start3A_370] : memref<2x125x20x128xi32, #tpu.memory_space<hbm>> -> memref<1x1x20x128xi32, #tpu.memory_space<hbm>>
        %dma_start3A_372 = tpu.memref_squeeze %dma_start3A_371 : memref<1x1x20x128xi32, #tpu.memory_space<hbm>> -> memref<20x128xi32, #tpu.memory_space<hbm>>
        tpu.enqueue_dma source(%dma_start3A_372 : memref<20x128xi32, #tpu.memory_space<hbm>>) target(%dma_start3A_368 : memref<20x128xi32, #tpu.memory_space<vmem>>) target_semaphore(%arg9 : memref<!tpu.dma_semaphore, #tpu.memory_space<semaphore_mem>>)
      } else {
      }
      %scan3A_268 = arith.constant 0 : i32
      %scan3A_269 = arith.constant 0 : i32
      %scan3A_270 = arith.constant 0 : i32
      %scan3A_271 = arith.constant 0 : i32
      %scan3A_272 = arith.constant 19 : i32
      %scan3A_273 = arith.addi %scan3A_271, %scan3A_272 : i32
      %scan3A_274 = arith.constant 1 : i32
      %scan3A_275 = scf.for %scan3A_329 = %scan3A_271 to %scan3A_273 step %scan3A_274 iter_args(%scan3A_330 = %scan3A_270) -> (i32)  : i32 {
        %dma_wait3A_331 = arith.constant 0 : i32
        %dma_wait3A_332 = arith.constant 0 : i32
        %dma_wait3A_333 = arith.constant 0 : i32
        %dma_wait3A_334 = arith.constant 0 : i32
        %dma_wait3A_335 = arith.constant 0 : i32
        %dma_wait3A_336 = tpu.memref_slice %arg7[%dma_wait3A_331, %dma_wait3A_334, %dma_wait3A_335] : memref<2x128x128xf32, #tpu.memory_space<vmem>> -> memref<1x128x128xf32, #tpu.memory_space<vmem>>
        %dma_wait3A_337 = tpu.memref_squeeze %dma_wait3A_336 : memref<1x128x128xf32, #tpu.memory_space<vmem>> -> memref<128x128xf32, #tpu.memory_space<vmem>>
        %dma_wait3A_338 = arith.constant 0 : i32
        %dma_wait3A_339 = tpu.memref_slice %arg5[%dma_wait3A_332, %dma_wait3A_333, %dma_wait3A_338] : memref<2x20x128xi32, #tpu.memory_space<vmem>> -> memref<1x1x128xi32, #tpu.memory_space<vmem>>
        %dma_wait3A_340 = tpu.memref_squeeze %dma_wait3A_339 : memref<1x1x128xi32, #tpu.memory_space<vmem>> -> memref<128xi32, #tpu.memory_space<vmem>>
        %dma_wait3A_341 = arith.constant 0 : i32
        %dma_wait3A_342 = arith.constant 0 : i32
        %dma_wait3A_343 = tpu.memref_slice %arg11[%dma_wait3A_341, %dma_wait3A_342] : memref<10112x128xf32, #tpu.memory_space<vmem_shared>> -> memref<10112x128xf32, #tpu.memory_space<vmem_shared>>
        tpu.wait_indirect_dma semaphore(%arg10 : memref<!tpu.dma_semaphore, #tpu.memory_space<semaphore_mem>>) src(%dma_wait3A_337 : memref<128x128xf32, #tpu.memory_space<vmem>>) dst(%dma_wait3A_343 : memref<10112x128xf32, #tpu.memory_space<vmem_shared>>)
        %add3A_344 = arith.constant 1 : i32
        %add3A_345 = arith.addi %scan3A_329, %add3A_344 : i32
        %add3A_346 = arith.constant 1 : i32
        %add3A_347 = arith.addi %scan3A_329, %add3A_346 : i32
        %jit3A_348 = arith.constant 2 : i32
        %eq3A = arith.constant 0 : i32
        %eq3A_349 = arith.cmpi eq, %jit3A_348, %eq3A : i32
        %jit3A_350 = arith.constant 1 : i32
        %select_n3A_351 = arith.select %eq3A_349, %jit3A_350, %jit3A_348 : i32
        %rem3A_352 = arith.remsi %add3A_347, %select_n3A_351 : i32
        %ne3A_353 = arith.constant 0 : i32
        %ne3A_354 = arith.cmpi ne, %rem3A_352, %ne3A_353 : i32
        %lt3A = arith.constant 0 : i32
        %lt3A_355 = arith.cmpi slt, %rem3A_352, %lt3A : i32
        %lt3A_356 = arith.constant 0 : i32
        %lt3A_357 = arith.cmpi slt, %select_n3A_351, %lt3A_356 : i32
        %ne3A_358 = arith.xori %lt3A_355, %lt3A_357 : i1
        %and3A_359 = arith.andi %ne3A_358, %ne3A_354 : i1
        %add3A_360 = arith.addi %rem3A_352, %select_n3A_351 : i32
        %select_n3A_361 = arith.select %and3A_359, %add3A_360, %rem3A_352 : i32
        %dma_start3A_362 = arith.constant 0 : i32
        %dma_start3A_363 = arith.constant 0 : i32
        %dma_start3A_364 = tpu.memref_slice %arg7[%select_n3A_361, %dma_start3A_362, %dma_start3A_363] : memref<2x128x128xf32, #tpu.memory_space<vmem>> -> memref<1x128x128xf32, #tpu.memory_space<vmem>>
        %dma_start3A_365 = tpu.memref_squeeze %dma_start3A_364 : memref<1x128x128xf32, #tpu.memory_space<vmem>> -> memref<128x128xf32, #tpu.memory_space<vmem>>
        %dma_start3A_366 = arith.constant 0 : i32
        %dma_start3A_367 = arith.constant 0 : i32
        %dma_start3A_368 = tpu.memref_slice %arg6[%scan3A_268, %dma_start3A_366, %dma_start3A_367] : memref<2x20x128xi32, #tpu.memory_space<vmem>> -> memref<1x20x128xi32, #tpu.memory_space<vmem>>
        %dma_start3A_369 = tpu.memref_squeeze %dma_start3A_368 : memref<1x20x128xi32, #tpu.memory_space<vmem>> -> memref<20x128xi32, #tpu.memory_space<vmem>>
        %dma_start3A_370 = arith.constant 0 : i32
        %dma_start3A_371 = tpu.memref_slice %dma_start3A_369[%add3A_345, %dma_start3A_370] : memref<20x128xi32, #tpu.memory_space<vmem>> -> memref<1x128xi32, #tpu.memory_space<vmem>>
        %dma_start3A_372 = tpu.memref_squeeze %dma_start3A_371 : memref<1x128xi32, #tpu.memory_space<vmem>> -> memref<128xi32, #tpu.memory_space<vmem>>
        %dma_start3A_373 = arith.constant 0 : i32
        %dma_start3A_374 = arith.constant 0 : i32
        %dma_start3A_375 = tpu.memref_slice %arg2[%dma_start3A_373, %dma_start3A_374] : memref<10112x128xf32, #tpu.memory_space<hbm>> -> memref<10112x128xf32, #tpu.memory_space<hbm>>
        tpu.enqueue_indirect_dma source(%dma_start3A_375 : memref<10112x128xf32, #tpu.memory_space<hbm>>) target(%dma_start3A_365 : memref<128x128xf32, #tpu.memory_space<vmem>>) offsets(%dma_start3A_372 : memref<128xi32, #tpu.memory_space<vmem>>) semaphore(%arg8 : memref<!tpu.dma_semaphore, #tpu.memory_space<semaphore_mem>>)
        %jit3A_376 = arith.constant 2 : i32
        %eq3A_377 = arith.constant 0 : i32
        %eq3A_378 = arith.cmpi eq, %jit3A_376, %eq3A_377 : i32
        %jit3A_379 = arith.constant 1 : i32
        %select_n3A_380 = arith.select %eq3A_378, %jit3A_379, %jit3A_376 : i32
        %rem3A_381 = arith.remsi %scan3A_329, %select_n3A_380 : i32
        %ne3A_382 = arith.constant 0 : i32
        %ne3A_383 = arith.cmpi ne, %rem3A_381, %ne3A_382 : i32
        %lt3A_384 = arith.constant 0 : i32
        %lt3A_385 = arith.cmpi slt, %rem3A_381, %lt3A_384 : i32
        %lt3A_386 = arith.constant 0 : i32
        %lt3A_387 = arith.cmpi slt, %select_n3A_380, %lt3A_386 : i32
        %ne3A_388 = arith.xori %lt3A_385, %lt3A_387 : i1
        %and3A_389 = arith.andi %ne3A_388, %ne3A_383 : i1
        %add3A_390 = arith.addi %rem3A_381, %select_n3A_380 : i32
        %select_n3A_391 = arith.select %and3A_389, %add3A_390, %rem3A_381 : i32
        %dma_wait3A_392 = arith.constant 0 : i32
        %dma_wait3A_393 = arith.constant 0 : i32
        %dma_wait3A_394 = tpu.memref_slice %arg7[%select_n3A_391, %dma_wait3A_392, %dma_wait3A_393] : memref<2x128x128xf32, #tpu.memory_space<vmem>> -> memref<1x128x128xf32, #tpu.memory_space<vmem>>
        %dma_wait3A_395 = tpu.memref_squeeze %dma_wait3A_394 : memref<1x128x128xf32, #tpu.memory_space<vmem>> -> memref<128x128xf32, #tpu.memory_space<vmem>>
        %dma_wait3A_396 = arith.constant 0 : i32
        %dma_wait3A_397 = arith.constant 0 : i32
        %dma_wait3A_398 = tpu.memref_slice %arg6[%scan3A_268, %dma_wait3A_396, %dma_wait3A_397] : memref<2x20x128xi32, #tpu.memory_space<vmem>> -> memref<1x20x128xi32, #tpu.memory_space<vmem>>
        %dma_wait3A_399 = tpu.memref_squeeze %dma_wait3A_398 : memref<1x20x128xi32, #tpu.memory_space<vmem>> -> memref<20x128xi32, #tpu.memory_space<vmem>>
        %dma_wait3A_400 = arith.constant 0 : i32
        %dma_wait3A_401 = tpu.memref_slice %dma_wait3A_399[%scan3A_329, %dma_wait3A_400] : memref<20x128xi32, #tpu.memory_space<vmem>> -> memref<1x128xi32, #tpu.memory_space<vmem>>
        %dma_wait3A_402 = tpu.memref_squeeze %dma_wait3A_401 : memref<1x128xi32, #tpu.memory_space<vmem>> -> memref<128xi32, #tpu.memory_space<vmem>>
        %dma_wait3A_403 = arith.constant 0 : i32
        %dma_wait3A_404 = arith.constant 0 : i32
        %dma_wait3A_405 = tpu.memref_slice %arg2[%dma_wait3A_403, %dma_wait3A_404] : memref<10112x128xf32, #tpu.memory_space<hbm>> -> memref<10112x128xf32, #tpu.memory_space<hbm>>
        tpu.wait_indirect_dma semaphore(%arg8 : memref<!tpu.dma_semaphore, #tpu.memory_space<semaphore_mem>>) src(%dma_wait3A_405 : memref<10112x128xf32, #tpu.memory_space<hbm>>) dst(%dma_wait3A_395 : memref<128x128xf32, #tpu.memory_space<vmem>>)
        %jit3A_406 = arith.constant 2 : i32
        %eq3A_407 = arith.constant 0 : i32
        %eq3A_408 = arith.cmpi eq, %jit3A_406, %eq3A_407 : i32
        %jit3A_409 = arith.constant 1 : i32
        %select_n3A_410 = arith.select %eq3A_408, %jit3A_409, %jit3A_406 : i32
        %rem3A_411 = arith.remsi %scan3A_329, %select_n3A_410 : i32
        %ne3A_412 = arith.constant 0 : i32
        %ne3A_413 = arith.cmpi ne, %rem3A_411, %ne3A_412 : i32
        %lt3A_414 = arith.constant 0 : i32
        %lt3A_415 = arith.cmpi slt, %rem3A_411, %lt3A_414 : i32
        %lt3A_416 = arith.constant 0 : i32
        %lt3A_417 = arith.cmpi slt, %select_n3A_410, %lt3A_416 : i32
        %ne3A_418 = arith.xori %lt3A_415, %lt3A_417 : i1
        %and3A_419 = arith.andi %ne3A_418, %ne3A_413 : i1
        %add3A_420 = arith.addi %rem3A_411, %select_n3A_410 : i32
        %select_n3A_421 = arith.select %and3A_419, %add3A_420, %rem3A_411 : i32
        %dma_start3A_422 = arith.constant 0 : i32
        %dma_start3A_423 = arith.constant 0 : i32
        %dma_start3A_424 = tpu.memref_slice %arg7[%select_n3A_421, %dma_start3A_422, %dma_start3A_423] : memref<2x128x128xf32, #tpu.memory_space<vmem>> -> memref<1x128x128xf32, #tpu.memory_space<vmem>>
        %dma_start3A_425 = tpu.memref_squeeze %dma_start3A_424 : memref<1x128x128xf32, #tpu.memory_space<vmem>> -> memref<128x128xf32, #tpu.memory_space<vmem>>
        %dma_start3A_426 = arith.constant 0 : i32
        %dma_start3A_427 = arith.constant 0 : i32
        %dma_start3A_428 = tpu.memref_slice %arg5[%scan3A_269, %dma_start3A_426, %dma_start3A_427] : memref<2x20x128xi32, #tpu.memory_space<vmem>> -> memref<1x20x128xi32, #tpu.memory_space<vmem>>
        %dma_start3A_429 = tpu.memref_squeeze %dma_start3A_428 : memref<1x20x128xi32, #tpu.memory_space<vmem>> -> memref<20x128xi32, #tpu.memory_space<vmem>>
        %dma_start3A_430 = arith.constant 0 : i32
        %dma_start3A_431 = tpu.memref_slice %dma_start3A_429[%scan3A_329, %dma_start3A_430] : memref<20x128xi32, #tpu.memory_space<vmem>> -> memref<1x128xi32, #tpu.memory_space<vmem>>
        %dma_start3A_432 = tpu.memref_squeeze %dma_start3A_431 : memref<1x128xi32, #tpu.memory_space<vmem>> -> memref<128xi32, #tpu.memory_space<vmem>>
        %dma_start3A_433 = arith.constant 0 : i32
        %dma_start3A_434 = arith.constant 0 : i32
        %dma_start3A_435 = tpu.memref_slice %arg11[%dma_start3A_433, %dma_start3A_434] : memref<10112x128xf32, #tpu.memory_space<vmem_shared>> -> memref<10112x128xf32, #tpu.memory_space<vmem_shared>>
        tpu.enqueue_indirect_dma source(%dma_start3A_425 : memref<128x128xf32, #tpu.memory_space<vmem>>) target(%dma_start3A_435 : memref<10112x128xf32, #tpu.memory_space<vmem_shared>>) offsets(%dma_start3A_432 : memref<128xi32, #tpu.memory_space<vmem>>) semaphore(%arg10 : memref<!tpu.dma_semaphore, #tpu.memory_space<semaphore_mem>>) {add = true}
        %scan3A_436 = arith.constant 0 : i32
        scf.yield %scan3A_436 : i32
      }
      %scan3A_276 = arith.constant 19 : i32
      %dma_wait3A_277 = arith.constant 0 : i32
      %dma_wait3A_278 = arith.constant 0 : i32
      %dma_wait3A_279 = arith.constant 0 : i32
      %dma_wait3A_280 = arith.constant 0 : i32
      %dma_wait3A_281 = arith.constant 0 : i32
      %dma_wait3A_282 = tpu.memref_slice %arg7[%dma_wait3A_277, %dma_wait3A_280, %dma_wait3A_281] : memref<2x128x128xf32, #tpu.memory_space<vmem>> -> memref<1x128x128xf32, #tpu.memory_space<vmem>>
      %dma_wait3A_283 = tpu.memref_squeeze %dma_wait3A_282 : memref<1x128x128xf32, #tpu.memory_space<vmem>> -> memref<128x128xf32, #tpu.memory_space<vmem>>
      %dma_wait3A_284 = arith.constant 0 : i32
      %dma_wait3A_285 = tpu.memref_slice %arg5[%dma_wait3A_278, %dma_wait3A_279, %dma_wait3A_284] : memref<2x20x128xi32, #tpu.memory_space<vmem>> -> memref<1x1x128xi32, #tpu.memory_space<vmem>>
      %dma_wait3A_286 = tpu.memref_squeeze %dma_wait3A_285 : memref<1x1x128xi32, #tpu.memory_space<vmem>> -> memref<128xi32, #tpu.memory_space<vmem>>
      %dma_wait3A_287 = arith.constant 0 : i32
      %dma_wait3A_288 = arith.constant 0 : i32
      %dma_wait3A_289 = tpu.memref_slice %arg11[%dma_wait3A_287, %dma_wait3A_288] : memref<10112x128xf32, #tpu.memory_space<vmem_shared>> -> memref<10112x128xf32, #tpu.memory_space<vmem_shared>>
      tpu.wait_indirect_dma semaphore(%arg10 : memref<!tpu.dma_semaphore, #tpu.memory_space<semaphore_mem>>) src(%dma_wait3A_283 : memref<128x128xf32, #tpu.memory_space<vmem>>) dst(%dma_wait3A_289 : memref<10112x128xf32, #tpu.memory_space<vmem_shared>>)
      %gt3A_290 = arith.constant 3 : i32
      %gt3A_291 = arith.cmpi sgt, %sub3A_47, %gt3A_290 : i32
      %convert_element_type3A_292 = arith.extui %gt3A_291 : i1 to i32
      %cond3A_293 = arith.constant 0 : i32
      %cond3A_294 = arith.cmpi ne, %convert_element_type3A_292, %cond3A_293 : i32
      scf.if %cond3A_294 {
        %dma_wait3A_329 = arith.constant 0 : i32
        %dma_wait3A_330 = arith.constant 1 : i32
        %dma_wait3A_331 = arith.constant 0 : i32
        %dma_wait3A_332 = arith.constant 0 : i32
        %dma_wait3A_333 = tpu.memref_slice %arg5[%dma_wait3A_330, %dma_wait3A_331, %dma_wait3A_332] : memref<2x20x128xi32, #tpu.memory_space<vmem>> -> memref<1x20x128xi32, #tpu.memory_space<vmem>>
        %dma_wait3A_334 = tpu.memref_squeeze %dma_wait3A_333 : memref<1x20x128xi32, #tpu.memory_space<vmem>> -> memref<20x128xi32, #tpu.memory_space<vmem>>
        %dma_wait3A_335 = arith.constant 0 : i32
        %dma_wait3A_336 = arith.constant 0 : i32
        %dma_wait3A_337 = tpu.memref_slice %arg3[%dma_wait3A_329, %select_n3A, %dma_wait3A_335, %dma_wait3A_336] : memref<2x125x20x128xi32, #tpu.memory_space<hbm>> -> memref<1x1x20x128xi32, #tpu.memory_space<hbm>>
        %dma_wait3A_338 = tpu.memref_squeeze %dma_wait3A_337 : memref<1x1x20x128xi32, #tpu.memory_space<hbm>> -> memref<20x128xi32, #tpu.memory_space<hbm>>
        %dma_wait3A_339 = arith.constant 0 : i32
        %dma_wait3A_340 = arith.constant 0 : i32
        %dma_wait3A_341 = tpu.memref_slice %arg5[%dma_wait3A_330, %dma_wait3A_339, %dma_wait3A_340] : memref<2x20x128xi32, #tpu.memory_space<vmem>> -> memref<1x20x128xi32, #tpu.memory_space<vmem>>
        %dma_wait3A_342 = tpu.memref_squeeze %dma_wait3A_341 : memref<1x20x128xi32, #tpu.memory_space<vmem>> -> memref<20x128xi32, #tpu.memory_space<vmem>>
        %dma_wait3A_343 = arith.constant 0 : i32
        %dma_wait3A_344 = arith.constant 0 : i32
        %dma_wait3A_345 = tpu.memref_slice %arg3[%dma_wait3A_329, %select_n3A, %dma_wait3A_343, %dma_wait3A_344] : memref<2x125x20x128xi32, #tpu.memory_space<hbm>> -> memref<1x1x20x128xi32, #tpu.memory_space<hbm>>
        %dma_wait3A_346 = tpu.memref_squeeze %dma_wait3A_345 : memref<1x1x20x128xi32, #tpu.memory_space<hbm>> -> memref<20x128xi32, #tpu.memory_space<hbm>>
        tpu.wait_dma2 semaphore(%arg9 : memref<!tpu.dma_semaphore, #tpu.memory_space<semaphore_mem>>) src(%dma_wait3A_346 : memref<20x128xi32, #tpu.memory_space<hbm>>) dst(%dma_wait3A_342 : memref<20x128xi32, #tpu.memory_space<vmem>>)
        %dma_wait3A_347 = arith.constant 1 : i32
        %dma_wait3A_348 = arith.constant 1 : i32
        %dma_wait3A_349 = arith.constant 0 : i32
        %dma_wait3A_350 = arith.constant 0 : i32
        %dma_wait3A_351 = tpu.memref_slice %arg6[%dma_wait3A_348, %dma_wait3A_349, %dma_wait3A_350] : memref<2x20x128xi32, #tpu.memory_space<vmem>> -> memref<1x20x128xi32, #tpu.memory_space<vmem>>
        %dma_wait3A_352 = tpu.memref_squeeze %dma_wait3A_351 : memref<1x20x128xi32, #tpu.memory_space<vmem>> -> memref<20x128xi32, #tpu.memory_space<vmem>>
        %dma_wait3A_353 = arith.constant 0 : i32
        %dma_wait3A_354 = arith.constant 0 : i32
        %dma_wait3A_355 = tpu.memref_slice %arg3[%dma_wait3A_347, %select_n3A, %dma_wait3A_353, %dma_wait3A_354] : memref<2x125x20x128xi32, #tpu.memory_space<hbm>> -> memref<1x1x20x128xi32, #tpu.memory_space<hbm>>
        %dma_wait3A_356 = tpu.memref_squeeze %dma_wait3A_355 : memref<1x1x20x128xi32, #tpu.memory_space<hbm>> -> memref<20x128xi32, #tpu.memory_space<hbm>>
        %dma_wait3A_357 = arith.constant 0 : i32
        %dma_wait3A_358 = arith.constant 0 : i32
        %dma_wait3A_359 = tpu.memref_slice %arg6[%dma_wait3A_348, %dma_wait3A_357, %dma_wait3A_358] : memref<2x20x128xi32, #tpu.memory_space<vmem>> -> memref<1x20x128xi32, #tpu.memory_space<vmem>>
        %dma_wait3A_360 = tpu.memref_squeeze %dma_wait3A_359 : memref<1x20x128xi32, #tpu.memory_space<vmem>> -> memref<20x128xi32, #tpu.memory_space<vmem>>
        %dma_wait3A_361 = arith.constant 0 : i32
        %dma_wait3A_362 = arith.constant 0 : i32
        %dma_wait3A_363 = tpu.memref_slice %arg3[%dma_wait3A_347, %select_n3A, %dma_wait3A_361, %dma_wait3A_362] : memref<2x125x20x128xi32, #tpu.memory_space<hbm>> -> memref<1x1x20x128xi32, #tpu.memory_space<hbm>>
        %dma_wait3A_364 = tpu.memref_squeeze %dma_wait3A_363 : memref<1x1x20x128xi32, #tpu.memory_space<hbm>> -> memref<20x128xi32, #tpu.memory_space<hbm>>
        tpu.wait_dma2 semaphore(%arg9 : memref<!tpu.dma_semaphore, #tpu.memory_space<semaphore_mem>>) src(%dma_wait3A_364 : memref<20x128xi32, #tpu.memory_space<hbm>>) dst(%dma_wait3A_360 : memref<20x128xi32, #tpu.memory_space<vmem>>)
        %dma_start3A_365 = arith.constant 1 : i32
        %dma_start3A_366 = arith.constant 0 : i32
        %dma_start3A_367 = arith.constant 0 : i32
        %dma_start3A_368 = arith.constant 0 : i32
        %dma_start3A_369 = arith.constant 0 : i32
        %dma_start3A_370 = tpu.memref_slice %arg7[%dma_start3A_367, %dma_start3A_368, %dma_start3A_369] : memref<2x128x128xf32, #tpu.memory_space<vmem>> -> memref<1x128x128xf32, #tpu.memory_space<vmem>>
        %dma_start3A_371 = tpu.memref_squeeze %dma_start3A_370 : memref<1x128x128xf32, #tpu.memory_space<vmem>> -> memref<128x128xf32, #tpu.memory_space<vmem>>
        %dma_start3A_372 = arith.constant 0 : i32
        %dma_start3A_373 = tpu.memref_slice %arg6[%dma_start3A_365, %dma_start3A_366, %dma_start3A_372] : memref<2x20x128xi32, #tpu.memory_space<vmem>> -> memref<1x1x128xi32, #tpu.memory_space<vmem>>
        %dma_start3A_374 = tpu.memref_squeeze %dma_start3A_373 : memref<1x1x128xi32, #tpu.memory_space<vmem>> -> memref<128xi32, #tpu.memory_space<vmem>>
        %dma_start3A_375 = arith.constant 0 : i32
        %dma_start3A_376 = arith.constant 0 : i32
        %dma_start3A_377 = tpu.memref_slice %arg2[%dma_start3A_375, %dma_start3A_376] : memref<10112x128xf32, #tpu.memory_space<hbm>> -> memref<10112x128xf32, #tpu.memory_space<hbm>>
        tpu.enqueue_indirect_dma source(%dma_start3A_377 : memref<10112x128xf32, #tpu.memory_space<hbm>>) target(%dma_start3A_371 : memref<128x128xf32, #tpu.memory_space<vmem>>) offsets(%dma_start3A_374 : memref<128xi32, #tpu.memory_space<vmem>>) semaphore(%arg8 : memref<!tpu.dma_semaphore, #tpu.memory_space<semaphore_mem>>)
      } else {
      }
      %dma_wait3A_295 = arith.constant 0 : i32
      %dma_wait3A_296 = arith.constant 19 : i32
      %dma_wait3A_297 = arith.constant 1 : i32
      %dma_wait3A_298 = arith.constant 0 : i32
      %dma_wait3A_299 = arith.constant 0 : i32
      %dma_wait3A_300 = tpu.memref_slice %arg7[%dma_wait3A_297, %dma_wait3A_298, %dma_wait3A_299] : memref<2x128x128xf32, #tpu.memory_space<vmem>> -> memref<1x128x128xf32, #tpu.memory_space<vmem>>
      %dma_wait3A_301 = tpu.memref_squeeze %dma_wait3A_300 : memref<1x128x128xf32, #tpu.memory_space<vmem>> -> memref<128x128xf32, #tpu.memory_space<vmem>>
      %dma_wait3A_302 = arith.constant 0 : i32
      %dma_wait3A_303 = arith.constant 0 : i32
      %dma_wait3A_304 = tpu.memref_slice %arg6[%dma_wait3A_295, %dma_wait3A_302, %dma_wait3A_303] : memref<2x20x128xi32, #tpu.memory_space<vmem>> -> memref<1x20x128xi32, #tpu.memory_space<vmem>>
      %dma_wait3A_305 = tpu.memref_squeeze %dma_wait3A_304 : memref<1x20x128xi32, #tpu.memory_space<vmem>> -> memref<20x128xi32, #tpu.memory_space<vmem>>
      %dma_wait3A_306 = arith.constant 0 : i32
      %dma_wait3A_307 = tpu.memref_slice %dma_wait3A_305[%dma_wait3A_296, %dma_wait3A_306] : memref<20x128xi32, #tpu.memory_space<vmem>> -> memref<1x128xi32, #tpu.memory_space<vmem>>
      %dma_wait3A_308 = tpu.memref_squeeze %dma_wait3A_307 : memref<1x128xi32, #tpu.memory_space<vmem>> -> memref<128xi32, #tpu.memory_space<vmem>>
      %dma_wait3A_309 = arith.constant 0 : i32
      %dma_wait3A_310 = arith.constant 0 : i32
      %dma_wait3A_311 = tpu.memref_slice %arg2[%dma_wait3A_309, %dma_wait3A_310] : memref<10112x128xf32, #tpu.memory_space<hbm>> -> memref<10112x128xf32, #tpu.memory_space<hbm>>
      tpu.wait_indirect_dma semaphore(%arg8 : memref<!tpu.dma_semaphore, #tpu.memory_space<semaphore_mem>>) src(%dma_wait3A_311 : memref<10112x128xf32, #tpu.memory_space<hbm>>) dst(%dma_wait3A_301 : memref<128x128xf32, #tpu.memory_space<vmem>>)
      %dma_start3A_312 = arith.constant 1 : i32
      %dma_start3A_313 = arith.constant 0 : i32
      %dma_start3A_314 = arith.constant 19 : i32
      %dma_start3A_315 = arith.constant 0 : i32
      %dma_start3A_316 = arith.constant 0 : i32
      %dma_start3A_317 = tpu.memref_slice %arg7[%dma_start3A_312, %dma_start3A_315, %dma_start3A_316] : memref<2x128x128xf32, #tpu.memory_space<vmem>> -> memref<1x128x128xf32, #tpu.memory_space<vmem>>
      %dma_start3A_318 = tpu.memref_squeeze %dma_start3A_317 : memref<1x128x128xf32, #tpu.memory_space<vmem>> -> memref<128x128xf32, #tpu.memory_space<vmem>>
      %dma_start3A_319 = arith.constant 0 : i32
      %dma_start3A_320 = arith.constant 0 : i32
      %dma_start3A_321 = tpu.memref_slice %arg5[%dma_start3A_313, %dma_start3A_319, %dma_start3A_320] : memref<2x20x128xi32, #tpu.memory_space<vmem>> -> memref<1x20x128xi32, #tpu.memory_space<vmem>>
      %dma_start3A_322 = tpu.memref_squeeze %dma_start3A_321 : memref<1x20x128xi32, #tpu.memory_space<vmem>> -> memref<20x128xi32, #tpu.memory_space<vmem>>
      %dma_start3A_323 = arith.constant 0 : i32
      %dma_start3A_324 = tpu.memref_slice %dma_start3A_322[%dma_start3A_314, %dma_start3A_323] : memref<20x128xi32, #tpu.memory_space<vmem>> -> memref<1x128xi32, #tpu.memory_space<vmem>>
      %dma_start3A_325 = tpu.memref_squeeze %dma_start3A_324 : memref<1x128xi32, #tpu.memory_space<vmem>> -> memref<128xi32, #tpu.memory_space<vmem>>
      %dma_start3A_326 = arith.constant 0 : i32
      %dma_start3A_327 = arith.constant 0 : i32
      %dma_start3A_328 = tpu.memref_slice %arg11[%dma_start3A_326, %dma_start3A_327] : memref<10112x128xf32, #tpu.memory_space<vmem_shared>> -> memref<10112x128xf32, #tpu.memory_space<vmem_shared>>
      tpu.enqueue_indirect_dma source(%dma_start3A_318 : memref<128x128xf32, #tpu.memory_space<vmem>>) target(%dma_start3A_328 : memref<10112x128xf32, #tpu.memory_space<vmem_shared>>) offsets(%dma_start3A_325 : memref<128xi32, #tpu.memory_space<vmem>>) semaphore(%arg10 : memref<!tpu.dma_semaphore, #tpu.memory_space<semaphore_mem>>) {add = true}
    } else {
    }
    %gt3A_240 = arith.constant 3 : i32
    %gt3A_241 = arith.cmpi sgt, %sub3A_47, %gt3A_240 : i32
    %convert_element_type3A_242 = arith.extui %gt3A_241 : i1 to i32
    %cond3A_243 = arith.constant 0 : i32
    %cond3A_244 = arith.cmpi ne, %convert_element_type3A_242, %cond3A_243 : i32
    scf.if %cond3A_244 {
      %gt3A_263 = arith.constant 4 : i32
      %gt3A_264 = arith.cmpi sgt, %sub3A_47, %gt3A_263 : i32
      %convert_element_type3A_265 = arith.extui %gt3A_264 : i1 to i32
      %cond3A_266 = arith.constant 0 : i32
      %cond3A_267 = arith.cmpi ne, %convert_element_type3A_265, %cond3A_266 : i32
      scf.if %cond3A_267 {
        %add3A_329 = arith.constant 3 : i32
        %add3A_330 = arith.addi %select_n3A, %add3A_329 : i32
        %add3A_331 = arith.constant 1 : i32
        %add3A_332 = arith.addi %add3A_330, %add3A_331 : i32
        %dma_start3A_333 = arith.constant 0 : i32
        %dma_start3A_334 = arith.constant 0 : i32
        %dma_start3A_335 = arith.constant 0 : i32
        %dma_start3A_336 = arith.constant 0 : i32
        %dma_start3A_337 = tpu.memref_slice %arg5[%dma_start3A_334, %dma_start3A_335, %dma_start3A_336] : memref<2x20x128xi32, #tpu.memory_space<vmem>> -> memref<1x20x128xi32, #tpu.memory_space<vmem>>
        %dma_start3A_338 = tpu.memref_squeeze %dma_start3A_337 : memref<1x20x128xi32, #tpu.memory_space<vmem>> -> memref<20x128xi32, #tpu.memory_space<vmem>>
        %dma_start3A_339 = arith.constant 0 : i32
        %dma_start3A_340 = arith.constant 0 : i32
        %dma_start3A_341 = tpu.memref_slice %arg3[%dma_start3A_333, %add3A_332, %dma_start3A_339, %dma_start3A_340] : memref<2x125x20x128xi32, #tpu.memory_space<hbm>> -> memref<1x1x20x128xi32, #tpu.memory_space<hbm>>
        %dma_start3A_342 = tpu.memref_squeeze %dma_start3A_341 : memref<1x1x20x128xi32, #tpu.memory_space<hbm>> -> memref<20x128xi32, #tpu.memory_space<hbm>>
        %dma_start3A_343 = arith.constant 0 : i32
        %dma_start3A_344 = arith.constant 0 : i32
        %dma_start3A_345 = tpu.memref_slice %arg5[%dma_start3A_334, %dma_start3A_343, %dma_start3A_344] : memref<2x20x128xi32, #tpu.memory_space<vmem>> -> memref<1x20x128xi32, #tpu.memory_space<vmem>>
        %dma_start3A_346 = tpu.memref_squeeze %dma_start3A_345 : memref<1x20x128xi32, #tpu.memory_space<vmem>> -> memref<20x128xi32, #tpu.memory_space<vmem>>
        %dma_start3A_347 = arith.constant 0 : i32
        %dma_start3A_348 = arith.constant 0 : i32
        %dma_start3A_349 = tpu.memref_slice %arg3[%dma_start3A_333, %add3A_332, %dma_start3A_347, %dma_start3A_348] : memref<2x125x20x128xi32, #tpu.memory_space<hbm>> -> memref<1x1x20x128xi32, #tpu.memory_space<hbm>>
        %dma_start3A_350 = tpu.memref_squeeze %dma_start3A_349 : memref<1x1x20x128xi32, #tpu.memory_space<hbm>> -> memref<20x128xi32, #tpu.memory_space<hbm>>
        tpu.enqueue_dma source(%dma_start3A_350 : memref<20x128xi32, #tpu.memory_space<hbm>>) target(%dma_start3A_346 : memref<20x128xi32, #tpu.memory_space<vmem>>) target_semaphore(%arg9 : memref<!tpu.dma_semaphore, #tpu.memory_space<semaphore_mem>>)
        %add3A_351 = arith.constant 3 : i32
        %add3A_352 = arith.addi %select_n3A, %add3A_351 : i32
        %add3A_353 = arith.constant 1 : i32
        %add3A_354 = arith.addi %add3A_352, %add3A_353 : i32
        %dma_start3A_355 = arith.constant 1 : i32
        %dma_start3A_356 = arith.constant 0 : i32
        %dma_start3A_357 = arith.constant 0 : i32
        %dma_start3A_358 = arith.constant 0 : i32
        %dma_start3A_359 = tpu.memref_slice %arg6[%dma_start3A_356, %dma_start3A_357, %dma_start3A_358] : memref<2x20x128xi32, #tpu.memory_space<vmem>> -> memref<1x20x128xi32, #tpu.memory_space<vmem>>
        %dma_start3A_360 = tpu.memref_squeeze %dma_start3A_359 : memref<1x20x128xi32, #tpu.memory_space<vmem>> -> memref<20x128xi32, #tpu.memory_space<vmem>>
        %dma_start3A_361 = arith.constant 0 : i32
        %dma_start3A_362 = arith.constant 0 : i32
        %dma_start3A_363 = tpu.memref_slice %arg3[%dma_start3A_355, %add3A_354, %dma_start3A_361, %dma_start3A_362] : memref<2x125x20x128xi32, #tpu.memory_space<hbm>> -> memref<1x1x20x128xi32, #tpu.memory_space<hbm>>
        %dma_start3A_364 = tpu.memref_squeeze %dma_start3A_363 : memref<1x1x20x128xi32, #tpu.memory_space<hbm>> -> memref<20x128xi32, #tpu.memory_space<hbm>>
        %dma_start3A_365 = arith.constant 0 : i32
        %dma_start3A_366 = arith.constant 0 : i32
        %dma_start3A_367 = tpu.memref_slice %arg6[%dma_start3A_356, %dma_start3A_365, %dma_start3A_366] : memref<2x20x128xi32, #tpu.memory_space<vmem>> -> memref<1x20x128xi32, #tpu.memory_space<vmem>>
        %dma_start3A_368 = tpu.memref_squeeze %dma_start3A_367 : memref<1x20x128xi32, #tpu.memory_space<vmem>> -> memref<20x128xi32, #tpu.memory_space<vmem>>
        %dma_start3A_369 = arith.constant 0 : i32
        %dma_start3A_370 = arith.constant 0 : i32
        %dma_start3A_371 = tpu.memref_slice %arg3[%dma_start3A_355, %add3A_354, %dma_start3A_369, %dma_start3A_370] : memref<2x125x20x128xi32, #tpu.memory_space<hbm>> -> memref<1x1x20x128xi32, #tpu.memory_space<hbm>>
        %dma_start3A_372 = tpu.memref_squeeze %dma_start3A_371 : memref<1x1x20x128xi32, #tpu.memory_space<hbm>> -> memref<20x128xi32, #tpu.memory_space<hbm>>
        tpu.enqueue_dma source(%dma_start3A_372 : memref<20x128xi32, #tpu.memory_space<hbm>>) target(%dma_start3A_368 : memref<20x128xi32, #tpu.memory_space<vmem>>) target_semaphore(%arg9 : memref<!tpu.dma_semaphore, #tpu.memory_space<semaphore_mem>>)
      } else {
      }
      %scan3A_268 = arith.constant 1 : i32
      %scan3A_269 = arith.constant 1 : i32
      %scan3A_270 = arith.constant 0 : i32
      %scan3A_271 = arith.constant 0 : i32
      %scan3A_272 = arith.constant 19 : i32
      %scan3A_273 = arith.addi %scan3A_271, %scan3A_272 : i32
      %scan3A_274 = arith.constant 1 : i32
      %scan3A_275 = scf.for %scan3A_329 = %scan3A_271 to %scan3A_273 step %scan3A_274 iter_args(%scan3A_330 = %scan3A_270) -> (i32)  : i32 {
        %dma_wait3A_331 = arith.constant 0 : i32
        %dma_wait3A_332 = arith.constant 0 : i32
        %dma_wait3A_333 = arith.constant 0 : i32
        %dma_wait3A_334 = arith.constant 0 : i32
        %dma_wait3A_335 = arith.constant 0 : i32
        %dma_wait3A_336 = tpu.memref_slice %arg7[%dma_wait3A_331, %dma_wait3A_334, %dma_wait3A_335] : memref<2x128x128xf32, #tpu.memory_space<vmem>> -> memref<1x128x128xf32, #tpu.memory_space<vmem>>
        %dma_wait3A_337 = tpu.memref_squeeze %dma_wait3A_336 : memref<1x128x128xf32, #tpu.memory_space<vmem>> -> memref<128x128xf32, #tpu.memory_space<vmem>>
        %dma_wait3A_338 = arith.constant 0 : i32
        %dma_wait3A_339 = tpu.memref_slice %arg5[%dma_wait3A_332, %dma_wait3A_333, %dma_wait3A_338] : memref<2x20x128xi32, #tpu.memory_space<vmem>> -> memref<1x1x128xi32, #tpu.memory_space<vmem>>
        %dma_wait3A_340 = tpu.memref_squeeze %dma_wait3A_339 : memref<1x1x128xi32, #tpu.memory_space<vmem>> -> memref<128xi32, #tpu.memory_space<vmem>>
        %dma_wait3A_341 = arith.constant 0 : i32
        %dma_wait3A_342 = arith.constant 0 : i32
        %dma_wait3A_343 = tpu.memref_slice %arg11[%dma_wait3A_341, %dma_wait3A_342] : memref<10112x128xf32, #tpu.memory_space<vmem_shared>> -> memref<10112x128xf32, #tpu.memory_space<vmem_shared>>
        tpu.wait_indirect_dma semaphore(%arg10 : memref<!tpu.dma_semaphore, #tpu.memory_space<semaphore_mem>>) src(%dma_wait3A_337 : memref<128x128xf32, #tpu.memory_space<vmem>>) dst(%dma_wait3A_343 : memref<10112x128xf32, #tpu.memory_space<vmem_shared>>)
        %add3A_344 = arith.constant 1 : i32
        %add3A_345 = arith.addi %scan3A_329, %add3A_344 : i32
        %add3A_346 = arith.constant 1 : i32
        %add3A_347 = arith.addi %scan3A_329, %add3A_346 : i32
        %jit3A_348 = arith.constant 2 : i32
        %eq3A = arith.constant 0 : i32
        %eq3A_349 = arith.cmpi eq, %jit3A_348, %eq3A : i32
        %jit3A_350 = arith.constant 1 : i32
        %select_n3A_351 = arith.select %eq3A_349, %jit3A_350, %jit3A_348 : i32
        %rem3A_352 = arith.remsi %add3A_347, %select_n3A_351 : i32
        %ne3A_353 = arith.constant 0 : i32
        %ne3A_354 = arith.cmpi ne, %rem3A_352, %ne3A_353 : i32
        %lt3A = arith.constant 0 : i32
        %lt3A_355 = arith.cmpi slt, %rem3A_352, %lt3A : i32
        %lt3A_356 = arith.constant 0 : i32
        %lt3A_357 = arith.cmpi slt, %select_n3A_351, %lt3A_356 : i32
        %ne3A_358 = arith.xori %lt3A_355, %lt3A_357 : i1
        %and3A_359 = arith.andi %ne3A_358, %ne3A_354 : i1
        %add3A_360 = arith.addi %rem3A_352, %select_n3A_351 : i32
        %select_n3A_361 = arith.select %and3A_359, %add3A_360, %rem3A_352 : i32
        %dma_start3A_362 = arith.constant 0 : i32
        %dma_start3A_363 = arith.constant 0 : i32
        %dma_start3A_364 = tpu.memref_slice %arg7[%select_n3A_361, %dma_start3A_362, %dma_start3A_363] : memref<2x128x128xf32, #tpu.memory_space<vmem>> -> memref<1x128x128xf32, #tpu.memory_space<vmem>>
        %dma_start3A_365 = tpu.memref_squeeze %dma_start3A_364 : memref<1x128x128xf32, #tpu.memory_space<vmem>> -> memref<128x128xf32, #tpu.memory_space<vmem>>
        %dma_start3A_366 = arith.constant 0 : i32
        %dma_start3A_367 = arith.constant 0 : i32
        %dma_start3A_368 = tpu.memref_slice %arg6[%scan3A_268, %dma_start3A_366, %dma_start3A_367] : memref<2x20x128xi32, #tpu.memory_space<vmem>> -> memref<1x20x128xi32, #tpu.memory_space<vmem>>
        %dma_start3A_369 = tpu.memref_squeeze %dma_start3A_368 : memref<1x20x128xi32, #tpu.memory_space<vmem>> -> memref<20x128xi32, #tpu.memory_space<vmem>>
        %dma_start3A_370 = arith.constant 0 : i32
        %dma_start3A_371 = tpu.memref_slice %dma_start3A_369[%add3A_345, %dma_start3A_370] : memref<20x128xi32, #tpu.memory_space<vmem>> -> memref<1x128xi32, #tpu.memory_space<vmem>>
        %dma_start3A_372 = tpu.memref_squeeze %dma_start3A_371 : memref<1x128xi32, #tpu.memory_space<vmem>> -> memref<128xi32, #tpu.memory_space<vmem>>
        %dma_start3A_373 = arith.constant 0 : i32
        %dma_start3A_374 = arith.constant 0 : i32
        %dma_start3A_375 = tpu.memref_slice %arg2[%dma_start3A_373, %dma_start3A_374] : memref<10112x128xf32, #tpu.memory_space<hbm>> -> memref<10112x128xf32, #tpu.memory_space<hbm>>
        tpu.enqueue_indirect_dma source(%dma_start3A_375 : memref<10112x128xf32, #tpu.memory_space<hbm>>) target(%dma_start3A_365 : memref<128x128xf32, #tpu.memory_space<vmem>>) offsets(%dma_start3A_372 : memref<128xi32, #tpu.memory_space<vmem>>) semaphore(%arg8 : memref<!tpu.dma_semaphore, #tpu.memory_space<semaphore_mem>>)
        %jit3A_376 = arith.constant 2 : i32
        %eq3A_377 = arith.constant 0 : i32
        %eq3A_378 = arith.cmpi eq, %jit3A_376, %eq3A_377 : i32
        %jit3A_379 = arith.constant 1 : i32
        %select_n3A_380 = arith.select %eq3A_378, %jit3A_379, %jit3A_376 : i32
        %rem3A_381 = arith.remsi %scan3A_329, %select_n3A_380 : i32
        %ne3A_382 = arith.constant 0 : i32
        %ne3A_383 = arith.cmpi ne, %rem3A_381, %ne3A_382 : i32
        %lt3A_384 = arith.constant 0 : i32
        %lt3A_385 = arith.cmpi slt, %rem3A_381, %lt3A_384 : i32
        %lt3A_386 = arith.constant 0 : i32
        %lt3A_387 = arith.cmpi slt, %select_n3A_380, %lt3A_386 : i32
        %ne3A_388 = arith.xori %lt3A_385, %lt3A_387 : i1
        %and3A_389 = arith.andi %ne3A_388, %ne3A_383 : i1
        %add3A_390 = arith.addi %rem3A_381, %select_n3A_380 : i32
        %select_n3A_391 = arith.select %and3A_389, %add3A_390, %rem3A_381 : i32
        %dma_wait3A_392 = arith.constant 0 : i32
        %dma_wait3A_393 = arith.constant 0 : i32
        %dma_wait3A_394 = tpu.memref_slice %arg7[%select_n3A_391, %dma_wait3A_392, %dma_wait3A_393] : memref<2x128x128xf32, #tpu.memory_space<vmem>> -> memref<1x128x128xf32, #tpu.memory_space<vmem>>
        %dma_wait3A_395 = tpu.memref_squeeze %dma_wait3A_394 : memref<1x128x128xf32, #tpu.memory_space<vmem>> -> memref<128x128xf32, #tpu.memory_space<vmem>>
        %dma_wait3A_396 = arith.constant 0 : i32
        %dma_wait3A_397 = arith.constant 0 : i32
        %dma_wait3A_398 = tpu.memref_slice %arg6[%scan3A_268, %dma_wait3A_396, %dma_wait3A_397] : memref<2x20x128xi32, #tpu.memory_space<vmem>> -> memref<1x20x128xi32, #tpu.memory_space<vmem>>
        %dma_wait3A_399 = tpu.memref_squeeze %dma_wait3A_398 : memref<1x20x128xi32, #tpu.memory_space<vmem>> -> memref<20x128xi32, #tpu.memory_space<vmem>>
        %dma_wait3A_400 = arith.constant 0 : i32
        %dma_wait3A_401 = tpu.memref_slice %dma_wait3A_399[%scan3A_329, %dma_wait3A_400] : memref<20x128xi32, #tpu.memory_space<vmem>> -> memref<1x128xi32, #tpu.memory_space<vmem>>
        %dma_wait3A_402 = tpu.memref_squeeze %dma_wait3A_401 : memref<1x128xi32, #tpu.memory_space<vmem>> -> memref<128xi32, #tpu.memory_space<vmem>>
        %dma_wait3A_403 = arith.constant 0 : i32
        %dma_wait3A_404 = arith.constant 0 : i32
        %dma_wait3A_405 = tpu.memref_slice %arg2[%dma_wait3A_403, %dma_wait3A_404] : memref<10112x128xf32, #tpu.memory_space<hbm>> -> memref<10112x128xf32, #tpu.memory_space<hbm>>
        tpu.wait_indirect_dma semaphore(%arg8 : memref<!tpu.dma_semaphore, #tpu.memory_space<semaphore_mem>>) src(%dma_wait3A_405 : memref<10112x128xf32, #tpu.memory_space<hbm>>) dst(%dma_wait3A_395 : memref<128x128xf32, #tpu.memory_space<vmem>>)
        %jit3A_406 = arith.constant 2 : i32
        %eq3A_407 = arith.constant 0 : i32
        %eq3A_408 = arith.cmpi eq, %jit3A_406, %eq3A_407 : i32
        %jit3A_409 = arith.constant 1 : i32
        %select_n3A_410 = arith.select %eq3A_408, %jit3A_409, %jit3A_406 : i32
        %rem3A_411 = arith.remsi %scan3A_329, %select_n3A_410 : i32
        %ne3A_412 = arith.constant 0 : i32
        %ne3A_413 = arith.cmpi ne, %rem3A_411, %ne3A_412 : i32
        %lt3A_414 = arith.constant 0 : i32
        %lt3A_415 = arith.cmpi slt, %rem3A_411, %lt3A_414 : i32
        %lt3A_416 = arith.constant 0 : i32
        %lt3A_417 = arith.cmpi slt, %select_n3A_410, %lt3A_416 : i32
        %ne3A_418 = arith.xori %lt3A_415, %lt3A_417 : i1
        %and3A_419 = arith.andi %ne3A_418, %ne3A_413 : i1
        %add3A_420 = arith.addi %rem3A_411, %select_n3A_410 : i32
        %select_n3A_421 = arith.select %and3A_419, %add3A_420, %rem3A_411 : i32
        %dma_start3A_422 = arith.constant 0 : i32
        %dma_start3A_423 = arith.constant 0 : i32
        %dma_start3A_424 = tpu.memref_slice %arg7[%select_n3A_421, %dma_start3A_422, %dma_start3A_423] : memref<2x128x128xf32, #tpu.memory_space<vmem>> -> memref<1x128x128xf32, #tpu.memory_space<vmem>>
        %dma_start3A_425 = tpu.memref_squeeze %dma_start3A_424 : memref<1x128x128xf32, #tpu.memory_space<vmem>> -> memref<128x128xf32, #tpu.memory_space<vmem>>
        %dma_start3A_426 = arith.constant 0 : i32
        %dma_start3A_427 = arith.constant 0 : i32
        %dma_start3A_428 = tpu.memref_slice %arg5[%scan3A_269, %dma_start3A_426, %dma_start3A_427] : memref<2x20x128xi32, #tpu.memory_space<vmem>> -> memref<1x20x128xi32, #tpu.memory_space<vmem>>
        %dma_start3A_429 = tpu.memref_squeeze %dma_start3A_428 : memref<1x20x128xi32, #tpu.memory_space<vmem>> -> memref<20x128xi32, #tpu.memory_space<vmem>>
        %dma_start3A_430 = arith.constant 0 : i32
        %dma_start3A_431 = tpu.memref_slice %dma_start3A_429[%scan3A_329, %dma_start3A_430] : memref<20x128xi32, #tpu.memory_space<vmem>> -> memref<1x128xi32, #tpu.memory_space<vmem>>
        %dma_start3A_432 = tpu.memref_squeeze %dma_start3A_431 : memref<1x128xi32, #tpu.memory_space<vmem>> -> memref<128xi32, #tpu.memory_space<vmem>>
        %dma_start3A_433 = arith.constant 0 : i32
        %dma_start3A_434 = arith.constant 0 : i32
        %dma_start3A_435 = tpu.memref_slice %arg11[%dma_start3A_433, %dma_start3A_434] : memref<10112x128xf32, #tpu.memory_space<vmem_shared>> -> memref<10112x128xf32, #tpu.memory_space<vmem_shared>>
        tpu.enqueue_indirect_dma source(%dma_start3A_425 : memref<128x128xf32, #tpu.memory_space<vmem>>) target(%dma_start3A_435 : memref<10112x128xf32, #tpu.memory_space<vmem_shared>>) offsets(%dma_start3A_432 : memref<128xi32, #tpu.memory_space<vmem>>) semaphore(%arg10 : memref<!tpu.dma_semaphore, #tpu.memory_space<semaphore_mem>>) {add = true}
        %scan3A_436 = arith.constant 0 : i32
        scf.yield %scan3A_436 : i32
      }
      %scan3A_276 = arith.constant 19 : i32
      %dma_wait3A_277 = arith.constant 0 : i32
      %dma_wait3A_278 = arith.constant 0 : i32
      %dma_wait3A_279 = arith.constant 0 : i32
      %dma_wait3A_280 = arith.constant 0 : i32
      %dma_wait3A_281 = arith.constant 0 : i32
      %dma_wait3A_282 = tpu.memref_slice %arg7[%dma_wait3A_277, %dma_wait3A_280, %dma_wait3A_281] : memref<2x128x128xf32, #tpu.memory_space<vmem>> -> memref<1x128x128xf32, #tpu.memory_space<vmem>>
      %dma_wait3A_283 = tpu.memref_squeeze %dma_wait3A_282 : memref<1x128x128xf32, #tpu.memory_space<vmem>> -> memref<128x128xf32, #tpu.memory_space<vmem>>
      %dma_wait3A_284 = arith.constant 0 : i32
      %dma_wait3A_285 = tpu.memref_slice %arg5[%dma_wait3A_278, %dma_wait3A_279, %dma_wait3A_284] : memref<2x20x128xi32, #tpu.memory_space<vmem>> -> memref<1x1x128xi32, #tpu.memory_space<vmem>>
      %dma_wait3A_286 = tpu.memref_squeeze %dma_wait3A_285 : memref<1x1x128xi32, #tpu.memory_space<vmem>> -> memref<128xi32, #tpu.memory_space<vmem>>
      %dma_wait3A_287 = arith.constant 0 : i32
      %dma_wait3A_288 = arith.constant 0 : i32
      %dma_wait3A_289 = tpu.memref_slice %arg11[%dma_wait3A_287, %dma_wait3A_288] : memref<10112x128xf32, #tpu.memory_space<vmem_shared>> -> memref<10112x128xf32, #tpu.memory_space<vmem_shared>>
      tpu.wait_indirect_dma semaphore(%arg10 : memref<!tpu.dma_semaphore, #tpu.memory_space<semaphore_mem>>) src(%dma_wait3A_283 : memref<128x128xf32, #tpu.memory_space<vmem>>) dst(%dma_wait3A_289 : memref<10112x128xf32, #tpu.memory_space<vmem_shared>>)
      %gt3A_290 = arith.constant 4 : i32
      %gt3A_291 = arith.cmpi sgt, %sub3A_47, %gt3A_290 : i32
      %convert_element_type3A_292 = arith.extui %gt3A_291 : i1 to i32
      %cond3A_293 = arith.constant 0 : i32
      %cond3A_294 = arith.cmpi ne, %convert_element_type3A_292, %cond3A_293 : i32
      scf.if %cond3A_294 {
        %dma_wait3A_329 = arith.constant 0 : i32
        %dma_wait3A_330 = arith.constant 0 : i32
        %dma_wait3A_331 = arith.constant 0 : i32
        %dma_wait3A_332 = arith.constant 0 : i32
        %dma_wait3A_333 = tpu.memref_slice %arg5[%dma_wait3A_330, %dma_wait3A_331, %dma_wait3A_332] : memref<2x20x128xi32, #tpu.memory_space<vmem>> -> memref<1x20x128xi32, #tpu.memory_space<vmem>>
        %dma_wait3A_334 = tpu.memref_squeeze %dma_wait3A_333 : memref<1x20x128xi32, #tpu.memory_space<vmem>> -> memref<20x128xi32, #tpu.memory_space<vmem>>
        %dma_wait3A_335 = arith.constant 0 : i32
        %dma_wait3A_336 = arith.constant 0 : i32
        %dma_wait3A_337 = tpu.memref_slice %arg3[%dma_wait3A_329, %select_n3A, %dma_wait3A_335, %dma_wait3A_336] : memref<2x125x20x128xi32, #tpu.memory_space<hbm>> -> memref<1x1x20x128xi32, #tpu.memory_space<hbm>>
        %dma_wait3A_338 = tpu.memref_squeeze %dma_wait3A_337 : memref<1x1x20x128xi32, #tpu.memory_space<hbm>> -> memref<20x128xi32, #tpu.memory_space<hbm>>
        %dma_wait3A_339 = arith.constant 0 : i32
        %dma_wait3A_340 = arith.constant 0 : i32
        %dma_wait3A_341 = tpu.memref_slice %arg5[%dma_wait3A_330, %dma_wait3A_339, %dma_wait3A_340] : memref<2x20x128xi32, #tpu.memory_space<vmem>> -> memref<1x20x128xi32, #tpu.memory_space<vmem>>
        %dma_wait3A_342 = tpu.memref_squeeze %dma_wait3A_341 : memref<1x20x128xi32, #tpu.memory_space<vmem>> -> memref<20x128xi32, #tpu.memory_space<vmem>>
        %dma_wait3A_343 = arith.constant 0 : i32
        %dma_wait3A_344 = arith.constant 0 : i32
        %dma_wait3A_345 = tpu.memref_slice %arg3[%dma_wait3A_329, %select_n3A, %dma_wait3A_343, %dma_wait3A_344] : memref<2x125x20x128xi32, #tpu.memory_space<hbm>> -> memref<1x1x20x128xi32, #tpu.memory_space<hbm>>
        %dma_wait3A_346 = tpu.memref_squeeze %dma_wait3A_345 : memref<1x1x20x128xi32, #tpu.memory_space<hbm>> -> memref<20x128xi32, #tpu.memory_space<hbm>>
        tpu.wait_dma2 semaphore(%arg9 : memref<!tpu.dma_semaphore, #tpu.memory_space<semaphore_mem>>) src(%dma_wait3A_346 : memref<20x128xi32, #tpu.memory_space<hbm>>) dst(%dma_wait3A_342 : memref<20x128xi32, #tpu.memory_space<vmem>>)
        %dma_wait3A_347 = arith.constant 1 : i32
        %dma_wait3A_348 = arith.constant 0 : i32
        %dma_wait3A_349 = arith.constant 0 : i32
        %dma_wait3A_350 = arith.constant 0 : i32
        %dma_wait3A_351 = tpu.memref_slice %arg6[%dma_wait3A_348, %dma_wait3A_349, %dma_wait3A_350] : memref<2x20x128xi32, #tpu.memory_space<vmem>> -> memref<1x20x128xi32, #tpu.memory_space<vmem>>
        %dma_wait3A_352 = tpu.memref_squeeze %dma_wait3A_351 : memref<1x20x128xi32, #tpu.memory_space<vmem>> -> memref<20x128xi32, #tpu.memory_space<vmem>>
        %dma_wait3A_353 = arith.constant 0 : i32
        %dma_wait3A_354 = arith.constant 0 : i32
        %dma_wait3A_355 = tpu.memref_slice %arg3[%dma_wait3A_347, %select_n3A, %dma_wait3A_353, %dma_wait3A_354] : memref<2x125x20x128xi32, #tpu.memory_space<hbm>> -> memref<1x1x20x128xi32, #tpu.memory_space<hbm>>
        %dma_wait3A_356 = tpu.memref_squeeze %dma_wait3A_355 : memref<1x1x20x128xi32, #tpu.memory_space<hbm>> -> memref<20x128xi32, #tpu.memory_space<hbm>>
        %dma_wait3A_357 = arith.constant 0 : i32
        %dma_wait3A_358 = arith.constant 0 : i32
        %dma_wait3A_359 = tpu.memref_slice %arg6[%dma_wait3A_348, %dma_wait3A_357, %dma_wait3A_358] : memref<2x20x128xi32, #tpu.memory_space<vmem>> -> memref<1x20x128xi32, #tpu.memory_space<vmem>>
        %dma_wait3A_360 = tpu.memref_squeeze %dma_wait3A_359 : memref<1x20x128xi32, #tpu.memory_space<vmem>> -> memref<20x128xi32, #tpu.memory_space<vmem>>
        %dma_wait3A_361 = arith.constant 0 : i32
        %dma_wait3A_362 = arith.constant 0 : i32
        %dma_wait3A_363 = tpu.memref_slice %arg3[%dma_wait3A_347, %select_n3A, %dma_wait3A_361, %dma_wait3A_362] : memref<2x125x20x128xi32, #tpu.memory_space<hbm>> -> memref<1x1x20x128xi32, #tpu.memory_space<hbm>>
        %dma_wait3A_364 = tpu.memref_squeeze %dma_wait3A_363 : memref<1x1x20x128xi32, #tpu.memory_space<hbm>> -> memref<20x128xi32, #tpu.memory_space<hbm>>
        tpu.wait_dma2 semaphore(%arg9 : memref<!tpu.dma_semaphore, #tpu.memory_space<semaphore_mem>>) src(%dma_wait3A_364 : memref<20x128xi32, #tpu.memory_space<hbm>>) dst(%dma_wait3A_360 : memref<20x128xi32, #tpu.memory_space<vmem>>)
        %dma_start3A_365 = arith.constant 0 : i32
        %dma_start3A_366 = arith.constant 0 : i32
        %dma_start3A_367 = arith.constant 0 : i32
        %dma_start3A_368 = arith.constant 0 : i32
        %dma_start3A_369 = arith.constant 0 : i32
        %dma_start3A_370 = tpu.memref_slice %arg7[%dma_start3A_367, %dma_start3A_368, %dma_start3A_369] : memref<2x128x128xf32, #tpu.memory_space<vmem>> -> memref<1x128x128xf32, #tpu.memory_space<vmem>>
        %dma_start3A_371 = tpu.memref_squeeze %dma_start3A_370 : memref<1x128x128xf32, #tpu.memory_space<vmem>> -> memref<128x128xf32, #tpu.memory_space<vmem>>
        %dma_start3A_372 = arith.constant 0 : i32
        %dma_start3A_373 = tpu.memref_slice %arg6[%dma_start3A_365, %dma_start3A_366, %dma_start3A_372] : memref<2x20x128xi32, #tpu.memory_space<vmem>> -> memref<1x1x128xi32, #tpu.memory_space<vmem>>
        %dma_start3A_374 = tpu.memref_squeeze %dma_start3A_373 : memref<1x1x128xi32, #tpu.memory_space<vmem>> -> memref<128xi32, #tpu.memory_space<vmem>>
        %dma_start3A_375 = arith.constant 0 : i32
        %dma_start3A_376 = arith.constant 0 : i32
        %dma_start3A_377 = tpu.memref_slice %arg2[%dma_start3A_375, %dma_start3A_376] : memref<10112x128xf32, #tpu.memory_space<hbm>> -> memref<10112x128xf32, #tpu.memory_space<hbm>>
        tpu.enqueue_indirect_dma source(%dma_start3A_377 : memref<10112x128xf32, #tpu.memory_space<hbm>>) target(%dma_start3A_371 : memref<128x128xf32, #tpu.memory_space<vmem>>) offsets(%dma_start3A_374 : memref<128xi32, #tpu.memory_space<vmem>>) semaphore(%arg8 : memref<!tpu.dma_semaphore, #tpu.memory_space<semaphore_mem>>)
      } else {
      }
      %dma_wait3A_295 = arith.constant 1 : i32
      %dma_wait3A_296 = arith.constant 19 : i32
      %dma_wait3A_297 = arith.constant 1 : i32
      %dma_wait3A_298 = arith.constant 0 : i32
      %dma_wait3A_299 = arith.constant 0 : i32
      %dma_wait3A_300 = tpu.memref_slice %arg7[%dma_wait3A_297, %dma_wait3A_298, %dma_wait3A_299] : memref<2x128x128xf32, #tpu.memory_space<vmem>> -> memref<1x128x128xf32, #tpu.memory_space<vmem>>
      %dma_wait3A_301 = tpu.memref_squeeze %dma_wait3A_300 : memref<1x128x128xf32, #tpu.memory_space<vmem>> -> memref<128x128xf32, #tpu.memory_space<vmem>>
      %dma_wait3A_302 = arith.constant 0 : i32
      %dma_wait3A_303 = arith.constant 0 : i32
      %dma_wait3A_304 = tpu.memref_slice %arg6[%dma_wait3A_295, %dma_wait3A_302, %dma_wait3A_303] : memref<2x20x128xi32, #tpu.memory_space<vmem>> -> memref<1x20x128xi32, #tpu.memory_space<vmem>>
      %dma_wait3A_305 = tpu.memref_squeeze %dma_wait3A_304 : memref<1x20x128xi32, #tpu.memory_space<vmem>> -> memref<20x128xi32, #tpu.memory_space<vmem>>
      %dma_wait3A_306 = arith.constant 0 : i32
      %dma_wait3A_307 = tpu.memref_slice %dma_wait3A_305[%dma_wait3A_296, %dma_wait3A_306] : memref<20x128xi32, #tpu.memory_space<vmem>> -> memref<1x128xi32, #tpu.memory_space<vmem>>
      %dma_wait3A_308 = tpu.memref_squeeze %dma_wait3A_307 : memref<1x128xi32, #tpu.memory_space<vmem>> -> memref<128xi32, #tpu.memory_space<vmem>>
      %dma_wait3A_309 = arith.constant 0 : i32
      %dma_wait3A_310 = arith.constant 0 : i32
      %dma_wait3A_311 = tpu.memref_slice %arg2[%dma_wait3A_309, %dma_wait3A_310] : memref<10112x128xf32, #tpu.memory_space<hbm>> -> memref<10112x128xf32, #tpu.memory_space<hbm>>
      tpu.wait_indirect_dma semaphore(%arg8 : memref<!tpu.dma_semaphore, #tpu.memory_space<semaphore_mem>>) src(%dma_wait3A_311 : memref<10112x128xf32, #tpu.memory_space<hbm>>) dst(%dma_wait3A_301 : memref<128x128xf32, #tpu.memory_space<vmem>>)
      %dma_start3A_312 = arith.constant 1 : i32
      %dma_start3A_313 = arith.constant 1 : i32
      %dma_start3A_314 = arith.constant 19 : i32
      %dma_start3A_315 = arith.constant 0 : i32
      %dma_start3A_316 = arith.constant 0 : i32
      %dma_start3A_317 = tpu.memref_slice %arg7[%dma_start3A_312, %dma_start3A_315, %dma_start3A_316] : memref<2x128x128xf32, #tpu.memory_space<vmem>> -> memref<1x128x128xf32, #tpu.memory_space<vmem>>
      %dma_start3A_318 = tpu.memref_squeeze %dma_start3A_317 : memref<1x128x128xf32, #tpu.memory_space<vmem>> -> memref<128x128xf32, #tpu.memory_space<vmem>>
      %dma_start3A_319 = arith.constant 0 : i32
      %dma_start3A_320 = arith.constant 0 : i32
      %dma_start3A_321 = tpu.memref_slice %arg5[%dma_start3A_313, %dma_start3A_319, %dma_start3A_320] : memref<2x20x128xi32, #tpu.memory_space<vmem>> -> memref<1x20x128xi32, #tpu.memory_space<vmem>>
      %dma_start3A_322 = tpu.memref_squeeze %dma_start3A_321 : memref<1x20x128xi32, #tpu.memory_space<vmem>> -> memref<20x128xi32, #tpu.memory_space<vmem>>
      %dma_start3A_323 = arith.constant 0 : i32
      %dma_start3A_324 = tpu.memref_slice %dma_start3A_322[%dma_start3A_314, %dma_start3A_323] : memref<20x128xi32, #tpu.memory_space<vmem>> -> memref<1x128xi32, #tpu.memory_space<vmem>>
      %dma_start3A_325 = tpu.memref_squeeze %dma_start3A_324 : memref<1x128xi32, #tpu.memory_space<vmem>> -> memref<128xi32, #tpu.memory_space<vmem>>
      %dma_start3A_326 = arith.constant 0 : i32
      %dma_start3A_327 = arith.constant 0 : i32
      %dma_start3A_328 = tpu.memref_slice %arg11[%dma_start3A_326, %dma_start3A_327] : memref<10112x128xf32, #tpu.memory_space<vmem_shared>> -> memref<10112x128xf32, #tpu.memory_space<vmem_shared>>
      tpu.enqueue_indirect_dma source(%dma_start3A_318 : memref<128x128xf32, #tpu.memory_space<vmem>>) target(%dma_start3A_328 : memref<10112x128xf32, #tpu.memory_space<vmem_shared>>) offsets(%dma_start3A_325 : memref<128xi32, #tpu.memory_space<vmem>>) semaphore(%arg10 : memref<!tpu.dma_semaphore, #tpu.memory_space<semaphore_mem>>) {add = true}
    } else {
    }
    %dma_wait3A_245 = arith.constant 0 : i32
    %dma_wait3A_246 = arith.constant 0 : i32
    %dma_wait3A_247 = arith.constant 0 : i32
    %dma_wait3A_248 = arith.constant 0 : i32
    %dma_wait3A_249 = arith.constant 0 : i32
    %dma_wait3A_250 = tpu.memref_slice %arg7[%dma_wait3A_245, %dma_wait3A_248, %dma_wait3A_249] : memref<2x128x128xf32, #tpu.memory_space<vmem>> -> memref<1x128x128xf32, #tpu.memory_space<vmem>>
    %dma_wait3A_251 = tpu.memref_squeeze %dma_wait3A_250 : memref<1x128x128xf32, #tpu.memory_space<vmem>> -> memref<128x128xf32, #tpu.memory_space<vmem>>
    %dma_wait3A_252 = arith.constant 0 : i32
    %dma_wait3A_253 = tpu.memref_slice %arg5[%dma_wait3A_246, %dma_wait3A_247, %dma_wait3A_252] : memref<2x20x128xi32, #tpu.memory_space<vmem>> -> memref<1x1x128xi32, #tpu.memory_space<vmem>>
    %dma_wait3A_254 = tpu.memref_squeeze %dma_wait3A_253 : memref<1x1x128xi32, #tpu.memory_space<vmem>> -> memref<128xi32, #tpu.memory_space<vmem>>
    %dma_wait3A_255 = arith.constant 0 : i32
    %dma_wait3A_256 = arith.constant 0 : i32
    %dma_wait3A_257 = tpu.memref_slice %arg11[%dma_wait3A_255, %dma_wait3A_256] : memref<10112x128xf32, #tpu.memory_space<vmem_shared>> -> memref<10112x128xf32, #tpu.memory_space<vmem_shared>>
    tpu.wait_indirect_dma semaphore(%arg10 : memref<!tpu.dma_semaphore, #tpu.memory_space<semaphore_mem>>) src(%dma_wait3A_251 : memref<128x128xf32, #tpu.memory_space<vmem>>) dst(%dma_wait3A_257 : memref<10112x128xf32, #tpu.memory_space<vmem_shared>>)
    %barrier3A_258 = arith.constant 0 : index
    tpu.barrier barrier_id(%barrier3A_258)
    %mul3A_259 = arith.constant 632 : i32
    %mul3A_260 = arith.muli %arg1, %mul3A_259 : i32
    %mul3A_261 = arith.constant 632 : i32
    %mul3A_262 = arith.muli %arg1, %mul3A_261 : i32
    "tpu.region"() ({
      %run_scoped3A_263 = tpu.sem_alloc : memref<!tpu.dma_semaphore, #tpu.memory_space<semaphore_mem>>
      %dma_start3A_264 = arith.constant 0 : i32
      %dma_start3A_265 = tpu.memref_slice %arg4[%arg0, %mul3A_262, %dma_start3A_264] : memref<2x10112x128xf32, #tpu.memory_space<hbm>> -> memref<1x632x128xf32, #tpu.memory_space<hbm>>
      %dma_start3A_266 = tpu.memref_squeeze %dma_start3A_265 : memref<1x632x128xf32, #tpu.memory_space<hbm>> -> memref<632x128xf32, #tpu.memory_space<hbm>>
      %dma_start3A_267 = arith.constant 0 : i32
      %dma_start3A_268 = tpu.memref_slice %arg11[%mul3A_260, %dma_start3A_267] : memref<10112x128xf32, #tpu.memory_space<vmem_shared>> -> memref<632x128xf32, #tpu.memory_space<vmem_shared>>
      tpu.enqueue_dma source(%dma_start3A_268 : memref<632x128xf32, #tpu.memory_space<vmem_shared>>) target(%dma_start3A_266 : memref<632x128xf32, #tpu.memory_space<hbm>>) target_semaphore(%run_scoped3A_263 : memref<!tpu.dma_semaphore, #tpu.memory_space<semaphore_mem>>)
      %dma_wait3A_269 = arith.constant 0 : i32
      %dma_wait3A_270 = tpu.memref_slice %arg4[%arg0, %mul3A_262, %dma_wait3A_269] : memref<2x10112x128xf32, #tpu.memory_space<hbm>> -> memref<1x632x128xf32, #tpu.memory_space<hbm>>
      %dma_wait3A_271 = tpu.memref_squeeze %dma_wait3A_270 : memref<1x632x128xf32, #tpu.memory_space<hbm>> -> memref<632x128xf32, #tpu.memory_space<hbm>>
      %dma_wait3A_272 = arith.constant 0 : i32
      %dma_wait3A_273 = tpu.memref_slice %arg11[%mul3A_260, %dma_wait3A_272] : memref<10112x128xf32, #tpu.memory_space<vmem_shared>> -> memref<632x128xf32, #tpu.memory_space<vmem_shared>>
      tpu.wait_dma2 semaphore(%run_scoped3A_263 : memref<!tpu.dma_semaphore, #tpu.memory_space<semaphore_mem>>) src(%dma_wait3A_273 : memref<632x128xf32, #tpu.memory_space<vmem_shared>>) dst(%dma_wait3A_271 : memref<632x128xf32, #tpu.memory_space<hbm>>)
      tpu.yield
    }) : () -> ()
    return
  }
}

module attributes {stable_mosaic.version = 14 : i64} {
  func.func @_scale_mm_blk_body(%arg0: i32, %arg1: memref<2x1264x16xf32, #tpu.memory_space<vmem>>, %arg2: memref<1264x128xf32, #tpu.memory_space<vmem>>, %arg3: memref<128x128xf32, #tpu.memory_space<vmem>>, %arg4: memref<1264x128xf32, #tpu.memory_space<vmem>>) attributes {dimension_semantics = [#tpu.dimension_semantics<arbitrary>], iteration_bounds = array<i64: 8>, scalar_prefetch = 0 : i64, scratch_operands = 0 : i64, tpu.core_type = #tpu.core_type<tc>, window_params = [{transform_indices = @transform_0, window_bounds = array<i64: 2, 1264, 16>}, {transform_indices = @transform_1, window_bounds = array<i64: 1264, 128>}, {pipeline_mode = #tpu.pipeline_mode<synchronous>, transform_indices = @transform_2, window_bounds = array<i64: 128, 128>}, {transform_indices = @transform_3, window_bounds = array<i64: 1264, 128>}]} {
    %get3A = arith.constant 0 : index
    %get3A_0 = arith.constant 0 : index
    %get3A_1 = arith.constant 0 : index
    %get3A_2 = vector.load %arg1[%get3A, %get3A_0, %get3A_1] : memref<2x1264x16xf32, #tpu.memory_space<vmem>>, vector<1x1264x16xf32>
    %get3A_3 = vector.shape_cast %get3A_2 : vector<1x1264x16xf32> to vector<1264x16xf32>
    %get3A_4 = arith.constant 1 : index
    %get3A_5 = arith.constant 0 : index
    %get3A_6 = arith.constant 0 : index
    %get3A_7 = vector.load %arg1[%get3A_4, %get3A_5, %get3A_6] : memref<2x1264x16xf32, #tpu.memory_space<vmem>>, vector<1x1264x16xf32>
    %get3A_8 = vector.shape_cast %get3A_7 : vector<1x1264x16xf32> to vector<1264x16xf32>
    %add3A = arith.addf %get3A_3, %get3A_8 : vector<1264x16xf32>
    %slice3A = vector.extract_strided_slice %add3A {offsets = [0, 0], sizes = [1264, 1], strides = [1, 1]} : vector<1264x16xf32> to vector<1264x1xf32>
    %rsqrt3A = math.rsqrt %slice3A : vector<1264x1xf32>
    %get3A_9 = arith.constant 0 : index
    %get3A_10 = arith.constant 0 : index
    %get3A_11 = vector.load %arg2[%get3A_9, %get3A_10] : memref<1264x128xf32, #tpu.memory_space<vmem>>, vector<1264x128xf32>
    %get3A_12 = arith.constant 0 : index
    %get3A_13 = arith.constant 0 : index
    %get3A_14 = vector.load %arg3[%get3A_12, %get3A_13] : memref<128x128xf32, #tpu.memory_space<vmem>>, vector<128x128xf32>
    %dot_general3A = arith.constant dense<0.000000e+00> : vector<1264x128xf32>
    %dot_general3A_15 = tpu.matmul %get3A_11, %get3A_14, %dot_general3A {dimension_numbers = #tpu.dot_dimension_numbers<[1], [0], [0], [1], [0, 0, 1, 1], [], []>, transpose_lhs_hint = false} : vector<1264x128xf32>, vector<128x128xf32>, vector<1264x128xf32> -> vector<1264x128xf32>
    %mul3A = vector.broadcast %rsqrt3A : vector<1264x1xf32> to vector<1264x128xf32>
    %mul3A_16 = arith.mulf %mul3A, %dot_general3A_15 : vector<1264x128xf32>
    %swap3A = arith.constant 0 : index
    %swap3A_17 = arith.constant 0 : index
    %swap3A_18 = vector.load %arg4[%swap3A, %swap3A_17] : memref<1264x128xf32, #tpu.memory_space<vmem>>, vector<1264x128xf32>
    tpu.vector_store %arg4[%swap3A, %swap3A_17], %mul3A_16 {strides = array<i32>} : memref<1264x128xf32, #tpu.memory_space<vmem>>, vector<1264x128xf32>,
    return
  }
  func.func @transform_0(%arg0: i32) -> (i32, i32, i32) {
    %c0_i32 = arith.constant 0 : i32
    %c0_i32_0 = arith.constant 0 : i32
    %c0_i32_1 = arith.constant 0 : i32
    return %c0_i32, %arg0, %c0_i32_0 : i32, i32, i32
  }
  func.func @transform_1(%arg0: i32) -> (i32, i32) {
    %c0_i32 = arith.constant 0 : i32
    %c0_i32_0 = arith.constant 0 : i32
    return %arg0, %c0_i32 : i32, i32
  }
  func.func @transform_2(%arg0: i32) -> (i32, i32) {
    %c0_i32 = arith.constant 0 : i32
    %c0_i32_0 = arith.constant 0 : i32
    %c0_i32_1 = arith.constant 0 : i32
    return %c0_i32, %c0_i32_0 : i32, i32
  }
  func.func @transform_3(%arg0: i32) -> (i32, i32) {
    %c0_i32 = arith.constant 0 : i32
    %c0_i32_0 = arith.constant 0 : i32
    return %arg0, %c0_i32 : i32, i32
  }
}

module attributes {stable_mosaic.version = 14 : i64} {
  func.func @_final_body(%arg0: memref<2x10112x16xf32, #tpu.memory_space<vmem>>, %arg1: memref<2x10112x128xf32, #tpu.memory_space<vmem>>, %arg2: memref<1x128xf32, #tpu.memory_space<vmem>>, %arg3: memref<10000x128xf32, #tpu.memory_space<vmem>>) attributes {dimension_semantics = [], scalar_prefetch = 0 : i64, scratch_operands = 0 : i64, tpu.core_type = #tpu.core_type<tc>} {
    %get3A = arith.constant 0 : index
    %get3A_0 = arith.constant 0 : index
    %get3A_1 = arith.constant 0 : index
    %get3A_2 = vector.load %arg0[%get3A, %get3A_0, %get3A_1] : memref<2x10112x16xf32, #tpu.memory_space<vmem>>, vector<1x10112x16xf32>
    %get3A_3 = vector.shape_cast %get3A_2 : vector<1x10112x16xf32> to vector<10112x16xf32>
    %get3A_4 = arith.constant 1 : index
    %get3A_5 = arith.constant 0 : index
    %get3A_6 = arith.constant 0 : index
    %get3A_7 = vector.load %arg0[%get3A_4, %get3A_5, %get3A_6] : memref<2x10112x16xf32, #tpu.memory_space<vmem>>, vector<1x10112x16xf32>
    %get3A_8 = vector.shape_cast %get3A_7 : vector<1x10112x16xf32> to vector<10112x16xf32>
    %add3A = arith.addf %get3A_3, %get3A_8 : vector<10112x16xf32>
    %slice3A = vector.extract_strided_slice %add3A {offsets = [0, 0], sizes = [10000, 1], strides = [1, 1]} : vector<10112x16xf32> to vector<10000x1xf32>
    %gt3A = arith.constant 0.000000e+00 : f32
    %gt3A_9 = vector.broadcast %gt3A : f32 to vector<10000x1xf32>
    %gt3A_10 = arith.cmpf ogt, %slice3A, %gt3A_9 : vector<10000x1xf32>
    %rsqrt3A = math.rsqrt %slice3A : vector<10000x1xf32>
    %jit3A = arith.constant 0.000000e+00 : f32
    %broadcast_in_dim3A = vector.broadcast %jit3A : f32 to vector<10000x1xf32>
    %select_n3A = arith.select %gt3A_10, %rsqrt3A, %broadcast_in_dim3A : vector<10000x1xi1>, vector<10000x1xf32>
    %get3A_11 = arith.constant 0 : index
    %get3A_12 = arith.constant 0 : index
    %get3A_13 = arith.constant 0 : index
    %get3A_14 = vector.load %arg1[%get3A_11, %get3A_12, %get3A_13] : memref<2x10112x128xf32, #tpu.memory_space<vmem>>, vector<1x10112x128xf32>
    %get3A_15 = vector.shape_cast %get3A_14 : vector<1x10112x128xf32> to vector<10112x128xf32>
    %get3A_16 = arith.constant 1 : index
    %get3A_17 = arith.constant 0 : index
    %get3A_18 = arith.constant 0 : index
    %get3A_19 = vector.load %arg1[%get3A_16, %get3A_17, %get3A_18] : memref<2x10112x128xf32, #tpu.memory_space<vmem>>, vector<1x10112x128xf32>
    %get3A_20 = vector.shape_cast %get3A_19 : vector<1x10112x128xf32> to vector<10112x128xf32>
    %add3A_21 = arith.addf %get3A_15, %get3A_20 : vector<10112x128xf32>
    %slice3A_22 = vector.extract_strided_slice %add3A_21 {offsets = [0, 0], sizes = [10000, 128], strides = [1, 1]} : vector<10112x128xf32> to vector<10000x128xf32>
    %mul3A = vector.broadcast %select_n3A : vector<10000x1xf32> to vector<10000x128xf32>
    %mul3A_23 = arith.mulf %mul3A, %slice3A_22 : vector<10000x128xf32>
    %get3A_24 = arith.constant 0 : index
    %get3A_25 = arith.constant 0 : index
    %get3A_26 = vector.load %arg2[%get3A_24, %get3A_25] : memref<1x128xf32, #tpu.memory_space<vmem>>, vector<1x128xf32>
    %add3A_27 = vector.broadcast %get3A_26 : vector<1x128xf32> to vector<10000x128xf32>
    %add3A_28 = arith.addf %mul3A_23, %add3A_27 : vector<10000x128xf32>
    %swap3A = arith.constant 0 : index
    %swap3A_29 = arith.constant 0 : index
    %swap3A_30 = vector.load %arg3[%swap3A, %swap3A_29] : memref<10000x128xf32, #tpu.memory_space<vmem>>, vector<10000x128xf32>
    tpu.vector_store %arg3[%swap3A, %swap3A_29], %add3A_28 {strides = array<i32>} : memref<10000x128xf32, #tpu.memory_space<vmem>>, vector<10000x128xf32>,
    return
  }
}

</mosaic_0001>

<sc_bundles>
// kernel: kernel.6.cloned.1.call-start
scs
__scs_entry_jumppad:
0x0: {  	(pc) =	sbr.rel $0x88, $3  }
0x1: {  	(tag) =	ssettag $0x0;
	lr =	simm.s32 $0x1  }
0x2: {  	[smem:$0x3F9D] =	sst lr;
	_ =	strace $0xD0000000  }
0x3: {  	_ = 	snop  }
0x4: {  	_ = 	snop  }
0x5: {  	_ = 	snop  }
0x6: {  	_ = 	snop  }
0x7: {  	_ = 	snop  }
__scs_overlays_trampoline_lowered:
0x8: {  	[smem:$0x3FAC] =	sst s0  }
0x9: {  	[smem:$0x3FAD] =	sst s1  }
0xa: {  	[smem:$0x3FAE] =	sst s2  }
0xb: {  	[smem:$0x3FAF] =	sst s3  }
0xc: {  	[smem:$0x3FB0] =	sst s4  }
0xd: {  	[smem:$0x3FB1] =	sst s5  }
0xe: {  	[smem:$0x3FB2] =	sst s6  }
0xf: {  	[smem:$0x3FB3] =	sst s7  }
0x10: {  	[smem:$0x3FB4] =	sst s8  }
0x11: {  	[smem:$0x3FB5] =	sst s9;
	s0 =	simm.s32 @!p0 $0x0  }
0x12: {  	s1 =	sld [smem:$0x3F9B];
	s0 =	simm.s32 @p0 $0x1  }
0x13: {  	[smem:$0x3FB6] =	sst s0;
	s0 =	simm.s32 @!p1 $0x0  }
0x14: {  	s2 =	sld [smem:$0x3F9A];
	s0 =	simm.s32 @p1 $0x1  }
0x15: {  	[smem:$0x3FB7] =	sst s0;
	s0 =	simm.s32 @!p2 $0x0  }
0x16: {  	s3 =	sld [smem:$0x3FDB];
	s0 =	simm.s32 @p2 $0x1  }
0x17: {  	s4 =	simm.s32 $0x1BF5;
	[smem:$0x3FB9] =	sst s0  }
0x18: {  	s0 =	sld [smem:$0x3F9C];
	_ =	swait.ge [sflag:s4], $0x0  }
0x19: {  	s7 =	sld [smem:$0x3F9D]  }
0x1a: {  	s8 =	sadd.s32 $0xFFFFE003, lr  }
0x1b: {  	s9 =	sadd.s32 $0xFFFFFEF7, lr;
	s5 =	simm.s32 $0xFFFFFFFF;
	p2 =	slt.u32 s8, $0xFFFFF086  }
0x1c: {  	p1 =	slt.u32 s9, $0xF7A;
	s5 =	simm.s32 @!p2 $0x0  }
0x1d: {  	s5 =	simm.s32 @p1 $0x1;
	p0 =	seq.s32 s7, s2  }
0x1e: {  	s7 =	smul.u32 @!p0 $0xF7A, s2;
	p2 =	seq.s32 @!p0 s5, $0x0  }
0x1f: {  	s9 =	smul.u32 $0xF7A, s1;
	s8 =	simm.s32 @!p0 $0x1BF5;
	p2 =	por !p2, p0  }
0x20: {  	[sflag:s8] =	ssyncset.s32 @!p0 $0xFFFFF086;
	s6 =	sadd.s32 @!p0 s3, s7;
	s7 =	simm.s32 @!p0 $0x108  }
0x21: {  	s3 =	sadd.s32 s3, s9;
	s6 =	sadd.s32 @!p0 $0x88, s6;
	s7 =	simm.s32 @p2 $0x1082  }
0x22: {  	[simem:s7], [sflag:s8] =	dma.local @!p0 [hbm:s6], $0xF7A  }
0x23: {  	s9 =	sor.u32 $0xD0000000, s2;
	s6 =	simm.s32 $0x108;
	_ =	swait.ge @!p0 [sflag:s8], $0x0  }
0x24: {  	s3 =	sadd.s32 $0x88, s3;
	s6 =	simm.s32 @!p1 $0x1082;
	[sflag:s4] =	ssyncset.s32 $0xFFFFF086  }
0x25: {  	[simem:s6], [sflag:s4] =	dma.local [hbm:s3], $0xF7A  }
0x26: {  	[smem:$0x3F9D] =	sst s1;
	(tag) =	ssettag s2;
	_ =	strace s9  }
0x27: {  	s1 =	sld [smem:$0x3FAD]  }
0x28: {  	s2 =	sld [smem:$0x3FAE]  }
0x29: {  	s4 =	sld [smem:$0x3FB0]  }
0x2a: {  	p0 =	seq.s32 s5, $0x0;
	s5 =	sld [smem:$0x3FB1]  }
0x2b: {  	s6 =	sld [smem:$0x3FB2]  }
0x2c: {  	s7 =	sld [smem:$0x3FB3]  }
0x2d: {  	s3 =	simm.s32 $0x108;
	s8 =	sld [smem:$0x3FB4]  }
0x2e: {  	s3 =	simm.s32 @!p0 $0x1082;
	s9 =	sld [smem:$0x3FB5]  }
0x2f: {  	lr =	sadd.s32 s0, s3;
	s0 =	sld [smem:$0x3FAC]  }
0x30: {  	s3 =	sld [smem:$0x3FAF]  }
0x31: {  	[smem:$0x3FB8] =	sst s10  }
0x32: {  	s10 =	sld [smem:$0x3FB6];
	_ =	sdelay $0x3  }
0x33: {  	p0 =	seq.s32 s10, $0x1;
	s10 =	sld [smem:$0x3FB8];
	_ =	sdelay $0x3  }
0x34: {  	[smem:$0x3FB8] =	sst s10  }
0x35: {  	s10 =	sld [smem:$0x3FB7];
	_ =	sdelay $0x3  }
0x36: {  	p1 =	seq.s32 s10, $0x1;
	s10 =	sld [smem:$0x3FB8];
	_ =	sdelay $0x3  }
0x37: {  	[smem:$0x3FB8] =	sst s10  }
0x38: {  	s10 =	sld [smem:$0x3FB9]  }
0x39: {  	_ = 	snop;
	(pc) =	sbr.ind lr, $3  }
0x3a: {  	_ = 	snop  }
0x3b: {  	_ = 	snop  }
0x3c: {  	p2 =	seq.s32 s10, $0x1;
	s10 =	sld [smem:$0x3FB8]  }
0x3d: {  	_ =	shalt  }
0x3e: {  	_ =	shalt  }
0x3f: {  	_ =	shalt  }
0x40: {  	_ =	shalt  }
0x41: {  	_ =	shalt  }
0x42: {  	_ =	shalt  }
0x43: {  	_ =	shalt  }
0x44: {  	_ =	shalt  }
0x45: {  	_ =	shalt  }
0x46: {  	_ =	shalt  }
0x47: {  	_ =	shalt  }
0x48: {  	_ =	shalt  }
0x49: {  	_ =	shalt  }
0x4a: {  	_ =	shalt  }
0x4b: {  	_ =	shalt  }
0x4c: {  	_ =	shalt  }
0x4d: {  	_ =	shalt  }
0x4e: {  	_ =	shalt  }
0x4f: {  	_ =	shalt  }
0x50: {  	_ =	shalt  }
0x51: {  	_ =	shalt  }
0x52: {  	_ =	shalt  }
0x53: {  	_ =	shalt  }
0x54: {  	_ =	shalt  }
0x55: {  	_ =	shalt  }
0x56: {  	_ =	shalt  }
0x57: {  	_ =	shalt  }
0x58: {  	_ =	shalt  }
0x59: {  	_ =	shalt  }
0x5a: {  	_ =	shalt  }
0x5b: {  	_ =	shalt  }
0x5c: {  	_ =	shalt  }
0x5d: {  	_ =	shalt  }
0x5e: {  	_ =	shalt  }
0x5f: {  	_ =	shalt  }
0x60: {  	_ =	shalt  }
0x61: {  	_ =	shalt  }
0x62: {  	_ =	shalt  }
0x63: {  	_ =	shalt  }
0x64: {  	_ =	shalt  }
0x65: {  	_ =	shalt  }
0x66: {  	_ =	shalt  }
0x67: {  	_ =	shalt  }
0x68: {  	_ =	shalt  }
0x69: {  	_ =	shalt  }
0x6a: {  	_ =	shalt  }
0x6b: {  	_ =	shalt  }
0x6c: {  	_ =	shalt  }
0x6d: {  	_ =	shalt  }
0x6e: {  	_ =	shalt  }
0x6f: {  	_ =	shalt  }
0x70: {  	_ =	shalt  }
0x71: {  	_ =	shalt  }
0x72: {  	_ =	shalt  }
0x73: {  	_ =	shalt  }
0x74: {  	_ =	shalt  }
0x75: {  	_ =	shalt  }
0x76: {  	_ =	shalt  }
0x77: {  	_ =	shalt  }
0x78: {  	_ =	shalt  }
0x79: {  	_ =	shalt  }
0x7a: {  	_ =	shalt  }
0x7b: {  	_ =	shalt  }
0x7c: {  	_ =	shalt  }
0x7d: {  	_ =	shalt  }
0x7e: {  	_ =	shalt  }
0x7f: {  	_ =	shalt  }
0x80: {  	_ =	shalt  }
0x81: {  	_ =	shalt  }
0x82: {  	_ =	shalt  }
0x83: {  	_ =	shalt  }
0x84: {  	_ =	shalt  }
0x85: {  	_ =	shalt  }
0x86: {  	_ =	shalt  }
0x87: {  	_ =	shalt  }
.Lfunc_end0:
.L_simem_size_0:
called_computation_lowered:
.L_overlay_start_0:
0x88: {  	s2 =	sld [smem:$0x3FD9]  }
0x89: {  	s3 =	sld [smem:$0x3FFE];
	_ =	sdelay $0x1  }
0x8a: {  	s1 =	srdreg.scid  }
0x8b: {  	s0 =	sand.u32 $0x1, s1  }
0x8c: {  	s17 =	sshll.u32 s0, $0xA;
	s2 =	sadd.s32 s3, s2  }
0x8d: {  	s2 =	sadd.s32 s2, s17  }
0x8e: {  	[smem:$0x3FC4] =	sst s2  }
0x8f: {  	_ = 	snop  }
0x90: {  	s2 =	sld [smem:$0x3FD0];
	(tm) =	ssettm $0x1  }
0x91: {  	s18 =	sld [smem:$0x3FFB];
	_ =	sdelay $0x3  }
0x92: {  	_ =	strace s18  }
0x93: {  	s3 =	sld [smem:$0x3FFC];
	_ =	sdelay $0x3  }
0x94: {  	_ =	strace s3  }
0x95: {  	s3 =	sld [smem:$0x3FFD];
	_ =	sdelay $0x3  }
0x96: {  	_ =	strace s3  }
0x97: {  	_ =	strace $0x8FFFFFFF  }
0x98: {  	s19 =	sld [smem:$0x3FDB];
	_ =	sdelay $0x1  }
0x99: {  	s4 =	simm.s32 $_scs_section_size  }
0x9a: {  	s5 =	simm.s32 $_size__tile_overlayer_lowered;
	s6 =	simm.s32 $_tile_overlayer_lowered  }
0x9b: {  	s22 =	simm.s32 $0x1BFF;
	s21 =	sshll.u32 s6, $0x1;
	s3 =	sadd.s32 s4, s19  }
0x9c: {  	s7 =	simm.s32 $0x0;
	s20 =	sshll.u32 s5, $0x1;
	s5 =	sadd.s32 s21, s3  }
0x9d: {  	[timem:s7], [sflag:s22] =	dma.local [hbm:s5], s20  }
0x9e: {  	_ =	swait.ge [sflag:s22], s20  }
0x9f: {  	s4 =	ssub.s32 $0x0, s20;
	[sflag:s22] =	ssyncset.done $0x0  }
0xa0: {  	[sflag:s22] =	ssyncadd.s32 s4;
	_ =	sdelay $0x1  }
0xa1: {  	s23 =	simm.s32 $0x1B8B  }
0xa2: {  	_ =	swait.ge [sflag:s23], $0x1  }
0xa3: {  	[sflag:s23] =	ssyncset.done $0x0  }
0xa4: {  	s25 =	simm.s32 $0x1B8E;
	s24 =	sld [smem:$0x3FFE];
	[sflag:s23] =	ssyncadd.s32 $0xFFFFFFFF  }
0xa5: {  	s26 =	simm.s32 $execute0_lowered;
	[smem:$0x3FD2] =	sst s25  }
0xa6: {  	s5 =	sshll.u32 s26, $0x1;
	_ =	strace $0x80000046;
	[dreg:$0x1] =	wrdreg $0xFFFFFFFF  }
0xa7: {  	s28 =	simm.s32 $_size_execute0_lowered;
	s3 =	sadd.s32 s3, s5;
	[dreg:$0x0] =	wrdreg $0x0  }
0xa8: {  	s5 =	sshll.u32 s28, $0x1;
	[dreg:$0x2] =	wrdreg s3  }
0xa9: {  	[dreg:$0x3] =	wrdreg s5  }
0xaa: {  	[dreg:$0x4] =	wrdreg $0xC0  }
0xab: {  	_ =	task [dreg:s7], $0x5FFFF  }
0xac: {  	[dreg:$0x1] =	wrdreg $0xFFFFFFFF  }
0xad: {  	[dreg:$0x0] =	wrdreg $0x60  }
0xae: {  	[dreg:$0x2] =	wrdreg s2  }
0xaf: {  	[dreg:$0x3] =	wrdreg s24  }
0xb0: {  	[dreg:$0x4] =	wrdreg $0xB0000  }
0xb1: {  	[dreg:$0x5] =	wrdreg $0x9  }
0xb2: {  	_ =	task.clear_ibuf [dreg:s7], $0x6FFFF;
	_ =	strace $0x90000046  }
0xb3: {  	s29 =	simm.s32 $0x9;
	_ =	strace $0x80000048  }
0xb4: {  	_ =	swait.ge [sflag:s29], $0x1  }
0xb5: {  	[sflag:s29] =	ssyncadd.s32 $0xFFFFFFFF  }
0xb6: {  	_ =	strace $0x90000048  }
0xb7: {  	_ =	sfence  }
0xb8: {  	s30 =	sld [smem:$0x0];
	_ =	sdelay $0x2  }
0xb9: {  	s31 =	sshll.u32 s1, $0xD;
	s1 =	sshrl.u32 s1, $0x2  }
0xba: {  	s3 =	sand.u32 $0x4000, s31;
	s1 =	sadd.s32 s1, s30  }
0xbb: {  	s0 =	sor.u32 s3, s0;
	s1 =	sshll.u32 s1, $0x11  }
0xbc: {  	s0 =	sor.u32 s1, s0  }
0xbd: {  	s0 =	sadd.s32 $0x8F2B, s0  }
0xbe: {  	[sflag:s0] =	ssyncadd.remote.s32 $0x1  }
0xbf: {  	_ =	sfence.sel $0xFFFF  }
0xc0: {  	[dreg:$0x0] =	wrdreg $0xFFFFFFFF;
	(pc) =	sbr.abs _section_cstart, $3  }
0xc1: {  	[dreg:$0x1] =	wrdreg $0xFFFFFFFF  }
0xc2: {  	_ =	task.clear_ibuf [dreg:s7], $0x2FFFF;
	_ =	strace $0x9FFFFFFF  }
0xc3: {  	(tm) =	ssettm $0x7FFFFFFF  }
tec
execute0_lowered:
.L_overlay_start_1:
0x0: {  	(tag) =	ssettag $0x1  }
0x1: {  	s13 =	rddreg [dreg:$0x0]  }
0x2: {  	s7 =	rddreg [dreg:$0x1]  }
0x3: {  	s0 =	srdreg.scid;
	s2 =	rddreg [dreg:$0x2]  }
0x4: {  	s1 =	stileid.u32;
	s3 =	simm.s32 $0x0;
	s15 =	simm.s32 $0x7000  }
0x5: {  	s16 =	simm.s32 $0x3;
	s17 =	simm.s32 $0x2;
	s18 =	simm.s32 $0x80  }
0x6: {  	s4 =	sand.u32 $0x1, s0;
	s6 =	sshll.u32 s1, $0x1;
	s8 =	smul.u32 $0x13C00, s1  }
0x7: {  	s19 =	simm.s32 $0x3000;
	s9 =	smul.u32 $0x4F000, s1;
	s6 =	sor.u32 s4, s6  }
0x8: {  	s20 =	simm.s32 $0x1;
	s0 =	rddreg [dreg:$0x3];
	s6 =	smul.u32 $0x7D, s6  }
0x9: {  	s21 =	simm.s32 $0x0;
	[smem:$0x7FF] =	sst s3;
	s5 =	smul.u32 $0x13C000, s4  }
0xa: {  	_ =	strace $0x80000047;
	s29 =	ssub.s32 $0x2, s4;
	s26 =	sadd.s32 $0x7D, s6  }
0xb: {  	s30 =	sshrl.u32 s9, $0x2;
	s11 =	sshrl.u32 s6, $0x5;
	s28 =	sshrl.u32 s26, $0x5  }
0xc: {  	s31 =	sshrl.u32 s29, $0x1;
	s5 =	sadd.s32 s8, s5;
	s4 =	ssub.s32 s28, s11  }
0xd: {  	s9 =	ssub.s32 s29, s31;
	s10 =	sshrl.u32 s5, $0x3;
	s5 =	smul.u32 $0x14, s4  }
.Ltmp0:
0xe: {  	s6 =	sadd.s32 s30, s2;
	s9 =	smax.u32 s9, $0x1;
	(pc) =	sbr.rel .LBB2_1-.Ltmp0, $4  }
0xf: {  	s10 =	sadd.s32 s10, s7;
	s7 =	sadd.s32 $0x10000, s6;
	s14 =	smul.u32 $0x180, s11  }
0x10: {  	s12 =	sadd.s32 $0xC000, s6;
	s8 =	sadd.s32 $0x1A00, s10;
	p0 =	sgt.s32 s5, $0x1  }
0x11: {  	s10 =	sadd.s32 $0x4000, s6;
	s11 =	sadd.s32 $0x8000, s6;
	s5 =	simm.s32 @!p0 $0x1  }
0x12: {  	v0 =	vimm.f32 $1.000000000e+00;
	v1 =	vimm.f32 $0.0e+00;
	s13 =	sadd.s32 s14, s13;
	p0 =	sgt.s32 s4, $0x0;
	s14 =	ssub.s32 $0x0, s5  }
.LBB2_18:
0x13: {  	[bflag:$0x0] =	sbarrier.arrive $0xFFFF  }
.LBB2_16:
0x14: {  	s21 =	sadd.s32 $0x1, s21  }
0x15: {  	s22 =	sshll.u32 s1, $0x6;
	[bflag:$0x0] =	sbarrier.arrive $0xFFFF;
	p1 =	sne.s32 s21, s9  }
.Ltmp1:
0x16: {  	s23 =	sshrl.u32 s6, $0x3;
	s22 =	sor.u32 $0x1C03, s22;
	(pc) =	sbr.rel @!p1 .LBB2_17-.Ltmp1, $4  }
0x17: {  	[hbm:s8], [sflag:s22] =	dma.local [spmem:s23], $0x2780  }
0x18: {  	_ =	swait.ge [sflag:s16], $0x2780  }
0x19: {  	[sflag:s16] =	ssyncset.done $0x0  }
0x1a: {  	[sflag:s16] =	ssyncadd.s32 $0xFFFFD880  }
.LBB2_1:
.Ltmp2:
0x1b: {  	(pc) =	sbr.rel @!p0 .LBB2_4-.Ltmp2, $1  }
0x1c: {  	_ =	sdelay $0x3  }
0x1d: {  	p1 =	seq.s32 s4, $0x1  }
.Ltmp3:
0x1e: {  	_ = 	snop;
	(pc) =	sbr.rel @p1 .LBB2_4-.Ltmp3, $3  }
0x1f: {  	_ =	sdelay $0x1  }
0x20: {  	[tilespmem:s3], [sflag:$0x2] =	stream.linear.gather [hbm4b:s13+s3], $0xA00, $0x38;
	[tilespmem:$0xD780] =	vst v63  }
0x21: {  	s22 =	sadd.s32 $0xFFFFFFFF, s4;
	s23 =	simm.s32 $0x0;
	s24 =	smov.u32 s13  }
.LBB2_3:
0x22: {  	p1 =	seq.s32 s22, $0x1  }
.Ltmp4:
0x23: {  	_ = 	snop;
	(pc) =	sbr.rel @!p1 .LBB2_3-.Ltmp4, $4  }
0x24: {  	_ = 	snop  }
0x25: {  	s23 =	sadd.s32 $0xC00, s23;
	s24 =	sadd.s32 $0x180, s24  }
0x26: {  	s22 =	sadd.s32 $0xFFFFFFFF, s22  }
0x27: {  	[tilespmem:s23], [sflag:$0x2] =	stream.linear.gather [hbm4b:s24+s3], $0xA00, $0x38;
	[tilespmem:$0xD780] =	vst v63  }
.LBB2_4:
0x28: {  	s22 =	simm.s32 $0x200;
	s23 =	simm.s32 $0x0  }
.LBB2_5:
0x29: {  	p1 =	seq.s32 s22, $0xFE00;
	[tilespmem:s23+$0x3000] =	vst v0;
	s24 =	smov.u32 s22;
	s22 =	sadd.s32 $0x200, s22  }
.Ltmp5:
0x2a: {  	[tilespmem:s23+$0x7000] =	vst v1;
	(pc) =	sbr.rel @!p1 .LBB2_5-.Ltmp5, $2  }
0x2b: {  	_ =	sdelay $0x2  }
0x2c: {  	s23 =	sshra.s32 s24, $0x2  }
0x2d: {  	[tilespmem:s23+$0x3000] =	vst v0  }
0x2e: {  	[tilespmem:s23+$0x7000] =	vst v1  }
0x2f: {  	[spmem:s6] =	stream.linear.scatter [tilespmem:s15], [sflag:$0x3], $0x4000, $0x38;
	[tilespmem:$0xD780] =	vst v63  }
0x30: {  	_ =	swait.ge [sflag:s16], $0x4000  }
0x31: {  	[sflag:s16] =	ssyncset.done $0x0  }
0x32: {  	[sflag:s16] =	ssyncadd.s32 $0xFFFFC000  }
0x33: {  	[spmem:s10] =	stream.linear.scatter [tilespmem:s15], [sflag:$0x3], $0x4000, $0x38;
	[tilespmem:$0xD780] =	vst v63  }
0x34: {  	_ =	swait.ge [sflag:s16], $0x4000  }
0x35: {  	[sflag:s16] =	ssyncset.done $0x0  }
0x36: {  	[sflag:s16] =	ssyncadd.s32 $0xFFFFC000  }
0x37: {  	[spmem:s11] =	stream.linear.scatter [tilespmem:s15], [sflag:$0x3], $0x4000, $0x38;
	[tilespmem:$0xD780] =	vst v63  }
0x38: {  	_ =	swait.ge [sflag:s16], $0x4000  }
0x39: {  	[sflag:s16] =	ssyncset.done $0x0  }
0x3a: {  	[sflag:s16] =	ssyncadd.s32 $0xFFFFC000  }
0x3b: {  	[spmem:s12] =	stream.linear.scatter [tilespmem:s15], [sflag:$0x3], $0x4000, $0x38;
	[tilespmem:$0xD780] =	vst v63  }
0x3c: {  	_ =	swait.ge [sflag:s16], $0x4000  }
0x3d: {  	[sflag:s16] =	ssyncset.done $0x0  }
.Ltmp6:
0x3e: {  	[sflag:s16] =	ssyncadd.s32 $0xFFFFC000;
	(pc) =	sbr.rel @!p0 .LBB2_18-.Ltmp6, $4  }
0x3f: {  	[spmem:s7] =	stream.linear.scatter [tilespmem:s15], [sflag:$0x3], $0x3C00, $0x38;
	[tilespmem:$0xD780] =	vst v63  }
0x40: {  	_ =	swait.ge [sflag:s16], $0x3C00  }
0x41: {  	[sflag:s16] =	ssyncset.done $0x0  }
0x42: {  	[sflag:s16] =	ssyncadd.s32 $0xFFFFC400  }
0x43: {  	p1 =	sne.s32 s4, $0x1  }
.Ltmp7:
0x44: {  	_ = 	snop;
	(pc) =	sbr.rel @!p1 .LBB2_9-.Ltmp7, $3  }
0x45: {  	_ =	sdelay $0x1  }
0x46: {  	_ =	swait.ge [sflag:s17], $0xA00  }
0x47: {  	s22 =	sadd.s32 $0xFFFFFFFF, s4;
	[sflag:s17] =	ssyncset.done $0x0  }
.LBB2_8:
0x48: {  	p1 =	sne.s32 s22, $0x1;
	s22 =	sadd.s32 $0xFFFFFFFF, s22;
	[sflag:s17] =	ssyncadd.s32 $0xFFFFF600  }
.Ltmp8:
0x49: {  	(pc) =	sbr.rel @p1 .LBB2_8-.Ltmp8, $3  }
0x4a: {  	_ =	sdelay $0x1  }
0x4b: {  	_ =	swait.ge [sflag:s17], $0xA00  }
0x4c: {  	[sflag:s17] =	ssyncset.done $0x0  }
.LBB2_9:
0x4d: {  	p2 =	sne.s32 s5, $0x1  }
.Ltmp9:
0x4e: {  	_ = 	snop;
	(pc) =	sbr.rel @!p2 .LBB2_10-.Ltmp9, $4  }
0x4f: {  	_ = 	snop  }
0x50: {  	[sflag:s17] =	ssyncadd.s32 $0xFFFFF600  }
0x51: {  	s22 =	simm.s32 $0x0;
	[bflag:$0x0] =	sbarrier.arrive $0xFFFF  }
0x52: {  	s25 =	simm.s32 $0x1;
	p1 =	por $0x0, $0x0;
	s24 =	smulhi.u32 $0xCCCCCCCD, s22  }
0x53: {  	p2 =	sne.s32 s5, $0x2  }
.Ltmp10:
0x54: {  	_ = 	snop;
	(pc) =	sbr.rel @!p2 .LBB2_13-.Ltmp10, $4  }
0x55: {  	s22 =	sshll.u32 s24, $0x7  }
0x56: {  	s22 =	sshra.s32 s22, $0x2  }
0x57: {  	s23 =	simm.s32 $0x2;
	p1 =	por $0x1, $0x1;
	s22 =	sand.u32 $0xFFFFFE00, s22  }
0x58: {  	s24 =	smulhi.u32 $0xCCCCCCCD, s25;
	s25 =	sadd.s32 $0x0, s22;
	s22 =	simm.s32 $0x80  }
.LBB2_12:
0x59: {  	[spmem:s2] =	stream.indirect.scatter.add.f32 [tilespmem:s19], [sflag:$0x1], $0x10, s25, s18, $0xb8;
	[tilespmem:$0xD780] =	vst v63  }
0x5a: {  	s25 =	smov.u32 s23;
	s23 =	sadd.s32 $0x1, s23  }
0x5b: {  	p2 =	sne.s32 s5, s23  }
.Ltmp11:
0x5c: {  	(pc) =	sbr.rel @p2 .LBB2_12-.Ltmp11, $4  }
0x5d: {  	s26 =	sshll.u32 s24, $0x7;
	s24 =	smulhi.u32 $0xCCCCCCCD, s25  }
0x5e: {  	s25 =	sshra.s32 s26, $0x2  }
0x5f: {  	s25 =	sand.u32 $0xFFFFFE00, s25  }
0x60: {  	s25 =	sadd.s32 s25, s22;
	s22 =	sadd.s32 $0x80, s22  }
.LBB2_13:
0x61: {  	[spmem:s2] =	stream.indirect.scatter.add.f32 @p1 [tilespmem:s19], [sflag:$0x1], $0x10, s25, s18, $0xb8;
	[tilespmem:$0xD780] =	vst v63  }
0x62: {  	s23 =	sshll.u32 s24, $0x7  }
0x63: {  	s23 =	sshra.s32 s23, $0x2  }
0x64: {  	s23 =	sand.u32 $0xFFFFFE00, s23  }
0x65: {  	s22 =	sadd.s32 s23, s22  }
0x66: {  	[spmem:s2] =	stream.indirect.scatter.add.f32 [tilespmem:s19], [sflag:$0x1], $0x10, s22, s18, $0xb8;
	[tilespmem:$0xD780] =	vst v63  }
0x67: {  	s22 =	sadd.s32 $0x1, s14  }
0x68: {  	p1 =	seq.s32 s22, $0x0  }
.Ltmp12:
0x69: {  	_ = 	snop;
	(pc) =	sbr.rel @p1 .LBB2_15-.Ltmp12, $3  }
0x6a: {  	_ =	sdelay $0x1  }
0x6b: {  	_ =	swait.ge [sflag:s20], $0x800  }
0x6c: {  	[sflag:s20] =	ssyncset.done $0x0  }
.LBB2_14:
0x6d: {  	s22 =	sadd.s32 $0x1, s22  }
0x6e: {  	[sflag:s20] =	ssyncadd.s32 $0xFFFFF800;
	p1 =	seq.s32 s22, $0x0  }
.Ltmp13:
0x6f: {  	(pc) =	sbr.rel @!p1 .LBB2_14-.Ltmp13, $3  }
0x70: {  	_ =	sdelay $0x1  }
0x71: {  	_ =	swait.ge [sflag:s20], $0x800  }
0x72: {  	[sflag:s20] =	ssyncset.done $0x0  }
.LBB2_15:
.Ltmp14:
0x73: {  	(pc) =	sbr.rel .LBB2_16-.Ltmp14, $2  }
0x74: {  	_ =	sdelay $0x2  }
0x75: {  	[sflag:s20] =	ssyncadd.s32 $0xFFFFF800  }
.LBB2_10:
.Ltmp15:
0x76: {  	(pc) =	sbr.rel .LBB2_13-.Ltmp15, $2  }
0x77: {  	_ =	sdelay $0x2  }
0x78: {  	_ = 	snop  }
.LBB2_17:
0x79: {  	_ =	sfence.sel $0x180000  }
0x7a: {  	[bflag:$0x0] =	sbarrier.arrive $0xFFFF  }
0x7b: {  	p0 =	sne.s32 s1, $0x0;
	_ =	strace $0x90000047  }
0x7c: {  	s0 =	sadd.s32 @!p0 $0x100000, s0;
	[bflag:$0x2] =	sbarrier.arrive $0xFFFF  }
0x7d: {  	[sflag:s0] =	ssyncadd.tile.s32 @!p0 $0x1;
	_ =	shalt  }
.Lfunc_end2:
_tile_overlayer_lowered:
.L_overlay_start_2:
0x7e: {  	(tag) =	ssettag $0x2  }
0x7f: {  	s0 =	rddreg [dreg:$0x0];
	s2 =	stileid.u32  }
0x80: {  	s1 =	rddreg [dreg:$0x1];
	p0 =	sne.s32 s2, $0x0  }
0x81: {  	s3 =	rddreg [dreg:$0x2];
	[bflag:$0x3] =	sbarrier.arrive $0xFFFF;
	s2 =	simm.s32 @!p0 $0x1C03  }
0x82: {  	[timem:s3], [sflag:s2] =	dma.local @!p0 [hbm:s0], s1  }
0x83: {  	s0 =	simm.s32 @!p0 $0x3  }
0x84: {  	_ =	swait.ge @!p0 [sflag:s0], s1  }
0x85: {  	s1 =	ssub.s32 @!p0 $0x0, s1;
	[sflag:s0] =	ssyncset.done @!p0 $0x0  }
0x86: {  	[sflag:s0] =	ssyncadd.s32 @!p0 s1  }
0x87: {  	[bflag:$0x3] =	sbarrier.arrive $0xFFFF  }
0x88: {  	_ =	shalt  }

// kernel: kernel.9.cloned.1.call-start
scs
__scs_entry_jumppad:
0x0: {  	(pc) =	sbr.rel $0x88, $3  }
0x1: {  	(tag) =	ssettag $0x0;
	lr =	simm.s32 $0x1  }
0x2: {  	[smem:$0x3F9D] =	sst lr;
	_ =	strace $0xD0000000  }
0x3: {  	_ = 	snop  }
0x4: {  	_ = 	snop  }
0x5: {  	_ = 	snop  }
0x6: {  	_ = 	snop  }
0x7: {  	_ = 	snop  }
__scs_overlays_trampoline_lowered:
0x8: {  	[smem:$0x3FAC] =	sst s0  }
0x9: {  	[smem:$0x3FAD] =	sst s1  }
0xa: {  	[smem:$0x3FAE] =	sst s2  }
0xb: {  	[smem:$0x3FAF] =	sst s3  }
0xc: {  	[smem:$0x3FB0] =	sst s4  }
0xd: {  	[smem:$0x3FB1] =	sst s5  }
0xe: {  	[smem:$0x3FB2] =	sst s6  }
0xf: {  	[smem:$0x3FB3] =	sst s7  }
0x10: {  	[smem:$0x3FB4] =	sst s8  }
0x11: {  	[smem:$0x3FB5] =	sst s9;
	s0 =	simm.s32 @!p0 $0x0  }
0x12: {  	s1 =	sld [smem:$0x3F9B];
	s0 =	simm.s32 @p0 $0x1  }
0x13: {  	[smem:$0x3FB6] =	sst s0;
	s0 =	simm.s32 @!p1 $0x0  }
0x14: {  	s2 =	sld [smem:$0x3F9A];
	s0 =	simm.s32 @p1 $0x1  }
0x15: {  	[smem:$0x3FB7] =	sst s0;
	s0 =	simm.s32 @!p2 $0x0  }
0x16: {  	s3 =	sld [smem:$0x3FDB];
	s0 =	simm.s32 @p2 $0x1  }
0x17: {  	s4 =	simm.s32 $0x1BF5;
	[smem:$0x3FB9] =	sst s0  }
0x18: {  	s0 =	sld [smem:$0x3F9C];
	_ =	swait.ge [sflag:s4], $0x0  }
0x19: {  	s7 =	sld [smem:$0x3F9D]  }
0x1a: {  	s8 =	sadd.s32 $0xFFFFE003, lr  }
0x1b: {  	s9 =	sadd.s32 $0xFFFFFEF7, lr;
	s5 =	simm.s32 $0xFFFFFFFF;
	p2 =	slt.u32 s8, $0xFFFFF086  }
0x1c: {  	p1 =	slt.u32 s9, $0xF7A;
	s5 =	simm.s32 @!p2 $0x0  }
0x1d: {  	s5 =	simm.s32 @p1 $0x1;
	p0 =	seq.s32 s7, s2  }
0x1e: {  	s7 =	smul.u32 @!p0 $0xF7A, s2;
	p2 =	seq.s32 @!p0 s5, $0x0  }
0x1f: {  	s9 =	smul.u32 $0xF7A, s1;
	s8 =	simm.s32 @!p0 $0x1BF5;
	p2 =	por !p2, p0  }
0x20: {  	[sflag:s8] =	ssyncset.s32 @!p0 $0xFFFFF086;
	s6 =	sadd.s32 @!p0 s3, s7;
	s7 =	simm.s32 @!p0 $0x108  }
0x21: {  	s3 =	sadd.s32 s3, s9;
	s6 =	sadd.s32 @!p0 $0x88, s6;
	s7 =	simm.s32 @p2 $0x1082  }
0x22: {  	[simem:s7], [sflag:s8] =	dma.local @!p0 [hbm:s6], $0xF7A  }
0x23: {  	s9 =	sor.u32 $0xD0000000, s2;
	s6 =	simm.s32 $0x108;
	_ =	swait.ge @!p0 [sflag:s8], $0x0  }
0x24: {  	s3 =	sadd.s32 $0x88, s3;
	s6 =	simm.s32 @!p1 $0x1082;
	[sflag:s4] =	ssyncset.s32 $0xFFFFF086  }
0x25: {  	[simem:s6], [sflag:s4] =	dma.local [hbm:s3], $0xF7A  }
0x26: {  	[smem:$0x3F9D] =	sst s1;
	(tag) =	ssettag s2;
	_ =	strace s9  }
0x27: {  	s1 =	sld [smem:$0x3FAD]  }
0x28: {  	s2 =	sld [smem:$0x3FAE]  }
0x29: {  	s4 =	sld [smem:$0x3FB0]  }
0x2a: {  	p0 =	seq.s32 s5, $0x0;
	s5 =	sld [smem:$0x3FB1]  }
0x2b: {  	s6 =	sld [smem:$0x3FB2]  }
0x2c: {  	s7 =	sld [smem:$0x3FB3]  }
0x2d: {  	s3 =	simm.s32 $0x108;
	s8 =	sld [smem:$0x3FB4]  }
0x2e: {  	s3 =	simm.s32 @!p0 $0x1082;
	s9 =	sld [smem:$0x3FB5]  }
0x2f: {  	lr =	sadd.s32 s0, s3;
	s0 =	sld [smem:$0x3FAC]  }
0x30: {  	s3 =	sld [smem:$0x3FAF]  }
0x31: {  	[smem:$0x3FB8] =	sst s10  }
0x32: {  	s10 =	sld [smem:$0x3FB6];
	_ =	sdelay $0x3  }
0x33: {  	p0 =	seq.s32 s10, $0x1;
	s10 =	sld [smem:$0x3FB8];
	_ =	sdelay $0x3  }
0x34: {  	[smem:$0x3FB8] =	sst s10  }
0x35: {  	s10 =	sld [smem:$0x3FB7];
	_ =	sdelay $0x3  }
0x36: {  	p1 =	seq.s32 s10, $0x1;
	s10 =	sld [smem:$0x3FB8];
	_ =	sdelay $0x3  }
0x37: {  	[smem:$0x3FB8] =	sst s10  }
0x38: {  	s10 =	sld [smem:$0x3FB9]  }
0x39: {  	_ = 	snop;
	(pc) =	sbr.ind lr, $3  }
0x3a: {  	_ = 	snop  }
0x3b: {  	_ = 	snop  }
0x3c: {  	p2 =	seq.s32 s10, $0x1;
	s10 =	sld [smem:$0x3FB8]  }
0x3d: {  	_ =	shalt  }
0x3e: {  	_ =	shalt  }
0x3f: {  	_ =	shalt  }
0x40: {  	_ =	shalt  }
0x41: {  	_ =	shalt  }
0x42: {  	_ =	shalt  }
0x43: {  	_ =	shalt  }
0x44: {  	_ =	shalt  }
0x45: {  	_ =	shalt  }
0x46: {  	_ =	shalt  }
0x47: {  	_ =	shalt  }
0x48: {  	_ =	shalt  }
0x49: {  	_ =	shalt  }
0x4a: {  	_ =	shalt  }
0x4b: {  	_ =	shalt  }
0x4c: {  	_ =	shalt  }
0x4d: {  	_ =	shalt  }
0x4e: {  	_ =	shalt  }
0x4f: {  	_ =	shalt  }
0x50: {  	_ =	shalt  }
0x51: {  	_ =	shalt  }
0x52: {  	_ =	shalt  }
0x53: {  	_ =	shalt  }
0x54: {  	_ =	shalt  }
0x55: {  	_ =	shalt  }
0x56: {  	_ =	shalt  }
0x57: {  	_ =	shalt  }
0x58: {  	_ =	shalt  }
0x59: {  	_ =	shalt  }
0x5a: {  	_ =	shalt  }
0x5b: {  	_ =	shalt  }
0x5c: {  	_ =	shalt  }
0x5d: {  	_ =	shalt  }
0x5e: {  	_ =	shalt  }
0x5f: {  	_ =	shalt  }
0x60: {  	_ =	shalt  }
0x61: {  	_ =	shalt  }
0x62: {  	_ =	shalt  }
0x63: {  	_ =	shalt  }
0x64: {  	_ =	shalt  }
0x65: {  	_ =	shalt  }
0x66: {  	_ =	shalt  }
0x67: {  	_ =	shalt  }
0x68: {  	_ =	shalt  }
0x69: {  	_ =	shalt  }
0x6a: {  	_ =	shalt  }
0x6b: {  	_ =	shalt  }
0x6c: {  	_ =	shalt  }
0x6d: {  	_ =	shalt  }
0x6e: {  	_ =	shalt  }
0x6f: {  	_ =	shalt  }
0x70: {  	_ =	shalt  }
0x71: {  	_ =	shalt  }
0x72: {  	_ =	shalt  }
0x73: {  	_ =	shalt  }
0x74: {  	_ =	shalt  }
0x75: {  	_ =	shalt  }
0x76: {  	_ =	shalt  }
0x77: {  	_ =	shalt  }
0x78: {  	_ =	shalt  }
0x79: {  	_ =	shalt  }
0x7a: {  	_ =	shalt  }
0x7b: {  	_ =	shalt  }
0x7c: {  	_ =	shalt  }
0x7d: {  	_ =	shalt  }
0x7e: {  	_ =	shalt  }
0x7f: {  	_ =	shalt  }
0x80: {  	_ =	shalt  }
0x81: {  	_ =	shalt  }
0x82: {  	_ =	shalt  }
0x83: {  	_ =	shalt  }
0x84: {  	_ =	shalt  }
0x85: {  	_ =	shalt  }
0x86: {  	_ =	shalt  }
0x87: {  	_ =	shalt  }
.Lfunc_end0:
.L_simem_size_0:
called_computation.1_lowered:
.L_overlay_start_0:
0x88: {  	s2 =	sld [smem:$0x3FD9]  }
0x89: {  	s3 =	sld [smem:$0x3FFE];
	_ =	sdelay $0x1  }
0x8a: {  	s1 =	srdreg.scid  }
0x8b: {  	s0 =	sand.u32 $0x1, s1  }
0x8c: {  	s17 =	sshll.u32 s0, $0xA;
	s2 =	sadd.s32 s3, s2  }
0x8d: {  	s2 =	sadd.s32 s2, s17  }
0x8e: {  	[smem:$0x3FC4] =	sst s2  }
0x8f: {  	_ = 	snop  }
0x90: {  	s2 =	sld [smem:$0x3FD0];
	(tm) =	ssettm $0x1  }
0x91: {  	s18 =	sld [smem:$0x3FFB];
	_ =	sdelay $0x3  }
0x92: {  	_ =	strace s18  }
0x93: {  	s3 =	sld [smem:$0x3FFC];
	_ =	sdelay $0x3  }
0x94: {  	_ =	strace s3  }
0x95: {  	s3 =	sld [smem:$0x3FFD];
	_ =	sdelay $0x3  }
0x96: {  	_ =	strace s3  }
0x97: {  	_ =	strace $0x8FFFFFFF  }
0x98: {  	s19 =	sld [smem:$0x3FDB];
	_ =	sdelay $0x1  }
0x99: {  	s4 =	simm.s32 $_scs_section_size  }
0x9a: {  	s5 =	simm.s32 $_size__tile_overlayer_lowered;
	s6 =	simm.s32 $_tile_overlayer_lowered  }
0x9b: {  	s22 =	simm.s32 $0x1BFF;
	s21 =	sshll.u32 s6, $0x1;
	s3 =	sadd.s32 s4, s19  }
0x9c: {  	s7 =	simm.s32 $0x0;
	s20 =	sshll.u32 s5, $0x1;
	s5 =	sadd.s32 s21, s3  }
0x9d: {  	[timem:s7], [sflag:s22] =	dma.local [hbm:s5], s20  }
0x9e: {  	_ =	swait.ge [sflag:s22], s20  }
0x9f: {  	s4 =	ssub.s32 $0x0, s20;
	[sflag:s22] =	ssyncset.done $0x0  }
0xa0: {  	[sflag:s22] =	ssyncadd.s32 s4;
	_ =	sdelay $0x1  }
0xa1: {  	s23 =	simm.s32 $0x1B8B  }
0xa2: {  	_ =	swait.ge [sflag:s23], $0x1  }
0xa3: {  	[sflag:s23] =	ssyncset.done $0x0  }
0xa4: {  	s25 =	simm.s32 $0x1B8E;
	s24 =	sld [smem:$0x3FFE];
	[sflag:s23] =	ssyncadd.s32 $0xFFFFFFFF  }
0xa5: {  	s26 =	simm.s32 $execute0_lowered;
	[smem:$0x3FD2] =	sst s25  }
0xa6: {  	s5 =	sshll.u32 s26, $0x1;
	_ =	strace $0x80000049;
	[dreg:$0x1] =	wrdreg $0xFFFFFFFF  }
0xa7: {  	s28 =	simm.s32 $_size_execute0_lowered;
	s3 =	sadd.s32 s3, s5;
	[dreg:$0x0] =	wrdreg $0x0  }
0xa8: {  	s5 =	sshll.u32 s28, $0x1;
	[dreg:$0x2] =	wrdreg s3  }
0xa9: {  	[dreg:$0x3] =	wrdreg s5  }
0xaa: {  	[dreg:$0x4] =	wrdreg $0xC0  }
0xab: {  	_ =	task [dreg:s7], $0x5FFFF  }
0xac: {  	[dreg:$0x1] =	wrdreg $0xFFFFFFFF  }
0xad: {  	[dreg:$0x0] =	wrdreg $0x60  }
0xae: {  	[dreg:$0x2] =	wrdreg s24  }
0xaf: {  	[dreg:$0x3] =	wrdreg s2  }
0xb0: {  	[dreg:$0x4] =	wrdreg $0xB0000  }
0xb1: {  	[dreg:$0x5] =	wrdreg $0x9  }
0xb2: {  	_ =	task.clear_ibuf [dreg:s7], $0x6FFFF;
	_ =	strace $0x90000049  }
0xb3: {  	s29 =	simm.s32 $0x9;
	_ =	strace $0x8000004B  }
0xb4: {  	_ =	swait.ge [sflag:s29], $0x1  }
0xb5: {  	[sflag:s29] =	ssyncadd.s32 $0xFFFFFFFF  }
0xb6: {  	_ =	strace $0x9000004B  }
0xb7: {  	_ =	sfence  }
0xb8: {  	s30 =	sld [smem:$0x0];
	_ =	sdelay $0x2  }
0xb9: {  	s31 =	sshll.u32 s1, $0xD;
	s1 =	sshrl.u32 s1, $0x2  }
0xba: {  	s3 =	sand.u32 $0x4000, s31;
	s1 =	sadd.s32 s1, s30  }
0xbb: {  	s0 =	sor.u32 s3, s0;
	s1 =	sshll.u32 s1, $0x11  }
0xbc: {  	s0 =	sor.u32 s1, s0  }
0xbd: {  	s0 =	sadd.s32 $0x8F2B, s0  }
0xbe: {  	[sflag:s0] =	ssyncadd.remote.s32 $0x1  }
0xbf: {  	_ =	sfence.sel $0xFFFF  }
0xc0: {  	[dreg:$0x0] =	wrdreg $0xFFFFFFFF;
	(pc) =	sbr.abs _section_cstart, $3  }
0xc1: {  	[dreg:$0x1] =	wrdreg $0xFFFFFFFF  }
0xc2: {  	_ =	task.clear_ibuf [dreg:s7], $0x2FFFF;
	_ =	strace $0x9FFFFFFF  }
0xc3: {  	(tm) =	ssettm $0x7FFFFFFF  }
tec
execute0_lowered:
.L_overlay_start_1:
0x0: {  	(tag) =	ssettag $0x1  }
0x1: {  	s0 =	rddreg [dreg:$0x0]  }
0x2: {  	s10 =	rddreg [dreg:$0x1]  }
0x3: {  	s1 =	srdreg.scid;
	s2 =	rddreg [dreg:$0x2];
	s3 =	simm.s32 $0x0  }
0x4: {  	s29 =	simm.s32 $0x7000;
	s30 =	simm.s32 $0x1;
	s5 =	sand.u32 $0x1, s1  }
0x5: {  	s31 =	simm.s32 $0x2;
	s1 =	stileid.u32;
	s4 =	smul.u32 $0x13C000, s5  }
0x6: {  	s19 =	simm.s32 $0x0;
	[smem:$0x7FF] =	sst s3;
	s6 =	smul.u32 $0x13C00, s1  }
0x7: {  	s7 =	sshll.u32 s1, $0x1;
	_ =	strace $0x8000004A;
	s22 =	smul.u32 $0x4F000, s1  }
0x8: {  	s7 =	sor.u32 s5, s7;
	s5 =	ssub.s32 $0x2, s5;
	s6 =	sadd.s32 s6, s4  }
0x9: {  	s7 =	smul.u32 $0x7D, s7;
	s8 =	sshrl.u32 s5, $0x1;
	s6 =	sshrl.u32 s6, $0x3  }
0xa: {  	s4 =	sadd.s32 $0x1A00, s0;
	s14 =	ssub.s32 s5, s8;
	s0 =	sadd.s32 s6, s0  }
0xb: {  	s9 =	sshrl.u32 s7, $0x5;
	s7 =	sadd.s32 $0x7D, s7;
	s6 =	sshrl.u32 s22, $0x2  }
0xc: {  	s21 =	smax.u32 s14, $0x1;
	s22 =	simm.s32 $0x3000;
	s7 =	sshrl.u32 s7, $0x5  }
0xd: {  	s11 =	smul.u32 $0xC00, s9;
	s5 =	sadd.s32 s6, s2;
	s20 =	sadd.s32 $0x29200, s0  }
0xe: {  	s16 =	ssub.s32 s7, s9;
	s6 =	sadd.s32 $0x4000, s5;
	s7 =	sadd.s32 $0x8000, s5  }
0xf: {  	s8 =	sadd.s32 $0xC000, s5;
	s9 =	sadd.s32 $0x10000, s5;
	s11 =	sshrl.u32 s11, $0x3  }
0x10: {  	p0 =	slt.s32 s16, $0x1;
	p1 =	seq.s32 s16, $0x1;
	s10 =	sadd.s32 s10, s11  }
0x11: {  	p2 =	seq.s32 s16, $0x2;
	p3 =	slt.s32 s16, $0x3;
	s15 =	sadd.s32 $0x300, s10  }
0x12: {  	p4 =	seq.s32 s16, $0x3;
	s23 =	sadd.s32 $0xBE80, s10;
	[dreg:$0x4] =	wrdreg s15  }
0x13: {  	p5 =	seq.s32 s16, $0x4;
	s24 =	sadd.s32 $0x480, s10;
	[dreg:$0x5] =	wrdreg s23  }
.Ltmp0:
0x14: {  	s25 =	sadd.s32 $0xC000, s10;
	[dreg:$0x6] =	wrdreg s24;
	(pc) =	sbr.rel .LBB2_1-.Ltmp0, $4  }
0x15: {  	s11 =	sadd.s32 $0xBB80, s10;
	s26 =	sadd.s32 $0x600, s10;
	[dreg:$0x7] =	wrdreg s25  }
0x16: {  	s12 =	sadd.s32 $0x180, s10;
	s28 =	sadd.s32 $0xC180, s10;
	[dreg:$0x8] =	wrdreg s26  }
0x17: {  	s13 =	sadd.s32 $0xBD00, s10;
	[dreg:$0x9] =	wrdreg s28;
	s23 =	simm.s32 $0x4  }
0x18: {  	v0 =	vimm.f32 $0.0e+00;
	s24 =	simm.s32 $0x1800;
	s25 =	simm.s32 $0x3;
	s26 =	simm.s32 $0x80  }
.LBB2_15:
0x19: {  	[spmem:s2] =	stream.indirect.scatter.add.f32 [tilespmem:s14], [sflag:$0x3], $0x80, s0, s26, $0xb8;
	[tilespmem:$0x1EC00] =	vst v63  }
0x1a: {  	_ =	swait.ge [sflag:s25], $0x4000  }
0x1b: {  	[sflag:s25] =	ssyncset.done $0x0  }
0x1c: {  	s0 =	simm.s32 @!p5 $0x2;
	[sflag:s25] =	ssyncadd.s32 $0xFFFFC000  }
0x1d: {  	_ =	swait.ge @!p5 [sflag:s0], $0xA00  }
0x1e: {  	[sflag:s0] =	ssyncset.done @!p5 $0x0  }
0x1f: {  	[sflag:s0] =	ssyncadd.s32 @!p5 $0xFFFFF600  }
0x20: {  	s14 =	simm.s32 @!p5 $0x1800;
	_ =	swait.ge @!p5 [sflag:s0], $0xA00  }
0x21: {  	s15 =	simm.s32 @!p5 $0x3000;
	s16 =	simm.s32 @!p5 $0x1580;
	[sflag:s0] =	ssyncset.done @!p5 $0x0  }
0x22: {  	s16 =	simm.s32 @p5 $0x1580;
	[sflag:s0] =	ssyncadd.s32 @!p5 $0xFFFFF600;
	s0 =	simm.s32 @!p5 $0x80  }
0x23: {  	[tilespmem:s15], [sflag:$0x1] =	stream.indirect.gather @!p5 [hbm4b:s4+s0], $0x80, s14, s0, $0xb8;
	[tilespmem:$0x1EC00] =	vst v63  }
.LBB2_16:
0x24: {  	_ =	swait.ge [sflag:s30], $0x4000  }
0x25: {  	[sflag:s30] =	ssyncset.done $0x0  }
0x26: {  	[sflag:s30] =	ssyncadd.s32 $0xFFFFC000  }
0x27: {  	[spmem:s2] =	stream.indirect.scatter.add.f32 [tilespmem:s29], [sflag:$0x3], $0x80, s16, s26, $0xb8;
	[tilespmem:$0x1EC00] =	vst v63  }
.LBB2_17:
0x28: {  	_ =	swait.ge [sflag:s25], $0x4000  }
0x29: {  	s0 =	sshll.u32 s1, $0x6;
	s19 =	sadd.s32 $0x1, s19;
	[sflag:s25] =	ssyncset.done $0x0  }
0x2a: {  	s14 =	sshrl.u32 s5, $0x3;
	p6 =	sne.s32 s19, s21;
	[sflag:s25] =	ssyncadd.s32 $0xFFFFC000  }
.Ltmp1:
0x2b: {  	s0 =	sor.u32 $0x1C04, s0;
	[bflag:$0x0] =	sbarrier.arrive $0xFFFF;
	(pc) =	sbr.rel @!p6 .LBB2_18-.Ltmp1, $4  }
0x2c: {  	[hbm:s20], [sflag:s0] =	dma.local [spmem:s14], $0x2780  }
0x2d: {  	_ =	swait.ge [sflag:s23], $0x2780  }
0x2e: {  	[sflag:s23] =	ssyncset.done $0x0  }
0x2f: {  	[sflag:s23] =	ssyncadd.s32 $0xFFFFD880  }
.LBB2_1:
0x30: {  	s0 =	simm.s32 $0x0;
	s16 =	simm.s32 $0x200  }
.LBB2_2:
0x31: {  	p6 =	sne.s32 s16, $0xFE00;
	[tilespmem:s0+$0x3070] =	vst v0  }
0x32: {  	[tilespmem:s0+$0x3000] =	vst v0  }
0x33: {  	[tilespmem:s0+$0x3010] =	vst v0  }
.Ltmp2:
0x34: {  	[tilespmem:s0+$0x3020] =	vst v0;
	(pc) =	sbr.rel @p6 .LBB2_2-.Ltmp2, $4  }
0x35: {  	[tilespmem:s0+$0x3030] =	vst v0  }
0x36: {  	[tilespmem:s0+$0x3040] =	vst v0  }
0x37: {  	[tilespmem:s0+$0x3050] =	vst v0  }
0x38: {  	[tilespmem:s0+$0x3060] =	vst v0;
	s0 =	sshra.s32 s16, $0x2;
	s16 =	sadd.s32 $0x200, s16  }
0x39: {  	[tilespmem:s0+$0x3070] =	vst v0  }
0x3a: {  	[tilespmem:s0+$0x3000] =	vst v0  }
0x3b: {  	[tilespmem:s0+$0x3010] =	vst v0  }
0x3c: {  	[tilespmem:s0+$0x3020] =	vst v0  }
0x3d: {  	[tilespmem:s0+$0x3030] =	vst v0  }
0x3e: {  	[tilespmem:s0+$0x3040] =	vst v0  }
0x3f: {  	[tilespmem:s0+$0x3050] =	vst v0  }
0x40: {  	[tilespmem:s0+$0x3060] =	vst v0  }
0x41: {  	[spmem:s5] =	stream.linear.scatter [tilespmem:s22], [sflag:$0x3], $0x4000, $0x38;
	[tilespmem:$0x1EC00] =	vst v63  }
0x42: {  	_ = 	snop  }
0x43: {  	[spmem:s6] =	stream.linear.scatter [tilespmem:s22], [sflag:$0x3], $0x4000, $0x38;
	[tilespmem:$0x1EC00] =	vst v63  }
0x44: {  	_ = 	snop  }
0x45: {  	[spmem:s7] =	stream.linear.scatter [tilespmem:s22], [sflag:$0x3], $0x4000, $0x38;
	[tilespmem:$0x1EC00] =	vst v63  }
0x46: {  	_ = 	snop  }
0x47: {  	[spmem:s8] =	stream.linear.scatter [tilespmem:s22], [sflag:$0x3], $0x4000, $0x38;
	[tilespmem:$0x1EC00] =	vst v63  }
0x48: {  	_ = 	snop  }
0x49: {  	[spmem:s9] =	stream.linear.scatter [tilespmem:s22], [sflag:$0x3], $0x3C00, $0x38;
	[tilespmem:$0x1EC00] =	vst v63  }
0x4a: {  	_ = 	snop  }
0x4b: {  	[tilespmem:s3], [sflag:$0x4] =	stream.linear.gather [hbm4b:s10+s3], $0xA00, $0x38;
	[tilespmem:$0x1EC00] =	vst v63  }
0x4c: {  	_ =	swait.ge [sflag:s23], $0xA00  }
0x4d: {  	[sflag:s23] =	ssyncset.done $0x0  }
0x4e: {  	[sflag:s23] =	ssyncadd.s32 $0xFFFFF600  }
0x4f: {  	[tilespmem:s24], [sflag:$0x4] =	stream.linear.gather [hbm4b:s11+s3], $0xA00, $0x38;
	[tilespmem:$0x1EC00] =	vst v63  }
0x50: {  	_ =	swait.ge [sflag:s23], $0xA00  }
0x51: {  	[sflag:s23] =	ssyncset.done $0x0  }
0x52: {  	[sflag:s23] =	ssyncadd.s32 $0xFFFFF600  }
0x53: {  	_ =	swait.ge [sflag:s25], $0x4000  }
0x54: {  	[sflag:s25] =	ssyncset.done $0x0  }
0x55: {  	[sflag:s25] =	ssyncadd.s32 $0xFFFFC000  }
0x56: {  	_ =	swait.ge [sflag:s25], $0x4000  }
0x57: {  	[sflag:s25] =	ssyncset.done $0x0  }
0x58: {  	[sflag:s25] =	ssyncadd.s32 $0xFFFFC000  }
0x59: {  	_ =	swait.ge [sflag:s25], $0x4000  }
0x5a: {  	[sflag:s25] =	ssyncset.done $0x0  }
0x5b: {  	[sflag:s25] =	ssyncadd.s32 $0xFFFFC000  }
0x5c: {  	_ =	swait.ge [sflag:s25], $0x4000  }
0x5d: {  	[sflag:s25] =	ssyncset.done $0x0  }
0x5e: {  	[sflag:s25] =	ssyncadd.s32 $0xFFFFC000  }
.Ltmp3:
0x5f: {  	_ =	swait.ge [sflag:s25], $0x3C00;
	(pc) =	sbr.rel @p0 .LBB2_17-.Ltmp3, $4  }
0x60: {  	[sflag:s25] =	ssyncset.done $0x0  }
0x61: {  	[sflag:s25] =	ssyncadd.s32 $0xFFFFC400  }
0x62: {  	[bflag:$0x0] =	sbarrier.arrive $0xFFFF  }
0x63: {  	[tilespmem:s22], [sflag:$0x1] =	stream.indirect.gather [hbm4b:s4+s26], $0x80, s24, s26, $0xb8;
	[tilespmem:$0x1EC00] =	vst v63  }
0x64: {  	s0 =	simm.s32 @!p1 $0x0;
	s14 =	simm.s32 @!p1 $0xC00  }
0x65: {  	[tilespmem:s14], [sflag:$0x2] =	stream.linear.gather @!p1 [hbm4b:s12+s0], $0xA00, $0x38;
	[tilespmem:$0x1EC00] =	vst v63  }
0x66: {  	s14 =	simm.s32 @!p1 $0x2400  }
0x67: {  	[tilespmem:s14], [sflag:$0x2] =	stream.linear.gather @!p1 [hbm4b:s13+s0], $0xA00, $0x38;
	[tilespmem:$0x1EC00] =	vst v63  }
0x68: {  	s16 =	simm.s32 $0x80;
	s15 =	simm.s32 $0x1880  }
0x69: {  	[tilespmem:s29], [sflag:$0x1] =	stream.indirect.gather [hbm4b:s4+s16], $0x80, s15, s16, $0xb8;
	[tilespmem:$0x1EC00] =	vst v63  }
0x6a: {  	_ =	swait.ge [sflag:s30], $0x4000  }
0x6b: {  	[sflag:s30] =	ssyncset.done $0x0  }
0x6c: {  	[sflag:s30] =	ssyncadd.s32 $0xFFFFC000  }
0x6d: {  	[spmem:s2] =	stream.indirect.scatter.add.f32 [tilespmem:s22], [sflag:$0x3], $0x80, s3, s16, $0xb8;
	[tilespmem:$0x1EC00] =	vst v63  }
0x6e: {  	s17 =	simm.s32 $0x8000;
	_ =	swait.ge [sflag:s25], $0x4000  }
0x6f: {  	s0 =	sand.u32 $0x4000, s17;
	[sflag:s25] =	ssyncset.done $0x0  }
0x70: {  	s18 =	simm.s32 $0x1900;
	s0 =	sor.u32 $0x3000, s0;
	[sflag:s25] =	ssyncadd.s32 $0xFFFFC000  }
0x71: {  	[tilespmem:s0], [sflag:$0x1] =	stream.indirect.gather [hbm4b:s4+s26], $0x80, s18, s26, $0xb8;
	[tilespmem:$0x1EC00] =	vst v63  }
0x72: {  	s17 =	simm.s32 $0xC000;
	s15 =	simm.s32 $0x4000;
	_ =	swait.ge [sflag:s30], $0x4000  }
0x73: {  	s18 =	sand.u32 $0x4000, s15;
	s0 =	simm.s32 $0x1980;
	[sflag:s30] =	ssyncset.done $0x0  }
0x74: {  	s28 =	sor.u32 $0x3000, s18;
	s18 =	simm.s32 $0x100;
	[sflag:s30] =	ssyncadd.s32 $0xFFFFC000  }
.LBB2_5:
0x75: {  	[spmem:s2] =	stream.indirect.scatter.add.f32 [tilespmem:s28], [sflag:$0x3], $0x80, s16, s26, $0xb8;
	[tilespmem:$0x1EC00] =	vst v63  }
0x76: {  	s14 =	smov.u32 s17;
	s16 =	smov.u32 s18  }
0x77: {  	p6 =	sne.s32 s17, $0x4C000;
	s17 =	sadd.s32 $0x4000, s17;
	_ =	swait.ge [sflag:s25], $0x4000  }
0x78: {  	s28 =	sand.u32 $0x4000, s14;
	[sflag:s25] =	ssyncset.done $0x0  }
.Ltmp4:
0x79: {  	s28 =	sor.u32 $0x3000, s28;
	[sflag:s25] =	ssyncadd.s32 $0xFFFFC000;
	(pc) =	sbr.rel @p6 .LBB2_5-.Ltmp4, $4  }
0x7a: {  	[tilespmem:s28], [sflag:$0x1] =	stream.indirect.gather [hbm4b:s4+s26], $0x80, s0, s26, $0xb8;
	[tilespmem:$0x1EC00] =	vst v63  }
0x7b: {  	s14 =	sadd.s32 $0xFFFFC000, s14;
	_ =	swait.ge [sflag:s30], $0x4000  }
0x7c: {  	s14 =	sand.u32 $0x4000, s14;
	s0 =	sadd.s32 $0x80, s0;
	[sflag:s30] =	ssyncset.done $0x0  }
0x7d: {  	s18 =	sadd.s32 $0x80, s18;
	s28 =	sor.u32 $0x3000, s14;
	[sflag:s30] =	ssyncadd.s32 $0xFFFFC000  }
.Ltmp5:
0x7e: {  	(pc) =	sbr.rel @p1 .LBB2_16-.Ltmp5, $4  }
0x7f: {  	[spmem:s2] =	stream.indirect.scatter.add.f32 [tilespmem:s28], [sflag:$0x3], $0x80, s16, s26, $0xb8;
	[tilespmem:$0x1EC00] =	vst v63  }
0x80: {  	_ =	swait.ge [sflag:s25], $0x4000  }
0x81: {  	[sflag:s25] =	ssyncset.done $0x0  }
0x82: {  	s16 =	simm.s32 $0x980;
	[sflag:s25] =	ssyncadd.s32 $0xFFFFC000  }
0x83: {  	_ =	swait.ge [sflag:s31], $0xA00  }
0x84: {  	[sflag:s31] =	ssyncset.done $0x0  }
0x85: {  	[sflag:s31] =	ssyncadd.s32 $0xFFFFF600  }
0x86: {  	_ =	swait.ge [sflag:s31], $0xA00  }
0x87: {  	[sflag:s31] =	ssyncset.done $0x0  }
0x88: {  	s0 =	simm.s32 $0x2400;
	[sflag:s31] =	ssyncadd.s32 $0xFFFFF600  }
0x89: {  	[tilespmem:s22], [sflag:$0x1] =	stream.indirect.gather [hbm4b:s4+s26], $0x80, s0, s26, $0xb8;
	[tilespmem:$0x1EC00] =	vst v63  }
0x8a: {  	_ =	swait.ge [sflag:s30], $0x4000  }
0x8b: {  	[sflag:s30] =	ssyncset.done $0x0  }
0x8c: {  	s18 =	simm.s32 $0x980;
	[sflag:s30] =	ssyncadd.s32 $0xFFFFC000  }
0x8d: {  	[spmem:s2] =	stream.indirect.scatter.add.f32 [tilespmem:s29], [sflag:$0x3], $0x80, s18, s26, $0xb8;
	[tilespmem:$0x1EC00] =	vst v63  }
0x8e: {  	s0 =	simm.s32 @!p2 $0x0;
	s14 =	rddreg [dreg:$0x4]  }
0x8f: {  	[tilespmem:s0], [sflag:$0x2] =	stream.linear.gather @!p2 [hbm4b:s14+s0], $0xA00, $0x38;
	[tilespmem:$0x1EC00] =	vst v63  }
0x90: {  	s15 =	rddreg [dreg:$0x5];
	s14 =	simm.s32 @!p2 $0x1800  }
0x91: {  	[tilespmem:s14], [sflag:$0x2] =	stream.linear.gather @!p2 [hbm4b:s15+s0], $0xA00, $0x38;
	[tilespmem:$0x1EC00] =	vst v63  }
0x92: {  	s17 =	simm.s32 $0x4000;
	_ =	swait.ge [sflag:s25], $0x4000  }
0x93: {  	s14 =	sand.u32 $0x4000, s17;
	[sflag:s25] =	ssyncset.done $0x0  }
0x94: {  	s15 =	simm.s32 $0x2480;
	s0 =	sor.u32 $0x3000, s14;
	[sflag:s25] =	ssyncadd.s32 $0xFFFFC000  }
0x95: {  	[tilespmem:s0], [sflag:$0x1] =	stream.indirect.gather [hbm4b:s4+s26], $0x80, s15, s26, $0xb8;
	[tilespmem:$0x1EC00] =	vst v63  }
0x96: {  	s28 =	simm.s32 $0xC80;
	s18 =	simm.s32 $0x0;
	_ =	swait.ge [sflag:s30], $0x4000  }
0x97: {  	s14 =	sand.u32 $0x4000, s18;
	s18 =	simm.s32 $0x2500;
	[sflag:s30] =	ssyncset.done $0x0  }
0x98: {  	s14 =	sor.u32 $0x3000, s14;
	s0 =	simm.s32 $0xC00;
	[sflag:s30] =	ssyncadd.s32 $0xFFFFC000  }
.LBB2_8:
0x99: {  	[spmem:s2] =	stream.indirect.scatter.add.f32 [tilespmem:s14], [sflag:$0x3], $0x80, s0, s26, $0xb8;
	[tilespmem:$0x1EC00] =	vst v63  }
0x9a: {  	s14 =	smov.u32 s17;
	s0 =	smov.u32 s28  }
0x9b: {  	p6 =	sne.s32 s17, $0x48000;
	s17 =	sadd.s32 $0x4000, s17;
	_ =	swait.ge [sflag:s25], $0x4000  }
0x9c: {  	s15 =	sand.u32 $0x4000, s17;
	[sflag:s25] =	ssyncset.done $0x0  }
.Ltmp6:
0x9d: {  	s15 =	sor.u32 $0x3000, s15;
	[sflag:s25] =	ssyncadd.s32 $0xFFFFC000;
	(pc) =	sbr.rel @p6 .LBB2_8-.Ltmp6, $4  }
0x9e: {  	[tilespmem:s15], [sflag:$0x1] =	stream.indirect.gather [hbm4b:s4+s26], $0x80, s18, s26, $0xb8;
	[tilespmem:$0x1EC00] =	vst v63  }
0x9f: {  	_ =	swait.ge [sflag:s30], $0x4000  }
0xa0: {  	s14 =	sand.u32 $0x4000, s14;
	s18 =	sadd.s32 $0x80, s18;
	[sflag:s30] =	ssyncset.done $0x0  }
0xa1: {  	s28 =	sadd.s32 $0x80, s28;
	s14 =	sor.u32 $0x3000, s14;
	[sflag:s30] =	ssyncadd.s32 $0xFFFFC000  }
0xa2: {  	[spmem:s2] =	stream.indirect.scatter.add.f32 [tilespmem:s14], [sflag:$0x3], $0x80, s0, s26, $0xb8;
	[tilespmem:$0x1EC00] =	vst v63  }
0xa3: {  	_ =	swait.ge [sflag:s25], $0x4000  }
0xa4: {  	[sflag:s25] =	ssyncset.done $0x0  }
0xa5: {  	s0 =	simm.s32 @!p2 $0x2;
	[sflag:s25] =	ssyncadd.s32 $0xFFFFC000  }
0xa6: {  	_ =	swait.ge @!p2 [sflag:s0], $0xA00  }
0xa7: {  	[sflag:s0] =	ssyncset.done @!p2 $0x0  }
0xa8: {  	[sflag:s0] =	ssyncadd.s32 @!p2 $0xFFFFF600  }
0xa9: {  	_ =	swait.ge @!p2 [sflag:s0], $0xA00  }
0xaa: {  	s14 =	simm.s32 @!p2 $0x1800;
	[sflag:s0] =	ssyncset.done @!p2 $0x0  }
0xab: {  	s15 =	simm.s32 @!p2 $0x3000;
	[sflag:s0] =	ssyncadd.s32 @!p2 $0xFFFFF600;
	s0 =	simm.s32 @!p2 $0x80  }
0xac: {  	[tilespmem:s15], [sflag:$0x1] =	stream.indirect.gather @!p2 [hbm4b:s4+s0], $0x80, s14, s0, $0xb8;
	[tilespmem:$0x1EC00] =	vst v63  }
.Ltmp7:
0xad: {  	_ = 	snop;
	(pc) =	sbr.rel @p3 .LBB2_17-.Ltmp7, $4  }
0xae: {  	_ =	swait.ge [sflag:s30], $0x4000  }
0xaf: {  	[sflag:s30] =	ssyncset.done $0x0  }
0xb0: {  	s28 =	simm.s32 $0x1580;
	[sflag:s30] =	ssyncadd.s32 $0xFFFFC000  }
0xb1: {  	[spmem:s2] =	stream.indirect.scatter.add.f32 [tilespmem:s29], [sflag:$0x3], $0x80, s28, s26, $0xb8;
	[tilespmem:$0x1EC00] =	vst v63  }
0xb2: {  	s0 =	simm.s32 @!p4 $0x0;
	s14 =	simm.s32 @!p4 $0xC00;
	s15 =	rddreg [dreg:$0x6]  }
0xb3: {  	[tilespmem:s14], [sflag:$0x2] =	stream.linear.gather @!p4 [hbm4b:s15+s0], $0xA00, $0x38;
	[tilespmem:$0x1EC00] =	vst v63  }
0xb4: {  	s14 =	simm.s32 @!p4 $0x2400;
	s15 =	rddreg [dreg:$0x7]  }
0xb5: {  	[tilespmem:s14], [sflag:$0x2] =	stream.linear.gather @!p4 [hbm4b:s15+s0], $0xA00, $0x38;
	[tilespmem:$0x1EC00] =	vst v63  }
0xb6: {  	s17 =	simm.s32 $0x4000;
	_ =	swait.ge [sflag:s25], $0x4000  }
0xb7: {  	s15 =	sand.u32 $0x4000, s17;
	[sflag:s25] =	ssyncset.done $0x0  }
0xb8: {  	s18 =	simm.s32 $0x1880;
	s0 =	sor.u32 $0x3000, s15;
	[sflag:s25] =	ssyncadd.s32 $0xFFFFC000  }
0xb9: {  	[tilespmem:s0], [sflag:$0x1] =	stream.indirect.gather [hbm4b:s4+s26], $0x80, s18, s26, $0xb8;
	[tilespmem:$0x1EC00] =	vst v63  }
0xba: {  	s0 =	simm.s32 $0x0;
	_ =	swait.ge [sflag:s30], $0x4000  }
0xbb: {  	s28 =	simm.s32 $0x80;
	s15 =	sand.u32 $0x4000, s0;
	[sflag:s30] =	ssyncset.done $0x0  }
0xbc: {  	s18 =	simm.s32 $0x1900;
	s14 =	sor.u32 $0x3000, s15;
	[sflag:s30] =	ssyncadd.s32 $0xFFFFC000  }
.LBB2_11:
0xbd: {  	[spmem:s2] =	stream.indirect.scatter.add.f32 [tilespmem:s14], [sflag:$0x3], $0x80, s0, s26, $0xb8;
	[tilespmem:$0x1EC00] =	vst v63  }
0xbe: {  	s14 =	smov.u32 s17;
	s0 =	smov.u32 s28  }
0xbf: {  	p6 =	sne.s32 s17, $0x48000;
	s17 =	sadd.s32 $0x4000, s17;
	_ =	swait.ge [sflag:s25], $0x4000  }
0xc0: {  	s15 =	sand.u32 $0x4000, s17;
	[sflag:s25] =	ssyncset.done $0x0  }
.Ltmp8:
0xc1: {  	s15 =	sor.u32 $0x3000, s15;
	[sflag:s25] =	ssyncadd.s32 $0xFFFFC000;
	(pc) =	sbr.rel @p6 .LBB2_11-.Ltmp8, $4  }
0xc2: {  	[tilespmem:s15], [sflag:$0x1] =	stream.indirect.gather [hbm4b:s4+s26], $0x80, s18, s26, $0xb8;
	[tilespmem:$0x1EC00] =	vst v63  }
0xc3: {  	_ =	swait.ge [sflag:s30], $0x4000  }
0xc4: {  	s14 =	sand.u32 $0x4000, s14;
	s18 =	sadd.s32 $0x80, s18;
	[sflag:s30] =	ssyncset.done $0x0  }
0xc5: {  	s28 =	sadd.s32 $0x80, s28;
	s14 =	sor.u32 $0x3000, s14;
	[sflag:s30] =	ssyncadd.s32 $0xFFFFC000  }
.Ltmp9:
0xc6: {  	(pc) =	sbr.rel @p4 .LBB2_16-.Ltmp9, $4  }
0xc7: {  	[spmem:s2] =	stream.indirect.scatter.add.f32 [tilespmem:s14], [sflag:$0x3], $0x80, s0, s26, $0xb8;
	[tilespmem:$0x1EC00] =	vst v63  }
0xc8: {  	_ =	swait.ge [sflag:s25], $0x4000  }
0xc9: {  	[sflag:s25] =	ssyncset.done $0x0  }
0xca: {  	[sflag:s25] =	ssyncadd.s32 $0xFFFFC000  }
0xcb: {  	_ =	swait.ge [sflag:s31], $0xA00  }
0xcc: {  	[sflag:s31] =	ssyncset.done $0x0  }
0xcd: {  	[sflag:s31] =	ssyncadd.s32 $0xFFFFF600  }
0xce: {  	_ =	swait.ge [sflag:s31], $0xA00  }
0xcf: {  	[sflag:s31] =	ssyncset.done $0x0  }
0xd0: {  	s0 =	simm.s32 $0x2400;
	[sflag:s31] =	ssyncadd.s32 $0xFFFFF600  }
0xd1: {  	[tilespmem:s22], [sflag:$0x1] =	stream.indirect.gather [hbm4b:s4+s26], $0x80, s0, s26, $0xb8;
	[tilespmem:$0x1EC00] =	vst v63  }
0xd2: {  	_ =	swait.ge [sflag:s30], $0x4000  }
0xd3: {  	[sflag:s30] =	ssyncset.done $0x0  }
0xd4: {  	s16 =	simm.s32 $0x980;
	[sflag:s30] =	ssyncadd.s32 $0xFFFFC000  }
0xd5: {  	[spmem:s2] =	stream.indirect.scatter.add.f32 [tilespmem:s29], [sflag:$0x3], $0x80, s16, s26, $0xb8;
	[tilespmem:$0x1EC00] =	vst v63  }
0xd6: {  	s0 =	simm.s32 @!p5 $0x0;
	s14 =	rddreg [dreg:$0x8]  }
0xd7: {  	[tilespmem:s0], [sflag:$0x2] =	stream.linear.gather @!p5 [hbm4b:s14+s0], $0xA00, $0x38;
	[tilespmem:$0x1EC00] =	vst v63  }
0xd8: {  	s15 =	rddreg [dreg:$0x9];
	s14 =	simm.s32 @!p5 $0x1800  }
0xd9: {  	[tilespmem:s14], [sflag:$0x2] =	stream.linear.gather @!p5 [hbm4b:s15+s0], $0xA00, $0x38;
	[tilespmem:$0x1EC00] =	vst v63  }
0xda: {  	s16 =	simm.s32 $0x4000;
	_ =	swait.ge [sflag:s25], $0x4000  }
0xdb: {  	s18 =	simm.s32 $0x2480;
	s17 =	sand.u32 $0x4000, s16;
	[sflag:s25] =	ssyncset.done $0x0  }
0xdc: {  	s28 =	simm.s32 $0x0;
	s0 =	sor.u32 $0x3000, s17;
	[sflag:s25] =	ssyncadd.s32 $0xFFFFC000  }
0xdd: {  	[tilespmem:s0], [sflag:$0x1] =	stream.indirect.gather [hbm4b:s4+s26], $0x80, s18, s26, $0xb8;
	[tilespmem:$0x1EC00] =	vst v63  }
0xde: {  	s14 =	sand.u32 $0x4000, s28;
	_ =	swait.ge [sflag:s30], $0x4000  }
0xdf: {  	s17 =	simm.s32 $0x2500;
	s14 =	sor.u32 $0x3000, s14;
	[sflag:s30] =	ssyncset.done $0x0  }
0xe0: {  	s0 =	simm.s32 $0xC00;
	s18 =	simm.s32 $0xC80;
	[sflag:s30] =	ssyncadd.s32 $0xFFFFC000  }
.LBB2_14:
0xe1: {  	[spmem:s2] =	stream.indirect.scatter.add.f32 [tilespmem:s14], [sflag:$0x3], $0x80, s0, s26, $0xb8;
	[tilespmem:$0x1EC00] =	vst v63  }
0xe2: {  	s14 =	smov.u32 s16;
	s0 =	smov.u32 s18  }
0xe3: {  	p6 =	sne.s32 s16, $0x48000;
	s16 =	sadd.s32 $0x4000, s16;
	_ =	swait.ge [sflag:s25], $0x4000  }
0xe4: {  	s15 =	sand.u32 $0x4000, s16;
	[sflag:s25] =	ssyncset.done $0x0  }
.Ltmp10:
0xe5: {  	s15 =	sor.u32 $0x3000, s15;
	[sflag:s25] =	ssyncadd.s32 $0xFFFFC000;
	(pc) =	sbr.rel @p6 .LBB2_14-.Ltmp10, $4  }
0xe6: {  	[tilespmem:s15], [sflag:$0x1] =	stream.indirect.gather [hbm4b:s4+s26], $0x80, s17, s26, $0xb8;
	[tilespmem:$0x1EC00] =	vst v63  }
0xe7: {  	_ =	swait.ge [sflag:s30], $0x4000  }
0xe8: {  	s14 =	sand.u32 $0x4000, s14;
	s17 =	sadd.s32 $0x80, s17;
	[sflag:s30] =	ssyncset.done $0x0  }
0xe9: {  	s18 =	sadd.s32 $0x80, s18;
	s14 =	sor.u32 $0x3000, s14;
	[sflag:s30] =	ssyncadd.s32 $0xFFFFC000  }
.Ltmp11:
0xea: {  	_ = 	snop;
	(pc) =	sbr.rel .LBB2_15-.Ltmp11, $1  }
0xeb: {  	_ =	sdelay $0x3  }
.LBB2_18:
0xec: {  	_ =	sfence.sel $0x180000  }
0xed: {  	[bflag:$0x0] =	sbarrier.arrive $0xFFFF  }
0xee: {  	_ =	strace $0x9000004A  }
0xef: {  	[bflag:$0x2] =	sbarrier.arrive $0xFFFF  }
0xf0: {  	p0 =	sne.s32 s1, $0x0;
	s0 =	rddreg [dreg:$0x3]  }
0xf1: {  	s0 =	sadd.s32 @!p0 $0x100000, s0  }
0xf2: {  	[sflag:s0] =	ssyncadd.tile.s32 @!p0 $0x1;
	_ =	shalt  }
.Lfunc_end2:
_tile_overlayer_lowered:
.L_overlay_start_2:
0xf3: {  	(tag) =	ssettag $0x2  }
0xf4: {  	s0 =	rddreg [dreg:$0x0];
	s2 =	stileid.u32  }
0xf5: {  	s1 =	rddreg [dreg:$0x1];
	p0 =	sne.s32 s2, $0x0  }
0xf6: {  	s3 =	rddreg [dreg:$0x2];
	[bflag:$0x3] =	sbarrier.arrive $0xFFFF;
	s2 =	simm.s32 @!p0 $0x1C04  }
0xf7: {  	[timem:s3], [sflag:s2] =	dma.local @!p0 [hbm:s0], s1  }
0xf8: {  	s0 =	simm.s32 @!p0 $0x4  }
0xf9: {  	_ =	swait.ge @!p0 [sflag:s0], s1  }
0xfa: {  	s1 =	ssub.s32 @!p0 $0x0, s1;
	[sflag:s0] =	ssyncset.done @!p0 $0x0  }
0xfb: {  	[sflag:s0] =	ssyncadd.s32 @!p0 s1  }
0xfc: {  	[bflag:$0x3] =	sbarrier.arrive $0xFFFF  }
0xfd: {  	_ =	shalt  }

</sc_bundles>
